<compile_context>
chip_gen: v7x
topology: tpu7x:2x2x1
jax: 0.10.2.dev20260603
libtpu: 0.0.44.dev20260713+nightly
codegen_flags: <defaults>
</compile_context>

<pallas_src>
import functools
import math

import jax
import jax.numpy as jnp
import numpy as np
from jax import lax
from jax.experimental import pallas as pl
from jax.experimental.pallas import tpu as pltpu
from jax.experimental.pallas import tpu_sc as plsc

_MULS = (128, 64, 32)
_LS = (0, 1, 2)
_DIM = sum(m * (2 * l + 1) for m, l in zip(_MULS, _LS))
_EPS = 1e-05
_LANES = 16
_NVEC = _DIM // _LANES

_irrep_of_channel = []
_group_span = []
_scalar_channels = []
_off = 0
_irrep = 0
for _g, (_m, _l) in enumerate(zip(_MULS, _LS)):
    _d = 2 * _l + 1
    _group_span.append((_off, _m * _d))
    for _ in range(_m):
        _irrep_of_channel += [_irrep] * _d
        _irrep += 1
    if _l == 0:
        _scalar_channels += list(range(_off, _off + _m))
    _off += _m * _d
_IRREP_OF_CHANNEL = np.asarray(_irrep_of_channel, np.int32)
_SCALAR_CHANNELS = np.asarray(_scalar_channels, np.int32)
_N_SCALAR = len(_scalar_channels)
_SCALAR_NVEC = _N_SCALAR // _LANES

_GROUP_OF_VEC = []
for _j in range(_NVEC):
    _c = _j * _LANES
    for _gi, (_s, _n) in enumerate(_group_span):
        if _s <= _c < _s + _n:
            _GROUP_OF_VEC.append(_gi)
            break
_GROUP_SIZES = [n for (_, n) in _group_span]

_NW = 32
_C = 56
_NBUF = 2
_RB = 8


def _vrsqrt(x):
    i = lax.bitcast_convert_type(x, jnp.int32)
    i = jnp.int32(0x5F3759DF) - (i >> 1)
    y = lax.bitcast_convert_type(i, jnp.float32)
    for _ in range(2):
        y = y * (1.5 - 0.5 * x * y * y)
    return y


def _sc_body(x_hbm, w_hbm, b_hbm, out_hbm, inb, outb, wv, bv, sin, sout,
             *, q, r, nchunks):
    cid = lax.axis_index("c")
    sid = lax.axis_index("s")
    wid = sid * 2 + cid
    start = (wid * q + jnp.minimum(wid, r)) * _RB
    cnt = (q + jnp.where(wid < r, 1, 0)) * _RB

    pltpu.sync_copy(w_hbm, wv)
    pltpu.sync_copy(b_hbm, bv)

    def base_of(k):
        return start + jnp.minimum(k * _C, cnt - _C)

    def compute_chunk(kk, b):
        kk = jnp.asarray(kk, jnp.int32)
        nb = (b + _NBUF - 1) % _NBUF

        @pl.when(kk + (_NBUF - 1) < nchunks)
        def _prefetch():
            pltpu.async_copy(
                x_hbm.at[pl.ds(base_of(kk + (_NBUF - 1)), _C)],
                inb.at[pl.ds(nb * _C, _C)], sin.at[nb])

        pltpu.make_async_copy(
            x_hbm.at[pl.ds(base_of(kk), _C)],
            inb.at[pl.ds(b * _C, _C)], sin.at[b]).wait()

        @pl.when(kk >= _NBUF)
        def _reclaim():
            pltpu.make_async_copy(
                outb.at[pl.ds(b * _C, _C)],
                out_hbm.at[pl.ds(base_of(kk), _C)], sout.at[b]).wait()

        rbase = b * _C

        def _treesum(vals):
            vals = list(vals)
            while len(vals) > 1:
                nxt = [vals[t] + vals[t + 1] for t in range(0, len(vals) - 1, 2)]
                if len(vals) % 2:
                    nxt.append(vals[-1])
                vals = nxt
            return vals[0]

        @plsc.parallel_loop(0, _C, 1, unroll=4)
        def row(i):
            ri = rbase + i
            xs0 = [inb[ri, pl.ds(16 * j, 16)] for j in range(_SCALAR_NVEC)]
            s = _treesum(xs0)
            q0 = _treesum([v * v for v in xs0])
            qg = []
            for g in range(1, len(_GROUP_SIZES)):
                acc = [None, None]
                for t, j in enumerate(jj for jj in range(_NVEC)
                                      if _GROUP_OF_VEC[jj] == g):
                    v = inb[ri, pl.ds(16 * j, 16)]
                    sq = v * v
                    p = t % 2
                    acc[p] = sq if acc[p] is None else acc[p] + sq
                qg.append(acc[0] + acc[1])
            m = jnp.sum(s) * (1.0 / _N_SCALAR)
            var = [jnp.sum(q0) * (1.0 / _GROUP_SIZES[0]) - m * m + _EPS]
            var += [jnp.sum(qg[g - 1]) * (1.0 / _GROUP_SIZES[g]) + _EPS
                    for g in range(1, len(_GROUP_SIZES))]
            rg = [_vrsqrt(jnp.full((_LANES,), v, jnp.float32)) for v in var]
            for j in range(_NVEC):
                g = _GROUP_OF_VEC[j]
                v = xs0[j] if j < _SCALAR_NVEC else inb[ri, pl.ds(16 * j, 16)]
                rw = rg[g] * wv[pl.ds(16 * j, 16)]
                if j < _SCALAR_NVEC:
                    o = (v - m) * rw + bv[pl.ds(16 * j, 16)]
                else:
                    o = v * rw
                outb[ri, pl.ds(16 * j, 16)] = o

        pltpu.async_copy(
            outb.at[pl.ds(b * _C, _C)],
            out_hbm.at[pl.ds(base_of(kk), _C)], sout.at[b])

    for kk in range(min(_NBUF - 1, nchunks)):
        pltpu.async_copy(
            x_hbm.at[pl.ds(base_of(kk), _C)],
            inb.at[pl.ds(kk * _C, _C)], sin.at[kk])

    def ring(kg, carry):
        for b in range(_NBUF):
            compute_chunk(kg * _NBUF + b, b)
        return carry

    lax.fori_loop(0, nchunks // _NBUF, ring, 0)
    for kk in range((nchunks // _NBUF) * _NBUF, nchunks):
        compute_chunk(kk, kk % _NBUF)

    for kk in range(max(0, nchunks - _NBUF), nchunks):
        bb = kk % _NBUF
        pltpu.make_async_copy(
            outb.at[pl.ds(bb * _C, _C)],
            out_hbm.at[pl.ds(base_of(jnp.int32(kk)), _C)],
            sout.at[bb]).wait()


@functools.cache
def _build(n_rows):
    assert n_rows % _RB == 0, "row count must be a multiple of the HBM row tile"
    q, r = divmod(n_rows // _RB, _NW)
    max_cnt = (q + (1 if r else 0)) * _RB
    nchunks = math.ceil(max_cnt / _C)
    mesh = plsc.VectorSubcoreMesh(core_axis_name="c", subcore_axis_name="s")
    return pl.kernel(
        functools.partial(_sc_body, q=q, r=r, nchunks=nchunks),
        out_type=jax.ShapeDtypeStruct((n_rows, _DIM), jnp.float32),
        mesh=mesh,
        compiler_params=pltpu.CompilerParams(needs_layout_passes=False),
        scratch_types=[
            pltpu.VMEM((_NBUF * _C, _DIM), jnp.float32),
            pltpu.VMEM((_NBUF * _C, _DIM), jnp.float32),
            pltpu.VMEM((_DIM,), jnp.float32),
            pltpu.VMEM((_DIM,), jnp.float32),
            pltpu.SemaphoreType.DMA((_NBUF,)),
            pltpu.SemaphoreType.DMA((_NBUF,)),
        ],
    )


@jax.jit
def kernel(x, weight, bias):
    w_full = weight[_IRREP_OF_CHANNEL]
    b_full = jnp.zeros((_DIM,), x.dtype).at[_SCALAR_CHANNELS].set(bias)
    return _build(x.shape[0])(x, w_full, b_full)

# --- scband reference (transcript-rebuilt; emitter-appended) ---
"""Pipeline reference for scband-equivariant-layer-norm-72541997630029 (READ-ONLY COPY).

The authoritative reference and input builder live on the scoring server;
editing this copy changes nothing except your own understanding.
"""

import jax, jax.numpy as jnp
import numpy as np

# irreps = 128x0e + 64x1e + 32x2e
MULS = [128, 64, 32]
LS = [0, 1, 2]
DIM = sum(m * (2 * l + 1) for m, l in zip(MULS, LS))  # 480
N_IRREPS = sum(MULS)  # 224
EPS = 1e-05

def _build_indices():
    group_idx = []
    irrep_idx = []
    scalar_idx = []
    scalar_group = []
    irrep = 0
    offset = 0
    sgroup = 0
    for g, (m, l) in enumerate(zip(MULS, LS)):
        d = 2 * l + 1
        group_idx += [g] * (m * d)
        for _ in range(m):
            irrep_idx += [irrep] * d
            irrep += 1
        if l == 0:
            scalar_idx += list(range(offset, offset + m))
            scalar_group += [sgroup] * m
            sgroup += 1
        offset += m * d
    return (np.asarray(group_idx, np.int32), np.asarray(irrep_idx, np.int32),
            np.asarray(scalar_idx, np.int32), np.asarray(scalar_group, np.int32), sgroup)

GROUP_IDX, IRREP_IDX, SCALAR_IDX, SCALAR_GROUP, N_SGROUP = _build_indices()
N_GROUPS = len(MULS)
SCALAR_DIM = len(SCALAR_IDX)  # 128

def _scatter_mean_last(src, index, size):
    s = jnp.zeros(src.shape[:-1] + (size,), src.dtype).at[..., index].add(src)
    c = jnp.zeros((size,), src.dtype).at[index].add(1.0)
    return s / c

def setup_inputs(seed: int = 0):
    key = jax.random.key(seed)
    x = jax.random.normal(key, (50000, DIM), dtype=jnp.float32)
    weight = jnp.ones((N_IRREPS,), dtype=jnp.float32)
    bias = jnp.zeros((SCALAR_DIM,), dtype=jnp.float32)
    return {"x": x, "weight": weight, "bias": bias}

def reference(x, weight, bias):
    def _apply(xb):
        # 1) subtract per-scalar-group mean from l=0 components only
        scalar = xb[..., SCALAR_IDX]
        sm = _scatter_mean_last(scalar, SCALAR_GROUP, N_SGROUP)
        sm = sm[..., SCALAR_GROUP]
        sm_full = jnp.zeros_like(xb).at[..., SCALAR_IDX].set(sm)
        xc = xb - sm_full
        # 2) component normalization: mean of squares per irreps group
        var = jnp.square(xc)
        var = _scatter_mean_last(var, GROUP_IDX, N_GROUPS)
        rnorm = jax.lax.rsqrt(var + EPS)
        rnorm = rnorm[..., GROUP_IDX]
        # 3) irrepwise multiply by weight (one scalar per irrep instance)
        rnorm = rnorm * weight[IRREP_IDX]
        out = xc * rnorm
        # 4) add bias on scalar (l=0) channels
        bias_full = jnp.zeros((DIM,), out.dtype).at[SCALAR_IDX].set(bias)
        out = out + bias_full
        return out

    n = x.shape[0]
    chunk = int(np.gcd(n, 1000))
    xr = x.reshape(n // chunk, chunk, DIM)
    out = jax.lax.map(_apply, xr)
    return out.reshape(n, DIM)

if __name__ == "__main__":
    import jax
    _d = setup_inputs()
    print(jax.jit(kernel)(*tuple(_d.values())))

</pallas_src>

<mosaic_0001>
#map = affine_map<(d0, d1) -> (0, 0)>
#map1 = affine_map<(d0, d1) -> (0)>
module attributes {stable_mosaic.version = 14 : i64} {
  func.func @_sc_body(%arg0: i32, %arg1: i32, %arg2: memref<50000x480xf32, #tpu.memory_space<hbm>>, %arg3: memref<480xf32, #tpu.memory_space<hbm>>, %arg4: memref<480xf32, #tpu.memory_space<hbm>>, %arg5: memref<50000x480xf32, #tpu.memory_space<hbm>>, %arg6: memref<112x480xf32, #tpu.memory_space<vmem>>, %arg7: memref<112x480xf32, #tpu.memory_space<vmem>>, %arg8: memref<480xf32, #tpu.memory_space<vmem>>, %arg9: memref<480xf32, #tpu.memory_space<vmem>>, %arg10: memref<2x!tpu.dma_semaphore, #tpu.memory_space<semaphore_mem>>, %arg11: memref<2x!tpu.dma_semaphore, #tpu.memory_space<semaphore_mem>>) attributes {dimension_semantics = [#tpu.dimension_semantics<core_parallel>, #tpu.dimension_semantics<subcore_parallel>], iteration_bounds = array<i64: 2, 16>, scalar_prefetch = 0 : i64, scratch_operands = 6 : i64, tpu.core_type = #tpu.core_type<sc_vector_subcore>, window_params = [{transform_indices = #map}, {transform_indices = #map1}, {transform_indices = #map1}, {transform_indices = #map}]} {
    %mul3A = arith.constant 2 : i32
    %mul3A_0 = arith.muli %arg1, %mul3A : i32
    %add3A = arith.addi %mul3A_0, %arg0 : i32
    %mul3A_1 = arith.constant 195 : i32
    %mul3A_2 = arith.muli %add3A, %mul3A_1 : i32
    %min3A = arith.constant 10 : i32
    %min3A_3 = arith.minsi %add3A, %min3A : i32
    %add3A_4 = arith.addi %mul3A_2, %min3A_3 : i32
    %mul3A_5 = arith.constant 8 : i32
    %mul3A_6 = arith.muli %add3A_4, %mul3A_5 : i32
    %lt3A = arith.constant 10 : i32
    %lt3A_7 = arith.cmpi slt, %add3A, %lt3A : i32
    %jit3A = arith.constant 1 : i32
    %jit3A_8 = arith.constant 0 : i32
    %select_n3A = arith.select %lt3A_7, %jit3A, %jit3A_8 : i32
    %add3A_9 = arith.constant 195 : i32
    %add3A_10 = arith.addi %add3A_9, %select_n3A : i32
    %mul3A_11 = arith.constant 8 : i32
    %mul3A_12 = arith.muli %add3A_10, %mul3A_11 : i32
    "tpu.region"() ({
      %run_scoped3A = tpu.sem_alloc : memref<!tpu.dma_semaphore, #tpu.memory_space<semaphore_mem>>
      tpu.enqueue_dma source(%arg3 : memref<480xf32, #tpu.memory_space<hbm>>) target(%arg8 : memref<480xf32, #tpu.memory_space<vmem>>) target_semaphore(%run_scoped3A : memref<!tpu.dma_semaphore, #tpu.memory_space<semaphore_mem>>)
      tpu.wait_dma2 semaphore(%run_scoped3A : memref<!tpu.dma_semaphore, #tpu.memory_space<semaphore_mem>>) src(%arg3 : memref<480xf32, #tpu.memory_space<hbm>>) dst(%arg8 : memref<480xf32, #tpu.memory_space<vmem>>)
      tpu.yield
    }) : () -> ()
    "tpu.region"() ({
      %run_scoped3A = tpu.sem_alloc : memref<!tpu.dma_semaphore, #tpu.memory_space<semaphore_mem>>
      tpu.enqueue_dma source(%arg4 : memref<480xf32, #tpu.memory_space<hbm>>) target(%arg9 : memref<480xf32, #tpu.memory_space<vmem>>) target_semaphore(%run_scoped3A : memref<!tpu.dma_semaphore, #tpu.memory_space<semaphore_mem>>)
      tpu.wait_dma2 semaphore(%run_scoped3A : memref<!tpu.dma_semaphore, #tpu.memory_space<semaphore_mem>>) src(%arg4 : memref<480xf32, #tpu.memory_space<hbm>>) dst(%arg9 : memref<480xf32, #tpu.memory_space<vmem>>)
      tpu.yield
    }) : () -> ()
    %sub3A = arith.constant 56 : i32
    %sub3A_13 = arith.subi %mul3A_12, %sub3A : i32
    %min3A_14 = arith.constant 0 : i32
    %min3A_15 = arith.minsi %min3A_14, %sub3A_13 : i32
    %add3A_16 = arith.addi %mul3A_6, %min3A_15 : i32
    %dma_start3A = arith.constant 0 : i32
    %dma_start3A_17 = arith.constant 0 : i32
    %dma_start3A_18 = arith.constant 0 : i32
    %dma_start3A_19 = tpu.memref_slice %arg6[%dma_start3A_17, %dma_start3A_18] : memref<112x480xf32, #tpu.memory_space<vmem>> -> memref<56x480xf32, #tpu.memory_space<vmem>>
    %dma_start3A_20 = arith.constant 0 : i32
    %dma_start3A_21 = tpu.memref_slice %arg2[%add3A_16, %dma_start3A_20] : memref<50000x480xf32, #tpu.memory_space<hbm>> -> memref<56x480xf32, #tpu.memory_space<hbm>>
    %dma_start3A_22 = tpu.memref_slice %arg10[%dma_start3A] : memref<2x!tpu.dma_semaphore, #tpu.memory_space<semaphore_mem>> -> memref<1x!tpu.dma_semaphore, #tpu.memory_space<semaphore_mem>>
    %dma_start3A_23 = tpu.memref_squeeze %dma_start3A_22 : memref<1x!tpu.dma_semaphore, #tpu.memory_space<semaphore_mem>> -> memref<!tpu.dma_semaphore, #tpu.memory_space<semaphore_mem>>
    %dma_start3A_24 = arith.constant 0 : i32
    %dma_start3A_25 = arith.constant 0 : i32
    %dma_start3A_26 = tpu.memref_slice %arg6[%dma_start3A_24, %dma_start3A_25] : memref<112x480xf32, #tpu.memory_space<vmem>> -> memref<56x480xf32, #tpu.memory_space<vmem>>
    %dma_start3A_27 = arith.constant 0 : i32
    %dma_start3A_28 = tpu.memref_slice %arg2[%add3A_16, %dma_start3A_27] : memref<50000x480xf32, #tpu.memory_space<hbm>> -> memref<56x480xf32, #tpu.memory_space<hbm>>
    tpu.enqueue_dma source(%dma_start3A_28 : memref<56x480xf32, #tpu.memory_space<hbm>>) target(%dma_start3A_26 : memref<56x480xf32, #tpu.memory_space<vmem>>) target_semaphore(%dma_start3A_23 : memref<!tpu.dma_semaphore, #tpu.memory_space<semaphore_mem>>)
    %scan3A = arith.constant 0 : i32
    %scan3A_29 = arith.constant 0 : i32
    %scan3A_30 = arith.constant 14 : i32
    %scan3A_31 = arith.addi %scan3A_29, %scan3A_30 : i32
    %scan3A_32 = arith.constant 1 : i32
    scf.for %scan3A_73 = %scan3A_29 to %scan3A_31 step %scan3A_32  : i32 {
      %mul3A_74 = arith.constant 2 : i32
      %mul3A_75 = arith.muli %scan3A_73, %mul3A_74 : i32
      %add3A_76 = arith.constant 0 : i32
      %add3A_77 = arith.addi %mul3A_75, %add3A_76 : i32
      %add3A_78 = arith.constant 1 : i32
      %add3A_79 = arith.addi %add3A_77, %add3A_78 : i32
      %lt3A_80 = arith.constant 28 : i32
      %lt3A_81 = arith.cmpi slt, %add3A_79, %lt3A_80 : i32
      %convert_element_type3A = arith.extui %lt3A_81 : i1 to i32
      %cond3A = arith.constant 0 : i32
      %cond3A_82 = arith.cmpi ne, %convert_element_type3A, %cond3A : i32
      scf.if %cond3A_82 {
        %add3A_184 = arith.constant 1 : i32
        %add3A_185 = arith.addi %add3A_77, %add3A_184 : i32
        %mul3A_186 = arith.constant 56 : i32
        %mul3A_187 = arith.muli %add3A_185, %mul3A_186 : i32
        %sub3A_188 = arith.constant 56 : i32
        %sub3A_189 = arith.subi %mul3A_12, %sub3A_188 : i32
        %min3A_190 = arith.minsi %mul3A_187, %sub3A_189 : i32
        %add3A_191 = arith.addi %mul3A_6, %min3A_190 : i32
        %dma_start3A_192 = arith.constant 1 : i32
        %dma_start3A_193 = arith.constant 56 : i32
        %dma_start3A_194 = arith.constant 0 : i32
        %dma_start3A_195 = tpu.memref_slice %arg6[%dma_start3A_193, %dma_start3A_194] : memref<112x480xf32, #tpu.memory_space<vmem>> -> memref<56x480xf32, #tpu.memory_space<vmem>>
        %dma_start3A_196 = arith.constant 0 : i32
        %dma_start3A_197 = tpu.memref_slice %arg2[%add3A_191, %dma_start3A_196] : memref<50000x480xf32, #tpu.memory_space<hbm>> -> memref<56x480xf32, #tpu.memory_space<hbm>>
        %dma_start3A_198 = tpu.memref_slice %arg10[%dma_start3A_192] : memref<2x!tpu.dma_semaphore, #tpu.memory_space<semaphore_mem>> -> memref<1x!tpu.dma_semaphore, #tpu.memory_space<semaphore_mem>>
        %dma_start3A_199 = tpu.memref_squeeze %dma_start3A_198 : memref<1x!tpu.dma_semaphore, #tpu.memory_space<semaphore_mem>> -> memref<!tpu.dma_semaphore, #tpu.memory_space<semaphore_mem>>
        %dma_start3A_200 = arith.constant 56 : i32
        %dma_start3A_201 = arith.constant 0 : i32
        %dma_start3A_202 = tpu.memref_slice %arg6[%dma_start3A_200, %dma_start3A_201] : memref<112x480xf32, #tpu.memory_space<vmem>> -> memref<56x480xf32, #tpu.memory_space<vmem>>
        %dma_start3A_203 = arith.constant 0 : i32
        %dma_start3A_204 = tpu.memref_slice %arg2[%add3A_191, %dma_start3A_203] : memref<50000x480xf32, #tpu.memory_space<hbm>> -> memref<56x480xf32, #tpu.memory_space<hbm>>
        tpu.enqueue_dma source(%dma_start3A_204 : memref<56x480xf32, #tpu.memory_space<hbm>>) target(%dma_start3A_202 : memref<56x480xf32, #tpu.memory_space<vmem>>) target_semaphore(%dma_start3A_199 : memref<!tpu.dma_semaphore, #tpu.memory_space<semaphore_mem>>)
      } else {
      }
      %mul3A_83 = arith.constant 56 : i32
      %mul3A_84 = arith.muli %add3A_77, %mul3A_83 : i32
      %sub3A_85 = arith.constant 56 : i32
      %sub3A_86 = arith.subi %mul3A_12, %sub3A_85 : i32
      %min3A_87 = arith.minsi %mul3A_84, %sub3A_86 : i32
      %add3A_88 = arith.addi %mul3A_6, %min3A_87 : i32
      %dma_wait3A_89 = arith.constant 0 : i32
      %dma_wait3A_90 = arith.constant 0 : i32
      %dma_wait3A_91 = arith.constant 0 : i32
      %dma_wait3A_92 = tpu.memref_slice %arg6[%dma_wait3A_90, %dma_wait3A_91] : memref<112x480xf32, #tpu.memory_space<vmem>> -> memref<56x480xf32, #tpu.memory_space<vmem>>
      %dma_wait3A_93 = arith.constant 0 : i32
      %dma_wait3A_94 = tpu.memref_slice %arg2[%add3A_88, %dma_wait3A_93] : memref<50000x480xf32, #tpu.memory_space<hbm>> -> memref<56x480xf32, #tpu.memory_space<hbm>>
      %dma_wait3A_95 = tpu.memref_slice %arg10[%dma_wait3A_89] : memref<2x!tpu.dma_semaphore, #tpu.memory_space<semaphore_mem>> -> memref<1x!tpu.dma_semaphore, #tpu.memory_space<semaphore_mem>>
      %dma_wait3A_96 = tpu.memref_squeeze %dma_wait3A_95 : memref<1x!tpu.dma_semaphore, #tpu.memory_space<semaphore_mem>> -> memref<!tpu.dma_semaphore, #tpu.memory_space<semaphore_mem>>
      %dma_wait3A_97 = arith.constant 0 : i32
      %dma_wait3A_98 = arith.constant 0 : i32
      %dma_wait3A_99 = tpu.memref_slice %arg6[%dma_wait3A_97, %dma_wait3A_98] : memref<112x480xf32, #tpu.memory_space<vmem>> -> memref<56x480xf32, #tpu.memory_space<vmem>>
      %dma_wait3A_100 = arith.constant 0 : i32
      %dma_wait3A_101 = tpu.memref_slice %arg2[%add3A_88, %dma_wait3A_100] : memref<50000x480xf32, #tpu.memory_space<hbm>> -> memref<56x480xf32, #tpu.memory_space<hbm>>
      tpu.wait_dma2 semaphore(%dma_wait3A_96 : memref<!tpu.dma_semaphore, #tpu.memory_space<semaphore_mem>>) src(%dma_wait3A_101 : memref<56x480xf32, #tpu.memory_space<hbm>>) dst(%dma_wait3A_99 : memref<56x480xf32, #tpu.memory_space<vmem>>)
      %ge3A = arith.constant 2 : i32
      %ge3A_102 = arith.cmpi sge, %add3A_77, %ge3A : i32
      %convert_element_type3A_103 = arith.extui %ge3A_102 : i1 to i32
      %cond3A_104 = arith.constant 0 : i32
      %cond3A_105 = arith.cmpi ne, %convert_element_type3A_103, %cond3A_104 : i32
      scf.if %cond3A_105 {
        %mul3A_184 = arith.constant 56 : i32
        %mul3A_185 = arith.muli %add3A_77, %mul3A_184 : i32
        %sub3A_186 = arith.constant 56 : i32
        %sub3A_187 = arith.subi %mul3A_12, %sub3A_186 : i32
        %min3A_188 = arith.minsi %mul3A_185, %sub3A_187 : i32
        %add3A_189 = arith.addi %mul3A_6, %min3A_188 : i32
        %dma_wait3A_190 = arith.constant 0 : i32
        %dma_wait3A_191 = arith.constant 0 : i32
        %dma_wait3A_192 = arith.constant 0 : i32
        %dma_wait3A_193 = tpu.memref_slice %arg7[%dma_wait3A_191, %dma_wait3A_192] : memref<112x480xf32, #tpu.memory_space<vmem>> -> memref<56x480xf32, #tpu.memory_space<vmem>>
        %dma_wait3A_194 = arith.constant 0 : i32
        %dma_wait3A_195 = tpu.memref_slice %arg5[%add3A_189, %dma_wait3A_194] : memref<50000x480xf32, #tpu.memory_space<hbm>> -> memref<56x480xf32, #tpu.memory_space<hbm>>
        %dma_wait3A_196 = tpu.memref_slice %arg11[%dma_wait3A_190] : memref<2x!tpu.dma_semaphore, #tpu.memory_space<semaphore_mem>> -> memref<1x!tpu.dma_semaphore, #tpu.memory_space<semaphore_mem>>
        %dma_wait3A_197 = tpu.memref_squeeze %dma_wait3A_196 : memref<1x!tpu.dma_semaphore, #tpu.memory_space<semaphore_mem>> -> memref<!tpu.dma_semaphore, #tpu.memory_space<semaphore_mem>>
        %dma_wait3A_198 = arith.constant 0 : i32
        %dma_wait3A_199 = tpu.memref_slice %arg5[%add3A_189, %dma_wait3A_198] : memref<50000x480xf32, #tpu.memory_space<hbm>> -> memref<56x480xf32, #tpu.memory_space<hbm>>
        %dma_wait3A_200 = arith.constant 0 : i32
        %dma_wait3A_201 = arith.constant 0 : i32
        %dma_wait3A_202 = tpu.memref_slice %arg7[%dma_wait3A_200, %dma_wait3A_201] : memref<112x480xf32, #tpu.memory_space<vmem>> -> memref<56x480xf32, #tpu.memory_space<vmem>>
        tpu.wait_dma2 semaphore(%dma_wait3A_197 : memref<!tpu.dma_semaphore, #tpu.memory_space<semaphore_mem>>) src(%dma_wait3A_202 : memref<56x480xf32, #tpu.memory_space<vmem>>) dst(%dma_wait3A_199 : memref<56x480xf32, #tpu.memory_space<hbm>>)
      } else {
      }
      %parallel_loop3A = arith.constant 0 : i32
      %parallel_loop3A_106 = arith.constant 56 : i32
      %parallel_loop3A_107 = arith.constant 1 : i32
      scf.for %parallel_loop3A_184 = %parallel_loop3A to %parallel_loop3A_106 step %parallel_loop3A_107  : i32 {
        %parallel_loop3A_185 = arith.constant 0 : i32
        %parallel_loop3A_186 = arith.addi %parallel_loop3A_185, %parallel_loop3A_184 : i32
        %parallel_loop3A_187 = arith.index_cast %parallel_loop3A_186 : i32 to index
        %parallel_loop3A_188 = arith.constant 0 : index
        %parallel_loop3A_189 = tpu.vector_load %arg6[%parallel_loop3A_187, %parallel_loop3A_188] {strides = array<i32>} : memref<112x480xf32, #tpu.memory_space<vmem>>, vector<16xf32>,
        %parallel_loop3A_190 = arith.index_cast %parallel_loop3A_186 : i32 to index
        %parallel_loop3A_191 = arith.constant 16 : index
        %parallel_loop3A_192 = tpu.vector_load %arg6[%parallel_loop3A_190, %parallel_loop3A_191] {strides = array<i32>} : memref<112x480xf32, #tpu.memory_space<vmem>>, vector<16xf32>,
        %parallel_loop3A_193 = arith.index_cast %parallel_loop3A_186 : i32 to index
        %parallel_loop3A_194 = arith.constant 32 : index
        %parallel_loop3A_195 = tpu.vector_load %arg6[%parallel_loop3A_193, %parallel_loop3A_194] {strides = array<i32>} : memref<112x480xf32, #tpu.memory_space<vmem>>, vector<16xf32>,
        %parallel_loop3A_196 = arith.index_cast %parallel_loop3A_186 : i32 to index
        %parallel_loop3A_197 = arith.constant 48 : index
        %parallel_loop3A_198 = tpu.vector_load %arg6[%parallel_loop3A_196, %parallel_loop3A_197] {strides = array<i32>} : memref<112x480xf32, #tpu.memory_space<vmem>>, vector<16xf32>,
        %parallel_loop3A_199 = arith.index_cast %parallel_loop3A_186 : i32 to index
        %parallel_loop3A_200 = arith.constant 64 : index
        %parallel_loop3A_201 = tpu.vector_load %arg6[%parallel_loop3A_199, %parallel_loop3A_200] {strides = array<i32>} : memref<112x480xf32, #tpu.memory_space<vmem>>, vector<16xf32>,
        %parallel_loop3A_202 = arith.index_cast %parallel_loop3A_186 : i32 to index
        %parallel_loop3A_203 = arith.constant 80 : index
        %parallel_loop3A_204 = tpu.vector_load %arg6[%parallel_loop3A_202, %parallel_loop3A_203] {strides = array<i32>} : memref<112x480xf32, #tpu.memory_space<vmem>>, vector<16xf32>,
        %parallel_loop3A_205 = arith.index_cast %parallel_loop3A_186 : i32 to index
        %parallel_loop3A_206 = arith.constant 96 : index
        %parallel_loop3A_207 = tpu.vector_load %arg6[%parallel_loop3A_205, %parallel_loop3A_206] {strides = array<i32>} : memref<112x480xf32, #tpu.memory_space<vmem>>, vector<16xf32>,
        %parallel_loop3A_208 = arith.index_cast %parallel_loop3A_186 : i32 to index
        %parallel_loop3A_209 = arith.constant 112 : index
        %parallel_loop3A_210 = tpu.vector_load %arg6[%parallel_loop3A_208, %parallel_loop3A_209] {strides = array<i32>} : memref<112x480xf32, #tpu.memory_space<vmem>>, vector<16xf32>,
        %parallel_loop3A_211 = arith.addf %parallel_loop3A_189, %parallel_loop3A_192 : vector<16xf32>
        %parallel_loop3A_212 = arith.addf %parallel_loop3A_195, %parallel_loop3A_198 : vector<16xf32>
        %parallel_loop3A_213 = arith.addf %parallel_loop3A_201, %parallel_loop3A_204 : vector<16xf32>
        %parallel_loop3A_214 = arith.addf %parallel_loop3A_207, %parallel_loop3A_210 : vector<16xf32>
        %parallel_loop3A_215 = arith.addf %parallel_loop3A_211, %parallel_loop3A_212 : vector<16xf32>
        %parallel_loop3A_216 = arith.addf %parallel_loop3A_213, %parallel_loop3A_214 : vector<16xf32>
        %parallel_loop3A_217 = arith.addf %parallel_loop3A_215, %parallel_loop3A_216 : vector<16xf32>
        %parallel_loop3A_218 = arith.mulf %parallel_loop3A_189, %parallel_loop3A_189 : vector<16xf32>
        %parallel_loop3A_219 = arith.mulf %parallel_loop3A_192, %parallel_loop3A_192 : vector<16xf32>
        %parallel_loop3A_220 = arith.mulf %parallel_loop3A_195, %parallel_loop3A_195 : vector<16xf32>
        %parallel_loop3A_221 = arith.mulf %parallel_loop3A_198, %parallel_loop3A_198 : vector<16xf32>
        %parallel_loop3A_222 = arith.mulf %parallel_loop3A_201, %parallel_loop3A_201 : vector<16xf32>
        %parallel_loop3A_223 = arith.mulf %parallel_loop3A_204, %parallel_loop3A_204 : vector<16xf32>
        %parallel_loop3A_224 = arith.mulf %parallel_loop3A_207, %parallel_loop3A_207 : vector<16xf32>
        %parallel_loop3A_225 = arith.mulf %parallel_loop3A_210, %parallel_loop3A_210 : vector<16xf32>
        %parallel_loop3A_226 = arith.addf %parallel_loop3A_218, %parallel_loop3A_219 : vector<16xf32>
        %parallel_loop3A_227 = arith.addf %parallel_loop3A_220, %parallel_loop3A_221 : vector<16xf32>
        %parallel_loop3A_228 = arith.addf %parallel_loop3A_222, %parallel_loop3A_223 : vector<16xf32>
        %parallel_loop3A_229 = arith.addf %parallel_loop3A_224, %parallel_loop3A_225 : vector<16xf32>
        %parallel_loop3A_230 = arith.addf %parallel_loop3A_226, %parallel_loop3A_227 : vector<16xf32>
        %parallel_loop3A_231 = arith.addf %parallel_loop3A_228, %parallel_loop3A_229 : vector<16xf32>
        %parallel_loop3A_232 = arith.addf %parallel_loop3A_230, %parallel_loop3A_231 : vector<16xf32>
        %parallel_loop3A_233 = arith.index_cast %parallel_loop3A_186 : i32 to index
        %parallel_loop3A_234 = arith.constant 128 : index
        %parallel_loop3A_235 = tpu.vector_load %arg6[%parallel_loop3A_233, %parallel_loop3A_234] {strides = array<i32>} : memref<112x480xf32, #tpu.memory_space<vmem>>, vector<16xf32>,
        %parallel_loop3A_236 = arith.mulf %parallel_loop3A_235, %parallel_loop3A_235 : vector<16xf32>
        %parallel_loop3A_237 = arith.index_cast %parallel_loop3A_186 : i32 to index
        %parallel_loop3A_238 = arith.constant 144 : index
        %parallel_loop3A_239 = tpu.vector_load %arg6[%parallel_loop3A_237, %parallel_loop3A_238] {strides = array<i32>} : memref<112x480xf32, #tpu.memory_space<vmem>>, vector<16xf32>,
        %parallel_loop3A_240 = arith.mulf %parallel_loop3A_239, %parallel_loop3A_239 : vector<16xf32>
        %parallel_loop3A_241 = arith.index_cast %parallel_loop3A_186 : i32 to index
        %parallel_loop3A_242 = arith.constant 160 : index
        %parallel_loop3A_243 = tpu.vector_load %arg6[%parallel_loop3A_241, %parallel_loop3A_242] {strides = array<i32>} : memref<112x480xf32, #tpu.memory_space<vmem>>, vector<16xf32>,
        %parallel_loop3A_244 = arith.mulf %parallel_loop3A_243, %parallel_loop3A_243 : vector<16xf32>
        %parallel_loop3A_245 = arith.addf %parallel_loop3A_236, %parallel_loop3A_244 : vector<16xf32>
        %parallel_loop3A_246 = arith.index_cast %parallel_loop3A_186 : i32 to index
        %parallel_loop3A_247 = arith.constant 176 : index
        %parallel_loop3A_248 = tpu.vector_load %arg6[%parallel_loop3A_246, %parallel_loop3A_247] {strides = array<i32>} : memref<112x480xf32, #tpu.memory_space<vmem>>, vector<16xf32>,
        %parallel_loop3A_249 = arith.mulf %parallel_loop3A_248, %parallel_loop3A_248 : vector<16xf32>
        %parallel_loop3A_250 = arith.addf %parallel_loop3A_240, %parallel_loop3A_249 : vector<16xf32>
        %parallel_loop3A_251 = arith.index_cast %parallel_loop3A_186 : i32 to index
        %parallel_loop3A_252 = arith.constant 192 : index
        %parallel_loop3A_253 = tpu.vector_load %arg6[%parallel_loop3A_251, %parallel_loop3A_252] {strides = array<i32>} : memref<112x480xf32, #tpu.memory_space<vmem>>, vector<16xf32>,
        %parallel_loop3A_254 = arith.mulf %parallel_loop3A_253, %parallel_loop3A_253 : vector<16xf32>
        %parallel_loop3A_255 = arith.addf %parallel_loop3A_245, %parallel_loop3A_254 : vector<16xf32>
        %parallel_loop3A_256 = arith.index_cast %parallel_loop3A_186 : i32 to index
        %parallel_loop3A_257 = arith.constant 208 : index
        %parallel_loop3A_258 = tpu.vector_load %arg6[%parallel_loop3A_256, %parallel_loop3A_257] {strides = array<i32>} : memref<112x480xf32, #tpu.memory_space<vmem>>, vector<16xf32>,
        %parallel_loop3A_259 = arith.mulf %parallel_loop3A_258, %parallel_loop3A_258 : vector<16xf32>
        %parallel_loop3A_260 = arith.addf %parallel_loop3A_250, %parallel_loop3A_259 : vector<16xf32>
        %parallel_loop3A_261 = arith.index_cast %parallel_loop3A_186 : i32 to index
        %parallel_loop3A_262 = arith.constant 224 : index
        %parallel_loop3A_263 = tpu.vector_load %arg6[%parallel_loop3A_261, %parallel_loop3A_262] {strides = array<i32>} : memref<112x480xf32, #tpu.memory_space<vmem>>, vector<16xf32>,
        %parallel_loop3A_264 = arith.mulf %parallel_loop3A_263, %parallel_loop3A_263 : vector<16xf32>
        %parallel_loop3A_265 = arith.addf %parallel_loop3A_255, %parallel_loop3A_264 : vector<16xf32>
        %parallel_loop3A_266 = arith.index_cast %parallel_loop3A_186 : i32 to index
        %parallel_loop3A_267 = arith.constant 240 : index
        %parallel_loop3A_268 = tpu.vector_load %arg6[%parallel_loop3A_266, %parallel_loop3A_267] {strides = array<i32>} : memref<112x480xf32, #tpu.memory_space<vmem>>, vector<16xf32>,
        %parallel_loop3A_269 = arith.mulf %parallel_loop3A_268, %parallel_loop3A_268 : vector<16xf32>
        %parallel_loop3A_270 = arith.addf %parallel_loop3A_260, %parallel_loop3A_269 : vector<16xf32>
        %parallel_loop3A_271 = arith.index_cast %parallel_loop3A_186 : i32 to index
        %parallel_loop3A_272 = arith.constant 256 : index
        %parallel_loop3A_273 = tpu.vector_load %arg6[%parallel_loop3A_271, %parallel_loop3A_272] {strides = array<i32>} : memref<112x480xf32, #tpu.memory_space<vmem>>, vector<16xf32>,
        %parallel_loop3A_274 = arith.mulf %parallel_loop3A_273, %parallel_loop3A_273 : vector<16xf32>
        %parallel_loop3A_275 = arith.addf %parallel_loop3A_265, %parallel_loop3A_274 : vector<16xf32>
        %parallel_loop3A_276 = arith.index_cast %parallel_loop3A_186 : i32 to index
        %parallel_loop3A_277 = arith.constant 272 : index
        %parallel_loop3A_278 = tpu.vector_load %arg6[%parallel_loop3A_276, %parallel_loop3A_277] {strides = array<i32>} : memref<112x480xf32, #tpu.memory_space<vmem>>, vector<16xf32>,
        %parallel_loop3A_279 = arith.mulf %parallel_loop3A_278, %parallel_loop3A_278 : vector<16xf32>
        %parallel_loop3A_280 = arith.addf %parallel_loop3A_270, %parallel_loop3A_279 : vector<16xf32>
        %parallel_loop3A_281 = arith.index_cast %parallel_loop3A_186 : i32 to index
        %parallel_loop3A_282 = arith.constant 288 : index
        %parallel_loop3A_283 = tpu.vector_load %arg6[%parallel_loop3A_281, %parallel_loop3A_282] {strides = array<i32>} : memref<112x480xf32, #tpu.memory_space<vmem>>, vector<16xf32>,
        %parallel_loop3A_284 = arith.mulf %parallel_loop3A_283, %parallel_loop3A_283 : vector<16xf32>
        %parallel_loop3A_285 = arith.addf %parallel_loop3A_275, %parallel_loop3A_284 : vector<16xf32>
        %parallel_loop3A_286 = arith.index_cast %parallel_loop3A_186 : i32 to index
        %parallel_loop3A_287 = arith.constant 304 : index
        %parallel_loop3A_288 = tpu.vector_load %arg6[%parallel_loop3A_286, %parallel_loop3A_287] {strides = array<i32>} : memref<112x480xf32, #tpu.memory_space<vmem>>, vector<16xf32>,
        %parallel_loop3A_289 = arith.mulf %parallel_loop3A_288, %parallel_loop3A_288 : vector<16xf32>
        %parallel_loop3A_290 = arith.addf %parallel_loop3A_280, %parallel_loop3A_289 : vector<16xf32>
        %parallel_loop3A_291 = arith.addf %parallel_loop3A_285, %parallel_loop3A_290 : vector<16xf32>
        %parallel_loop3A_292 = arith.index_cast %parallel_loop3A_186 : i32 to index
        %parallel_loop3A_293 = arith.constant 320 : index
        %parallel_loop3A_294 = tpu.vector_load %arg6[%parallel_loop3A_292, %parallel_loop3A_293] {strides = array<i32>} : memref<112x480xf32, #tpu.memory_space<vmem>>, vector<16xf32>,
        %parallel_loop3A_295 = arith.mulf %parallel_loop3A_294, %parallel_loop3A_294 : vector<16xf32>
        %parallel_loop3A_296 = arith.index_cast %parallel_loop3A_186 : i32 to index
        %parallel_loop3A_297 = arith.constant 336 : index
        %parallel_loop3A_298 = tpu.vector_load %arg6[%parallel_loop3A_296, %parallel_loop3A_297] {strides = array<i32>} : memref<112x480xf32, #tpu.memory_space<vmem>>, vector<16xf32>,
        %parallel_loop3A_299 = arith.mulf %parallel_loop3A_298, %parallel_loop3A_298 : vector<16xf32>
        %parallel_loop3A_300 = arith.index_cast %parallel_loop3A_186 : i32 to index
        %parallel_loop3A_301 = arith.constant 352 : index
        %parallel_loop3A_302 = tpu.vector_load %arg6[%parallel_loop3A_300, %parallel_loop3A_301] {strides = array<i32>} : memref<112x480xf32, #tpu.memory_space<vmem>>, vector<16xf32>,
        %parallel_loop3A_303 = arith.mulf %parallel_loop3A_302, %parallel_loop3A_302 : vector<16xf32>
        %parallel_loop3A_304 = arith.addf %parallel_loop3A_295, %parallel_loop3A_303 : vector<16xf32>
        %parallel_loop3A_305 = arith.index_cast %parallel_loop3A_186 : i32 to index
        %parallel_loop3A_306 = arith.constant 368 : index
        %parallel_loop3A_307 = tpu.vector_load %arg6[%parallel_loop3A_305, %parallel_loop3A_306] {strides = array<i32>} : memref<112x480xf32, #tpu.memory_space<vmem>>, vector<16xf32>,
        %parallel_loop3A_308 = arith.mulf %parallel_loop3A_307, %parallel_loop3A_307 : vector<16xf32>
        %parallel_loop3A_309 = arith.addf %parallel_loop3A_299, %parallel_loop3A_308 : vector<16xf32>
        %parallel_loop3A_310 = arith.index_cast %parallel_loop3A_186 : i32 to index
        %parallel_loop3A_311 = arith.constant 384 : index
        %parallel_loop3A_312 = tpu.vector_load %arg6[%parallel_loop3A_310, %parallel_loop3A_311] {strides = array<i32>} : memref<112x480xf32, #tpu.memory_space<vmem>>, vector<16xf32>,
        %parallel_loop3A_313 = arith.mulf %parallel_loop3A_312, %parallel_loop3A_312 : vector<16xf32>
        %parallel_loop3A_314 = arith.addf %parallel_loop3A_304, %parallel_loop3A_313 : vector<16xf32>
        %parallel_loop3A_315 = arith.index_cast %parallel_loop3A_186 : i32 to index
        %parallel_loop3A_316 = arith.constant 400 : index
        %parallel_loop3A_317 = tpu.vector_load %arg6[%parallel_loop3A_315, %parallel_loop3A_316] {strides = array<i32>} : memref<112x480xf32, #tpu.memory_space<vmem>>, vector<16xf32>,
        %parallel_loop3A_318 = arith.mulf %parallel_loop3A_317, %parallel_loop3A_317 : vector<16xf32>
        %parallel_loop3A_319 = arith.addf %parallel_loop3A_309, %parallel_loop3A_318 : vector<16xf32>
        %parallel_loop3A_320 = arith.index_cast %parallel_loop3A_186 : i32 to index
        %parallel_loop3A_321 = arith.constant 416 : index
        %parallel_loop3A_322 = tpu.vector_load %arg6[%parallel_loop3A_320, %parallel_loop3A_321] {strides = array<i32>} : memref<112x480xf32, #tpu.memory_space<vmem>>, vector<16xf32>,
        %parallel_loop3A_323 = arith.mulf %parallel_loop3A_322, %parallel_loop3A_322 : vector<16xf32>
        %parallel_loop3A_324 = arith.addf %parallel_loop3A_314, %parallel_loop3A_323 : vector<16xf32>
        %parallel_loop3A_325 = arith.index_cast %parallel_loop3A_186 : i32 to index
        %parallel_loop3A_326 = arith.constant 432 : index
        %parallel_loop3A_327 = tpu.vector_load %arg6[%parallel_loop3A_325, %parallel_loop3A_326] {strides = array<i32>} : memref<112x480xf32, #tpu.memory_space<vmem>>, vector<16xf32>,
        %parallel_loop3A_328 = arith.mulf %parallel_loop3A_327, %parallel_loop3A_327 : vector<16xf32>
        %parallel_loop3A_329 = arith.addf %parallel_loop3A_319, %parallel_loop3A_328 : vector<16xf32>
        %parallel_loop3A_330 = arith.index_cast %parallel_loop3A_186 : i32 to index
        %parallel_loop3A_331 = arith.constant 448 : index
        %parallel_loop3A_332 = tpu.vector_load %arg6[%parallel_loop3A_330, %parallel_loop3A_331] {strides = array<i32>} : memref<112x480xf32, #tpu.memory_space<vmem>>, vector<16xf32>,
        %parallel_loop3A_333 = arith.mulf %parallel_loop3A_332, %parallel_loop3A_332 : vector<16xf32>
        %parallel_loop3A_334 = arith.addf %parallel_loop3A_324, %parallel_loop3A_333 : vector<16xf32>
        %parallel_loop3A_335 = arith.index_cast %parallel_loop3A_186 : i32 to index
        %parallel_loop3A_336 = arith.constant 464 : index
        %parallel_loop3A_337 = tpu.vector_load %arg6[%parallel_loop3A_335, %parallel_loop3A_336] {strides = array<i32>} : memref<112x480xf32, #tpu.memory_space<vmem>>, vector<16xf32>,
        %parallel_loop3A_338 = arith.mulf %parallel_loop3A_337, %parallel_loop3A_337 : vector<16xf32>
        %parallel_loop3A_339 = arith.addf %parallel_loop3A_329, %parallel_loop3A_338 : vector<16xf32>
        %parallel_loop3A_340 = arith.addf %parallel_loop3A_334, %parallel_loop3A_339 : vector<16xf32>
        %parallel_loop3A_341 = arith.constant true
        %parallel_loop3A_342 = vector.broadcast %parallel_loop3A_341 : i1 to vector<16xi1>
        %parallel_loop3A_343 = tpu.scan <sum>, %parallel_loop3A_217 masked %parallel_loop3A_342 : vector<16xf32>, vector<16xi1> -> vector<16xf32>
        %parallel_loop3A_344 = vector.extract %parallel_loop3A_343[15] : f32 from vector<16xf32>
        %parallel_loop3A_345 = arith.constant 7.812500e-03 : f32
        %parallel_loop3A_346 = arith.mulf %parallel_loop3A_344, %parallel_loop3A_345 : f32
        %parallel_loop3A_347 = arith.constant true
        %parallel_loop3A_348 = vector.broadcast %parallel_loop3A_347 : i1 to vector<16xi1>
        %parallel_loop3A_349 = tpu.scan <sum>, %parallel_loop3A_232 masked %parallel_loop3A_348 : vector<16xf32>, vector<16xi1> -> vector<16xf32>
        %parallel_loop3A_350 = vector.extract %parallel_loop3A_349[15] : f32 from vector<16xf32>
        %parallel_loop3A_351 = arith.constant 7.812500e-03 : f32
        %parallel_loop3A_352 = arith.mulf %parallel_loop3A_350, %parallel_loop3A_351 : f32
        %parallel_loop3A_353 = arith.mulf %parallel_loop3A_346, %parallel_loop3A_346 : f32
        %parallel_loop3A_354 = arith.subf %parallel_loop3A_352, %parallel_loop3A_353 : f32
        %parallel_loop3A_355 = arith.constant 9.99999974E-6 : f32
        %parallel_loop3A_356 = arith.addf %parallel_loop3A_354, %parallel_loop3A_355 : f32
        %parallel_loop3A_357 = arith.constant true
        %parallel_loop3A_358 = vector.broadcast %parallel_loop3A_357 : i1 to vector<16xi1>
        %parallel_loop3A_359 = tpu.scan <sum>, %parallel_loop3A_291 masked %parallel_loop3A_358 : vector<16xf32>, vector<16xi1> -> vector<16xf32>
        %parallel_loop3A_360 = vector.extract %parallel_loop3A_359[15] : f32 from vector<16xf32>
        %parallel_loop3A_361 = arith.constant 0.00520833349 : f32
        %parallel_loop3A_362 = arith.mulf %parallel_loop3A_360, %parallel_loop3A_361 : f32
        %parallel_loop3A_363 = arith.constant 9.99999974E-6 : f32
        %parallel_loop3A_364 = arith.addf %parallel_loop3A_362, %parallel_loop3A_363 : f32
        %parallel_loop3A_365 = arith.constant true
        %parallel_loop3A_366 = vector.broadcast %parallel_loop3A_365 : i1 to vector<16xi1>
        %parallel_loop3A_367 = tpu.scan <sum>, %parallel_loop3A_340 masked %parallel_loop3A_366 : vector<16xf32>, vector<16xi1> -> vector<16xf32>
        %parallel_loop3A_368 = vector.extract %parallel_loop3A_367[15] : f32 from vector<16xf32>
        %parallel_loop3A_369 = arith.constant 6.250000e-03 : f32
        %parallel_loop3A_370 = arith.mulf %parallel_loop3A_368, %parallel_loop3A_369 : f32
        %parallel_loop3A_371 = arith.constant 9.99999974E-6 : f32
        %parallel_loop3A_372 = arith.addf %parallel_loop3A_370, %parallel_loop3A_371 : f32
        %parallel_loop3A_373 = vector.broadcast %parallel_loop3A_356 : f32 to vector<16xf32>
        %parallel_loop3A_374 = tpu.bitcast %parallel_loop3A_373 : vector<16xf32> -> vector<16xi32>
        %parallel_loop3A_375 = arith.constant 1 : i32
        %parallel_loop3A_376 = vector.broadcast %parallel_loop3A_375 : i32 to vector<16xi32>
        %parallel_loop3A_377 = arith.shrsi %parallel_loop3A_374, %parallel_loop3A_376 : vector<16xi32>
        %parallel_loop3A_378 = arith.constant 1597463007 : i32
        %parallel_loop3A_379 = vector.broadcast %parallel_loop3A_378 : i32 to vector<16xi32>
        %parallel_loop3A_380 = arith.subi %parallel_loop3A_379, %parallel_loop3A_377 : vector<16xi32>
        %parallel_loop3A_381 = tpu.bitcast %parallel_loop3A_380 : vector<16xi32> -> vector<16xf32>
        %parallel_loop3A_382 = arith.constant 5.000000e-01 : f32
        %parallel_loop3A_383 = vector.broadcast %parallel_loop3A_382 : f32 to vector<16xf32>
        %parallel_loop3A_384 = arith.mulf %parallel_loop3A_383, %parallel_loop3A_373 : vector<16xf32>
        %parallel_loop3A_385 = arith.mulf %parallel_loop3A_384, %parallel_loop3A_381 : vector<16xf32>
        %parallel_loop3A_386 = arith.mulf %parallel_loop3A_385, %parallel_loop3A_381 : vector<16xf32>
        %parallel_loop3A_387 = arith.constant 1.500000e+00 : f32
        %parallel_loop3A_388 = vector.broadcast %parallel_loop3A_387 : f32 to vector<16xf32>
        %parallel_loop3A_389 = arith.subf %parallel_loop3A_388, %parallel_loop3A_386 : vector<16xf32>
        %parallel_loop3A_390 = arith.mulf %parallel_loop3A_381, %parallel_loop3A_389 : vector<16xf32>
        %parallel_loop3A_391 = arith.constant 5.000000e-01 : f32
        %parallel_loop3A_392 = vector.broadcast %parallel_loop3A_391 : f32 to vector<16xf32>
        %parallel_loop3A_393 = arith.mulf %parallel_loop3A_392, %parallel_loop3A_373 : vector<16xf32>
        %parallel_loop3A_394 = arith.mulf %parallel_loop3A_393, %parallel_loop3A_390 : vector<16xf32>
        %parallel_loop3A_395 = arith.mulf %parallel_loop3A_394, %parallel_loop3A_390 : vector<16xf32>
        %parallel_loop3A_396 = arith.constant 1.500000e+00 : f32
        %parallel_loop3A_397 = vector.broadcast %parallel_loop3A_396 : f32 to vector<16xf32>
        %parallel_loop3A_398 = arith.subf %parallel_loop3A_397, %parallel_loop3A_395 : vector<16xf32>
        %parallel_loop3A_399 = arith.mulf %parallel_loop3A_390, %parallel_loop3A_398 : vector<16xf32>
        %parallel_loop3A_400 = vector.broadcast %parallel_loop3A_364 : f32 to vector<16xf32>
        %parallel_loop3A_401 = tpu.bitcast %parallel_loop3A_400 : vector<16xf32> -> vector<16xi32>
        %parallel_loop3A_402 = arith.constant 1 : i32
        %parallel_loop3A_403 = vector.broadcast %parallel_loop3A_402 : i32 to vector<16xi32>
        %parallel_loop3A_404 = arith.shrsi %parallel_loop3A_401, %parallel_loop3A_403 : vector<16xi32>
        %parallel_loop3A_405 = arith.constant 1597463007 : i32
        %parallel_loop3A_406 = vector.broadcast %parallel_loop3A_405 : i32 to vector<16xi32>
        %parallel_loop3A_407 = arith.subi %parallel_loop3A_406, %parallel_loop3A_404 : vector<16xi32>
        %parallel_loop3A_408 = tpu.bitcast %parallel_loop3A_407 : vector<16xi32> -> vector<16xf32>
        %parallel_loop3A_409 = arith.constant 5.000000e-01 : f32
        %parallel_loop3A_410 = vector.broadcast %parallel_loop3A_409 : f32 to vector<16xf32>
        %parallel_loop3A_411 = arith.mulf %parallel_loop3A_410, %parallel_loop3A_400 : vector<16xf32>
        %parallel_loop3A_412 = arith.mulf %parallel_loop3A_411, %parallel_loop3A_408 : vector<16xf32>
        %parallel_loop3A_413 = arith.mulf %parallel_loop3A_412, %parallel_loop3A_408 : vector<16xf32>
        %parallel_loop3A_414 = arith.constant 1.500000e+00 : f32
        %parallel_loop3A_415 = vector.broadcast %parallel_loop3A_414 : f32 to vector<16xf32>
        %parallel_loop3A_416 = arith.subf %parallel_loop3A_415, %parallel_loop3A_413 : vector<16xf32>
        %parallel_loop3A_417 = arith.mulf %parallel_loop3A_408, %parallel_loop3A_416 : vector<16xf32>
        %parallel_loop3A_418 = arith.constant 5.000000e-01 : f32
        %parallel_loop3A_419 = vector.broadcast %parallel_loop3A_418 : f32 to vector<16xf32>
        %parallel_loop3A_420 = arith.mulf %parallel_loop3A_419, %parallel_loop3A_400 : vector<16xf32>
        %parallel_loop3A_421 = arith.mulf %parallel_loop3A_420, %parallel_loop3A_417 : vector<16xf32>
        %parallel_loop3A_422 = arith.mulf %parallel_loop3A_421, %parallel_loop3A_417 : vector<16xf32>
        %parallel_loop3A_423 = arith.constant 1.500000e+00 : f32
        %parallel_loop3A_424 = vector.broadcast %parallel_loop3A_423 : f32 to vector<16xf32>
        %parallel_loop3A_425 = arith.subf %parallel_loop3A_424, %parallel_loop3A_422 : vector<16xf32>
        %parallel_loop3A_426 = arith.mulf %parallel_loop3A_417, %parallel_loop3A_425 : vector<16xf32>
        %parallel_loop3A_427 = vector.broadcast %parallel_loop3A_372 : f32 to vector<16xf32>
        %parallel_loop3A_428 = tpu.bitcast %parallel_loop3A_427 : vector<16xf32> -> vector<16xi32>
        %parallel_loop3A_429 = arith.constant 1 : i32
        %parallel_loop3A_430 = vector.broadcast %parallel_loop3A_429 : i32 to vector<16xi32>
        %parallel_loop3A_431 = arith.shrsi %parallel_loop3A_428, %parallel_loop3A_430 : vector<16xi32>
        %parallel_loop3A_432 = arith.constant 1597463007 : i32
        %parallel_loop3A_433 = vector.broadcast %parallel_loop3A_432 : i32 to vector<16xi32>
        %parallel_loop3A_434 = arith.subi %parallel_loop3A_433, %parallel_loop3A_431 : vector<16xi32>
        %parallel_loop3A_435 = tpu.bitcast %parallel_loop3A_434 : vector<16xi32> -> vector<16xf32>
        %parallel_loop3A_436 = arith.constant 5.000000e-01 : f32
        %parallel_loop3A_437 = vector.broadcast %parallel_loop3A_436 : f32 to vector<16xf32>
        %parallel_loop3A_438 = arith.mulf %parallel_loop3A_437, %parallel_loop3A_427 : vector<16xf32>
        %parallel_loop3A_439 = arith.mulf %parallel_loop3A_438, %parallel_loop3A_435 : vector<16xf32>
        %parallel_loop3A_440 = arith.mulf %parallel_loop3A_439, %parallel_loop3A_435 : vector<16xf32>
        %parallel_loop3A_441 = arith.constant 1.500000e+00 : f32
        %parallel_loop3A_442 = vector.broadcast %parallel_loop3A_441 : f32 to vector<16xf32>
        %parallel_loop3A_443 = arith.subf %parallel_loop3A_442, %parallel_loop3A_440 : vector<16xf32>
        %parallel_loop3A_444 = arith.mulf %parallel_loop3A_435, %parallel_loop3A_443 : vector<16xf32>
        %parallel_loop3A_445 = arith.constant 5.000000e-01 : f32
        %parallel_loop3A_446 = vector.broadcast %parallel_loop3A_445 : f32 to vector<16xf32>
        %parallel_loop3A_447 = arith.mulf %parallel_loop3A_446, %parallel_loop3A_427 : vector<16xf32>
        %parallel_loop3A_448 = arith.mulf %parallel_loop3A_447, %parallel_loop3A_444 : vector<16xf32>
        %parallel_loop3A_449 = arith.mulf %parallel_loop3A_448, %parallel_loop3A_444 : vector<16xf32>
        %parallel_loop3A_450 = arith.constant 1.500000e+00 : f32
        %parallel_loop3A_451 = vector.broadcast %parallel_loop3A_450 : f32 to vector<16xf32>
        %parallel_loop3A_452 = arith.subf %parallel_loop3A_451, %parallel_loop3A_449 : vector<16xf32>
        %parallel_loop3A_453 = arith.mulf %parallel_loop3A_444, %parallel_loop3A_452 : vector<16xf32>
        %parallel_loop3A_454 = arith.constant 0 : index
        %parallel_loop3A_455 = tpu.vector_load %arg8[%parallel_loop3A_454] {strides = array<i32>} : memref<480xf32, #tpu.memory_space<vmem>>, vector<16xf32>,
        %parallel_loop3A_456 = arith.mulf %parallel_loop3A_399, %parallel_loop3A_455 : vector<16xf32>
        %parallel_loop3A_457 = vector.broadcast %parallel_loop3A_346 : f32 to vector<16xf32>
        %parallel_loop3A_458 = arith.subf %parallel_loop3A_189, %parallel_loop3A_457 : vector<16xf32>
        %parallel_loop3A_459 = arith.mulf %parallel_loop3A_458, %parallel_loop3A_456 : vector<16xf32>
        %parallel_loop3A_460 = arith.constant 0 : index
        %parallel_loop3A_461 = tpu.vector_load %arg9[%parallel_loop3A_460] {strides = array<i32>} : memref<480xf32, #tpu.memory_space<vmem>>, vector<16xf32>,
        %parallel_loop3A_462 = arith.addf %parallel_loop3A_459, %parallel_loop3A_461 : vector<16xf32>
        %parallel_loop3A_463 = arith.index_cast %parallel_loop3A_186 : i32 to index
        %parallel_loop3A_464 = arith.constant 0 : index
        %parallel_loop3A_465 = tpu.vector_load %arg7[%parallel_loop3A_463, %parallel_loop3A_464] {strides = array<i32>} : memref<112x480xf32, #tpu.memory_space<vmem>>, vector<16xf32>,
        tpu.vector_store %arg7[%parallel_loop3A_463, %parallel_loop3A_464], %parallel_loop3A_462 {strides = array<i32>} : memref<112x480xf32, #tpu.memory_space<vmem>>, vector<16xf32>,
        %parallel_loop3A_466 = arith.constant 16 : index
        %parallel_loop3A_467 = tpu.vector_load %arg8[%parallel_loop3A_466] {strides = array<i32>} : memref<480xf32, #tpu.memory_space<vmem>>, vector<16xf32>,
        %parallel_loop3A_468 = arith.mulf %parallel_loop3A_399, %parallel_loop3A_467 : vector<16xf32>
        %parallel_loop3A_469 = vector.broadcast %parallel_loop3A_346 : f32 to vector<16xf32>
        %parallel_loop3A_470 = arith.subf %parallel_loop3A_192, %parallel_loop3A_469 : vector<16xf32>
        %parallel_loop3A_471 = arith.mulf %parallel_loop3A_470, %parallel_loop3A_468 : vector<16xf32>
        %parallel_loop3A_472 = arith.constant 16 : index
        %parallel_loop3A_473 = tpu.vector_load %arg9[%parallel_loop3A_472] {strides = array<i32>} : memref<480xf32, #tpu.memory_space<vmem>>, vector<16xf32>,
        %parallel_loop3A_474 = arith.addf %parallel_loop3A_471, %parallel_loop3A_473 : vector<16xf32>
        %parallel_loop3A_475 = arith.index_cast %parallel_loop3A_186 : i32 to index
        %parallel_loop3A_476 = arith.constant 16 : index
        %parallel_loop3A_477 = tpu.vector_load %arg7[%parallel_loop3A_475, %parallel_loop3A_476] {strides = array<i32>} : memref<112x480xf32, #tpu.memory_space<vmem>>, vector<16xf32>,
        tpu.vector_store %arg7[%parallel_loop3A_475, %parallel_loop3A_476], %parallel_loop3A_474 {strides = array<i32>} : memref<112x480xf32, #tpu.memory_space<vmem>>, vector<16xf32>,
        %parallel_loop3A_478 = arith.constant 32 : index
        %parallel_loop3A_479 = tpu.vector_load %arg8[%parallel_loop3A_478] {strides = array<i32>} : memref<480xf32, #tpu.memory_space<vmem>>, vector<16xf32>,
        %parallel_loop3A_480 = arith.mulf %parallel_loop3A_399, %parallel_loop3A_479 : vector<16xf32>
        %parallel_loop3A_481 = vector.broadcast %parallel_loop3A_346 : f32 to vector<16xf32>
        %parallel_loop3A_482 = arith.subf %parallel_loop3A_195, %parallel_loop3A_481 : vector<16xf32>
        %parallel_loop3A_483 = arith.mulf %parallel_loop3A_482, %parallel_loop3A_480 : vector<16xf32>
        %parallel_loop3A_484 = arith.constant 32 : index
        %parallel_loop3A_485 = tpu.vector_load %arg9[%parallel_loop3A_484] {strides = array<i32>} : memref<480xf32, #tpu.memory_space<vmem>>, vector<16xf32>,
        %parallel_loop3A_486 = arith.addf %parallel_loop3A_483, %parallel_loop3A_485 : vector<16xf32>
        %parallel_loop3A_487 = arith.index_cast %parallel_loop3A_186 : i32 to index
        %parallel_loop3A_488 = arith.constant 32 : index
        %parallel_loop3A_489 = tpu.vector_load %arg7[%parallel_loop3A_487, %parallel_loop3A_488] {strides = array<i32>} : memref<112x480xf32, #tpu.memory_space<vmem>>, vector<16xf32>,
        tpu.vector_store %arg7[%parallel_loop3A_487, %parallel_loop3A_488], %parallel_loop3A_486 {strides = array<i32>} : memref<112x480xf32, #tpu.memory_space<vmem>>, vector<16xf32>,
        %parallel_loop3A_490 = arith.constant 48 : index
        %parallel_loop3A_491 = tpu.vector_load %arg8[%parallel_loop3A_490] {strides = array<i32>} : memref<480xf32, #tpu.memory_space<vmem>>, vector<16xf32>,
        %parallel_loop3A_492 = arith.mulf %parallel_loop3A_399, %parallel_loop3A_491 : vector<16xf32>
        %parallel_loop3A_493 = vector.broadcast %parallel_loop3A_346 : f32 to vector<16xf32>
        %parallel_loop3A_494 = arith.subf %parallel_loop3A_198, %parallel_loop3A_493 : vector<16xf32>
        %parallel_loop3A_495 = arith.mulf %parallel_loop3A_494, %parallel_loop3A_492 : vector<16xf32>
        %parallel_loop3A_496 = arith.constant 48 : index
        %parallel_loop3A_497 = tpu.vector_load %arg9[%parallel_loop3A_496] {strides = array<i32>} : memref<480xf32, #tpu.memory_space<vmem>>, vector<16xf32>,
        %parallel_loop3A_498 = arith.addf %parallel_loop3A_495, %parallel_loop3A_497 : vector<16xf32>
        %parallel_loop3A_499 = arith.index_cast %parallel_loop3A_186 : i32 to index
        %parallel_loop3A_500 = arith.constant 48 : index
        %parallel_loop3A_501 = tpu.vector_load %arg7[%parallel_loop3A_499, %parallel_loop3A_500] {strides = array<i32>} : memref<112x480xf32, #tpu.memory_space<vmem>>, vector<16xf32>,
        tpu.vector_store %arg7[%parallel_loop3A_499, %parallel_loop3A_500], %parallel_loop3A_498 {strides = array<i32>} : memref<112x480xf32, #tpu.memory_space<vmem>>, vector<16xf32>,
        %parallel_loop3A_502 = arith.constant 64 : index
        %parallel_loop3A_503 = tpu.vector_load %arg8[%parallel_loop3A_502] {strides = array<i32>} : memref<480xf32, #tpu.memory_space<vmem>>, vector<16xf32>,
        %parallel_loop3A_504 = arith.mulf %parallel_loop3A_399, %parallel_loop3A_503 : vector<16xf32>
        %parallel_loop3A_505 = vector.broadcast %parallel_loop3A_346 : f32 to vector<16xf32>
        %parallel_loop3A_506 = arith.subf %parallel_loop3A_201, %parallel_loop3A_505 : vector<16xf32>
        %parallel_loop3A_507 = arith.mulf %parallel_loop3A_506, %parallel_loop3A_504 : vector<16xf32>
        %parallel_loop3A_508 = arith.constant 64 : index
        %parallel_loop3A_509 = tpu.vector_load %arg9[%parallel_loop3A_508] {strides = array<i32>} : memref<480xf32, #tpu.memory_space<vmem>>, vector<16xf32>,
        %parallel_loop3A_510 = arith.addf %parallel_loop3A_507, %parallel_loop3A_509 : vector<16xf32>
        %parallel_loop3A_511 = arith.index_cast %parallel_loop3A_186 : i32 to index
        %parallel_loop3A_512 = arith.constant 64 : index
        %parallel_loop3A_513 = tpu.vector_load %arg7[%parallel_loop3A_511, %parallel_loop3A_512] {strides = array<i32>} : memref<112x480xf32, #tpu.memory_space<vmem>>, vector<16xf32>,
        tpu.vector_store %arg7[%parallel_loop3A_511, %parallel_loop3A_512], %parallel_loop3A_510 {strides = array<i32>} : memref<112x480xf32, #tpu.memory_space<vmem>>, vector<16xf32>,
        %parallel_loop3A_514 = arith.constant 80 : index
        %parallel_loop3A_515 = tpu.vector_load %arg8[%parallel_loop3A_514] {strides = array<i32>} : memref<480xf32, #tpu.memory_space<vmem>>, vector<16xf32>,
        %parallel_loop3A_516 = arith.mulf %parallel_loop3A_399, %parallel_loop3A_515 : vector<16xf32>
        %parallel_loop3A_517 = vector.broadcast %parallel_loop3A_346 : f32 to vector<16xf32>
        %parallel_loop3A_518 = arith.subf %parallel_loop3A_204, %parallel_loop3A_517 : vector<16xf32>
        %parallel_loop3A_519 = arith.mulf %parallel_loop3A_518, %parallel_loop3A_516 : vector<16xf32>
        %parallel_loop3A_520 = arith.constant 80 : index
        %parallel_loop3A_521 = tpu.vector_load %arg9[%parallel_loop3A_520] {strides = array<i32>} : memref<480xf32, #tpu.memory_space<vmem>>, vector<16xf32>,
        %parallel_loop3A_522 = arith.addf %parallel_loop3A_519, %parallel_loop3A_521 : vector<16xf32>
        %parallel_loop3A_523 = arith.index_cast %parallel_loop3A_186 : i32 to index
        %parallel_loop3A_524 = arith.constant 80 : index
        %parallel_loop3A_525 = tpu.vector_load %arg7[%parallel_loop3A_523, %parallel_loop3A_524] {strides = array<i32>} : memref<112x480xf32, #tpu.memory_space<vmem>>, vector<16xf32>,
        tpu.vector_store %arg7[%parallel_loop3A_523, %parallel_loop3A_524], %parallel_loop3A_522 {strides = array<i32>} : memref<112x480xf32, #tpu.memory_space<vmem>>, vector<16xf32>,
        %parallel_loop3A_526 = arith.constant 96 : index
        %parallel_loop3A_527 = tpu.vector_load %arg8[%parallel_loop3A_526] {strides = array<i32>} : memref<480xf32, #tpu.memory_space<vmem>>, vector<16xf32>,
        %parallel_loop3A_528 = arith.mulf %parallel_loop3A_399, %parallel_loop3A_527 : vector<16xf32>
        %parallel_loop3A_529 = vector.broadcast %parallel_loop3A_346 : f32 to vector<16xf32>
        %parallel_loop3A_530 = arith.subf %parallel_loop3A_207, %parallel_loop3A_529 : vector<16xf32>
        %parallel_loop3A_531 = arith.mulf %parallel_loop3A_530, %parallel_loop3A_528 : vector<16xf32>
        %parallel_loop3A_532 = arith.constant 96 : index
        %parallel_loop3A_533 = tpu.vector_load %arg9[%parallel_loop3A_532] {strides = array<i32>} : memref<480xf32, #tpu.memory_space<vmem>>, vector<16xf32>,
        %parallel_loop3A_534 = arith.addf %parallel_loop3A_531, %parallel_loop3A_533 : vector<16xf32>
        %parallel_loop3A_535 = arith.index_cast %parallel_loop3A_186 : i32 to index
        %parallel_loop3A_536 = arith.constant 96 : index
        %parallel_loop3A_537 = tpu.vector_load %arg7[%parallel_loop3A_535, %parallel_loop3A_536] {strides = array<i32>} : memref<112x480xf32, #tpu.memory_space<vmem>>, vector<16xf32>,
        tpu.vector_store %arg7[%parallel_loop3A_535, %parallel_loop3A_536], %parallel_loop3A_534 {strides = array<i32>} : memref<112x480xf32, #tpu.memory_space<vmem>>, vector<16xf32>,
        %parallel_loop3A_538 = arith.constant 112 : index
        %parallel_loop3A_539 = tpu.vector_load %arg8[%parallel_loop3A_538] {strides = array<i32>} : memref<480xf32, #tpu.memory_space<vmem>>, vector<16xf32>,
        %parallel_loop3A_540 = arith.mulf %parallel_loop3A_399, %parallel_loop3A_539 : vector<16xf32>
        %parallel_loop3A_541 = vector.broadcast %parallel_loop3A_346 : f32 to vector<16xf32>
        %parallel_loop3A_542 = arith.subf %parallel_loop3A_210, %parallel_loop3A_541 : vector<16xf32>
        %parallel_loop3A_543 = arith.mulf %parallel_loop3A_542, %parallel_loop3A_540 : vector<16xf32>
        %parallel_loop3A_544 = arith.constant 112 : index
        %parallel_loop3A_545 = tpu.vector_load %arg9[%parallel_loop3A_544] {strides = array<i32>} : memref<480xf32, #tpu.memory_space<vmem>>, vector<16xf32>,
        %parallel_loop3A_546 = arith.addf %parallel_loop3A_543, %parallel_loop3A_545 : vector<16xf32>
        %parallel_loop3A_547 = arith.index_cast %parallel_loop3A_186 : i32 to index
        %parallel_loop3A_548 = arith.constant 112 : index
        %parallel_loop3A_549 = tpu.vector_load %arg7[%parallel_loop3A_547, %parallel_loop3A_548] {strides = array<i32>} : memref<112x480xf32, #tpu.memory_space<vmem>>, vector<16xf32>,
        tpu.vector_store %arg7[%parallel_loop3A_547, %parallel_loop3A_548], %parallel_loop3A_546 {strides = array<i32>} : memref<112x480xf32, #tpu.memory_space<vmem>>, vector<16xf32>,
        %parallel_loop3A_550 = arith.index_cast %parallel_loop3A_186 : i32 to index
        %parallel_loop3A_551 = arith.constant 128 : index
        %parallel_loop3A_552 = tpu.vector_load %arg6[%parallel_loop3A_550, %parallel_loop3A_551] {strides = array<i32>} : memref<112x480xf32, #tpu.memory_space<vmem>>, vector<16xf32>,
        %parallel_loop3A_553 = arith.constant 128 : index
        %parallel_loop3A_554 = tpu.vector_load %arg8[%parallel_loop3A_553] {strides = array<i32>} : memref<480xf32, #tpu.memory_space<vmem>>, vector<16xf32>,
        %parallel_loop3A_555 = arith.mulf %parallel_loop3A_426, %parallel_loop3A_554 : vector<16xf32>
        %parallel_loop3A_556 = arith.mulf %parallel_loop3A_552, %parallel_loop3A_555 : vector<16xf32>
        %parallel_loop3A_557 = arith.index_cast %parallel_loop3A_186 : i32 to index
        %parallel_loop3A_558 = arith.constant 128 : index
        %parallel_loop3A_559 = tpu.vector_load %arg7[%parallel_loop3A_557, %parallel_loop3A_558] {strides = array<i32>} : memref<112x480xf32, #tpu.memory_space<vmem>>, vector<16xf32>,
        tpu.vector_store %arg7[%parallel_loop3A_557, %parallel_loop3A_558], %parallel_loop3A_556 {strides = array<i32>} : memref<112x480xf32, #tpu.memory_space<vmem>>, vector<16xf32>,
        %parallel_loop3A_560 = arith.index_cast %parallel_loop3A_186 : i32 to index
        %parallel_loop3A_561 = arith.constant 144 : index
        %parallel_loop3A_562 = tpu.vector_load %arg6[%parallel_loop3A_560, %parallel_loop3A_561] {strides = array<i32>} : memref<112x480xf32, #tpu.memory_space<vmem>>, vector<16xf32>,
        %parallel_loop3A_563 = arith.constant 144 : index
        %parallel_loop3A_564 = tpu.vector_load %arg8[%parallel_loop3A_563] {strides = array<i32>} : memref<480xf32, #tpu.memory_space<vmem>>, vector<16xf32>,
        %parallel_loop3A_565 = arith.mulf %parallel_loop3A_426, %parallel_loop3A_564 : vector<16xf32>
        %parallel_loop3A_566 = arith.mulf %parallel_loop3A_562, %parallel_loop3A_565 : vector<16xf32>
        %parallel_loop3A_567 = arith.index_cast %parallel_loop3A_186 : i32 to index
        %parallel_loop3A_568 = arith.constant 144 : index
        %parallel_loop3A_569 = tpu.vector_load %arg7[%parallel_loop3A_567, %parallel_loop3A_568] {strides = array<i32>} : memref<112x480xf32, #tpu.memory_space<vmem>>, vector<16xf32>,
        tpu.vector_store %arg7[%parallel_loop3A_567, %parallel_loop3A_568], %parallel_loop3A_566 {strides = array<i32>} : memref<112x480xf32, #tpu.memory_space<vmem>>, vector<16xf32>,
        %parallel_loop3A_570 = arith.index_cast %parallel_loop3A_186 : i32 to index
        %parallel_loop3A_571 = arith.constant 160 : index
        %parallel_loop3A_572 = tpu.vector_load %arg6[%parallel_loop3A_570, %parallel_loop3A_571] {strides = array<i32>} : memref<112x480xf32, #tpu.memory_space<vmem>>, vector<16xf32>,
        %parallel_loop3A_573 = arith.constant 160 : index
        %parallel_loop3A_574 = tpu.vector_load %arg8[%parallel_loop3A_573] {strides = array<i32>} : memref<480xf32, #tpu.memory_space<vmem>>, vector<16xf32>,
        %parallel_loop3A_575 = arith.mulf %parallel_loop3A_426, %parallel_loop3A_574 : vector<16xf32>
        %parallel_loop3A_576 = arith.mulf %parallel_loop3A_572, %parallel_loop3A_575 : vector<16xf32>
        %parallel_loop3A_577 = arith.index_cast %parallel_loop3A_186 : i32 to index
        %parallel_loop3A_578 = arith.constant 160 : index
        %parallel_loop3A_579 = tpu.vector_load %arg7[%parallel_loop3A_577, %parallel_loop3A_578] {strides = array<i32>} : memref<112x480xf32, #tpu.memory_space<vmem>>, vector<16xf32>,
        tpu.vector_store %arg7[%parallel_loop3A_577, %parallel_loop3A_578], %parallel_loop3A_576 {strides = array<i32>} : memref<112x480xf32, #tpu.memory_space<vmem>>, vector<16xf32>,
        %parallel_loop3A_580 = arith.index_cast %parallel_loop3A_186 : i32 to index
        %parallel_loop3A_581 = arith.constant 176 : index
        %parallel_loop3A_582 = tpu.vector_load %arg6[%parallel_loop3A_580, %parallel_loop3A_581] {strides = array<i32>} : memref<112x480xf32, #tpu.memory_space<vmem>>, vector<16xf32>,
        %parallel_loop3A_583 = arith.constant 176 : index
        %parallel_loop3A_584 = tpu.vector_load %arg8[%parallel_loop3A_583] {strides = array<i32>} : memref<480xf32, #tpu.memory_space<vmem>>, vector<16xf32>,
        %parallel_loop3A_585 = arith.mulf %parallel_loop3A_426, %parallel_loop3A_584 : vector<16xf32>
        %parallel_loop3A_586 = arith.mulf %parallel_loop3A_582, %parallel_loop3A_585 : vector<16xf32>
        %parallel_loop3A_587 = arith.index_cast %parallel_loop3A_186 : i32 to index
        %parallel_loop3A_588 = arith.constant 176 : index
        %parallel_loop3A_589 = tpu.vector_load %arg7[%parallel_loop3A_587, %parallel_loop3A_588] {strides = array<i32>} : memref<112x480xf32, #tpu.memory_space<vmem>>, vector<16xf32>,
        tpu.vector_store %arg7[%parallel_loop3A_587, %parallel_loop3A_588], %parallel_loop3A_586 {strides = array<i32>} : memref<112x480xf32, #tpu.memory_space<vmem>>, vector<16xf32>,
        %parallel_loop3A_590 = arith.index_cast %parallel_loop3A_186 : i32 to index
        %parallel_loop3A_591 = arith.constant 192 : index
        %parallel_loop3A_592 = tpu.vector_load %arg6[%parallel_loop3A_590, %parallel_loop3A_591] {strides = array<i32>} : memref<112x480xf32, #tpu.memory_space<vmem>>, vector<16xf32>,
        %parallel_loop3A_593 = arith.constant 192 : index
        %parallel_loop3A_594 = tpu.vector_load %arg8[%parallel_loop3A_593] {strides = array<i32>} : memref<480xf32, #tpu.memory_space<vmem>>, vector<16xf32>,
        %parallel_loop3A_595 = arith.mulf %parallel_loop3A_426, %parallel_loop3A_594 : vector<16xf32>
        %parallel_loop3A_596 = arith.mulf %parallel_loop3A_592, %parallel_loop3A_595 : vector<16xf32>
        %parallel_loop3A_597 = arith.index_cast %parallel_loop3A_186 : i32 to index
        %parallel_loop3A_598 = arith.constant 192 : index
        %parallel_loop3A_599 = tpu.vector_load %arg7[%parallel_loop3A_597, %parallel_loop3A_598] {strides = array<i32>} : memref<112x480xf32, #tpu.memory_space<vmem>>, vector<16xf32>,
        tpu.vector_store %arg7[%parallel_loop3A_597, %parallel_loop3A_598], %parallel_loop3A_596 {strides = array<i32>} : memref<112x480xf32, #tpu.memory_space<vmem>>, vector<16xf32>,
        %parallel_loop3A_600 = arith.index_cast %parallel_loop3A_186 : i32 to index
        %parallel_loop3A_601 = arith.constant 208 : index
        %parallel_loop3A_602 = tpu.vector_load %arg6[%parallel_loop3A_600, %parallel_loop3A_601] {strides = array<i32>} : memref<112x480xf32, #tpu.memory_space<vmem>>, vector<16xf32>,
        %parallel_loop3A_603 = arith.constant 208 : index
        %parallel_loop3A_604 = tpu.vector_load %arg8[%parallel_loop3A_603] {strides = array<i32>} : memref<480xf32, #tpu.memory_space<vmem>>, vector<16xf32>,
        %parallel_loop3A_605 = arith.mulf %parallel_loop3A_426, %parallel_loop3A_604 : vector<16xf32>
        %parallel_loop3A_606 = arith.mulf %parallel_loop3A_602, %parallel_loop3A_605 : vector<16xf32>
        %parallel_loop3A_607 = arith.index_cast %parallel_loop3A_186 : i32 to index
        %parallel_loop3A_608 = arith.constant 208 : index
        %parallel_loop3A_609 = tpu.vector_load %arg7[%parallel_loop3A_607, %parallel_loop3A_608] {strides = array<i32>} : memref<112x480xf32, #tpu.memory_space<vmem>>, vector<16xf32>,
        tpu.vector_store %arg7[%parallel_loop3A_607, %parallel_loop3A_608], %parallel_loop3A_606 {strides = array<i32>} : memref<112x480xf32, #tpu.memory_space<vmem>>, vector<16xf32>,
        %parallel_loop3A_610 = arith.index_cast %parallel_loop3A_186 : i32 to index
        %parallel_loop3A_611 = arith.constant 224 : index
        %parallel_loop3A_612 = tpu.vector_load %arg6[%parallel_loop3A_610, %parallel_loop3A_611] {strides = array<i32>} : memref<112x480xf32, #tpu.memory_space<vmem>>, vector<16xf32>,
        %parallel_loop3A_613 = arith.constant 224 : index
        %parallel_loop3A_614 = tpu.vector_load %arg8[%parallel_loop3A_613] {strides = array<i32>} : memref<480xf32, #tpu.memory_space<vmem>>, vector<16xf32>,
        %parallel_loop3A_615 = arith.mulf %parallel_loop3A_426, %parallel_loop3A_614 : vector<16xf32>
        %parallel_loop3A_616 = arith.mulf %parallel_loop3A_612, %parallel_loop3A_615 : vector<16xf32>
        %parallel_loop3A_617 = arith.index_cast %parallel_loop3A_186 : i32 to index
        %parallel_loop3A_618 = arith.constant 224 : index
        %parallel_loop3A_619 = tpu.vector_load %arg7[%parallel_loop3A_617, %parallel_loop3A_618] {strides = array<i32>} : memref<112x480xf32, #tpu.memory_space<vmem>>, vector<16xf32>,
        tpu.vector_store %arg7[%parallel_loop3A_617, %parallel_loop3A_618], %parallel_loop3A_616 {strides = array<i32>} : memref<112x480xf32, #tpu.memory_space<vmem>>, vector<16xf32>,
        %parallel_loop3A_620 = arith.index_cast %parallel_loop3A_186 : i32 to index
        %parallel_loop3A_621 = arith.constant 240 : index
        %parallel_loop3A_622 = tpu.vector_load %arg6[%parallel_loop3A_620, %parallel_loop3A_621] {strides = array<i32>} : memref<112x480xf32, #tpu.memory_space<vmem>>, vector<16xf32>,
        %parallel_loop3A_623 = arith.constant 240 : index
        %parallel_loop3A_624 = tpu.vector_load %arg8[%parallel_loop3A_623] {strides = array<i32>} : memref<480xf32, #tpu.memory_space<vmem>>, vector<16xf32>,
        %parallel_loop3A_625 = arith.mulf %parallel_loop3A_426, %parallel_loop3A_624 : vector<16xf32>
        %parallel_loop3A_626 = arith.mulf %parallel_loop3A_622, %parallel_loop3A_625 : vector<16xf32>
        %parallel_loop3A_627 = arith.index_cast %parallel_loop3A_186 : i32 to index
        %parallel_loop3A_628 = arith.constant 240 : index
        %parallel_loop3A_629 = tpu.vector_load %arg7[%parallel_loop3A_627, %parallel_loop3A_628] {strides = array<i32>} : memref<112x480xf32, #tpu.memory_space<vmem>>, vector<16xf32>,
        tpu.vector_store %arg7[%parallel_loop3A_627, %parallel_loop3A_628], %parallel_loop3A_626 {strides = array<i32>} : memref<112x480xf32, #tpu.memory_space<vmem>>, vector<16xf32>,
        %parallel_loop3A_630 = arith.index_cast %parallel_loop3A_186 : i32 to index
        %parallel_loop3A_631 = arith.constant 256 : index
        %parallel_loop3A_632 = tpu.vector_load %arg6[%parallel_loop3A_630, %parallel_loop3A_631] {strides = array<i32>} : memref<112x480xf32, #tpu.memory_space<vmem>>, vector<16xf32>,
        %parallel_loop3A_633 = arith.constant 256 : index
        %parallel_loop3A_634 = tpu.vector_load %arg8[%parallel_loop3A_633] {strides = array<i32>} : memref<480xf32, #tpu.memory_space<vmem>>, vector<16xf32>,
        %parallel_loop3A_635 = arith.mulf %parallel_loop3A_426, %parallel_loop3A_634 : vector<16xf32>
        %parallel_loop3A_636 = arith.mulf %parallel_loop3A_632, %parallel_loop3A_635 : vector<16xf32>
        %parallel_loop3A_637 = arith.index_cast %parallel_loop3A_186 : i32 to index
        %parallel_loop3A_638 = arith.constant 256 : index
        %parallel_loop3A_639 = tpu.vector_load %arg7[%parallel_loop3A_637, %parallel_loop3A_638] {strides = array<i32>} : memref<112x480xf32, #tpu.memory_space<vmem>>, vector<16xf32>,
        tpu.vector_store %arg7[%parallel_loop3A_637, %parallel_loop3A_638], %parallel_loop3A_636 {strides = array<i32>} : memref<112x480xf32, #tpu.memory_space<vmem>>, vector<16xf32>,
        %parallel_loop3A_640 = arith.index_cast %parallel_loop3A_186 : i32 to index
        %parallel_loop3A_641 = arith.constant 272 : index
        %parallel_loop3A_642 = tpu.vector_load %arg6[%parallel_loop3A_640, %parallel_loop3A_641] {strides = array<i32>} : memref<112x480xf32, #tpu.memory_space<vmem>>, vector<16xf32>,
        %parallel_loop3A_643 = arith.constant 272 : index
        %parallel_loop3A_644 = tpu.vector_load %arg8[%parallel_loop3A_643] {strides = array<i32>} : memref<480xf32, #tpu.memory_space<vmem>>, vector<16xf32>,
        %parallel_loop3A_645 = arith.mulf %parallel_loop3A_426, %parallel_loop3A_644 : vector<16xf32>
        %parallel_loop3A_646 = arith.mulf %parallel_loop3A_642, %parallel_loop3A_645 : vector<16xf32>
        %parallel_loop3A_647 = arith.index_cast %parallel_loop3A_186 : i32 to index
        %parallel_loop3A_648 = arith.constant 272 : index
        %parallel_loop3A_649 = tpu.vector_load %arg7[%parallel_loop3A_647, %parallel_loop3A_648] {strides = array<i32>} : memref<112x480xf32, #tpu.memory_space<vmem>>, vector<16xf32>,
        tpu.vector_store %arg7[%parallel_loop3A_647, %parallel_loop3A_648], %parallel_loop3A_646 {strides = array<i32>} : memref<112x480xf32, #tpu.memory_space<vmem>>, vector<16xf32>,
        %parallel_loop3A_650 = arith.index_cast %parallel_loop3A_186 : i32 to index
        %parallel_loop3A_651 = arith.constant 288 : index
        %parallel_loop3A_652 = tpu.vector_load %arg6[%parallel_loop3A_650, %parallel_loop3A_651] {strides = array<i32>} : memref<112x480xf32, #tpu.memory_space<vmem>>, vector<16xf32>,
        %parallel_loop3A_653 = arith.constant 288 : index
        %parallel_loop3A_654 = tpu.vector_load %arg8[%parallel_loop3A_653] {strides = array<i32>} : memref<480xf32, #tpu.memory_space<vmem>>, vector<16xf32>,
        %parallel_loop3A_655 = arith.mulf %parallel_loop3A_426, %parallel_loop3A_654 : vector<16xf32>
        %parallel_loop3A_656 = arith.mulf %parallel_loop3A_652, %parallel_loop3A_655 : vector<16xf32>
        %parallel_loop3A_657 = arith.index_cast %parallel_loop3A_186 : i32 to index
        %parallel_loop3A_658 = arith.constant 288 : index
        %parallel_loop3A_659 = tpu.vector_load %arg7[%parallel_loop3A_657, %parallel_loop3A_658] {strides = array<i32>} : memref<112x480xf32, #tpu.memory_space<vmem>>, vector<16xf32>,
        tpu.vector_store %arg7[%parallel_loop3A_657, %parallel_loop3A_658], %parallel_loop3A_656 {strides = array<i32>} : memref<112x480xf32, #tpu.memory_space<vmem>>, vector<16xf32>,
        %parallel_loop3A_660 = arith.index_cast %parallel_loop3A_186 : i32 to index
        %parallel_loop3A_661 = arith.constant 304 : index
        %parallel_loop3A_662 = tpu.vector_load %arg6[%parallel_loop3A_660, %parallel_loop3A_661] {strides = array<i32>} : memref<112x480xf32, #tpu.memory_space<vmem>>, vector<16xf32>,
        %parallel_loop3A_663 = arith.constant 304 : index
        %parallel_loop3A_664 = tpu.vector_load %arg8[%parallel_loop3A_663] {strides = array<i32>} : memref<480xf32, #tpu.memory_space<vmem>>, vector<16xf32>,
        %parallel_loop3A_665 = arith.mulf %parallel_loop3A_426, %parallel_loop3A_664 : vector<16xf32>
        %parallel_loop3A_666 = arith.mulf %parallel_loop3A_662, %parallel_loop3A_665 : vector<16xf32>
        %parallel_loop3A_667 = arith.index_cast %parallel_loop3A_186 : i32 to index
        %parallel_loop3A_668 = arith.constant 304 : index
        %parallel_loop3A_669 = tpu.vector_load %arg7[%parallel_loop3A_667, %parallel_loop3A_668] {strides = array<i32>} : memref<112x480xf32, #tpu.memory_space<vmem>>, vector<16xf32>,
        tpu.vector_store %arg7[%parallel_loop3A_667, %parallel_loop3A_668], %parallel_loop3A_666 {strides = array<i32>} : memref<112x480xf32, #tpu.memory_space<vmem>>, vector<16xf32>,
        %parallel_loop3A_670 = arith.index_cast %parallel_loop3A_186 : i32 to index
        %parallel_loop3A_671 = arith.constant 320 : index
        %parallel_loop3A_672 = tpu.vector_load %arg6[%parallel_loop3A_670, %parallel_loop3A_671] {strides = array<i32>} : memref<112x480xf32, #tpu.memory_space<vmem>>, vector<16xf32>,
        %parallel_loop3A_673 = arith.constant 320 : index
        %parallel_loop3A_674 = tpu.vector_load %arg8[%parallel_loop3A_673] {strides = array<i32>} : memref<480xf32, #tpu.memory_space<vmem>>, vector<16xf32>,
        %parallel_loop3A_675 = arith.mulf %parallel_loop3A_453, %parallel_loop3A_674 : vector<16xf32>
        %parallel_loop3A_676 = arith.mulf %parallel_loop3A_672, %parallel_loop3A_675 : vector<16xf32>
        %parallel_loop3A_677 = arith.index_cast %parallel_loop3A_186 : i32 to index
        %parallel_loop3A_678 = arith.constant 320 : index
        %parallel_loop3A_679 = tpu.vector_load %arg7[%parallel_loop3A_677, %parallel_loop3A_678] {strides = array<i32>} : memref<112x480xf32, #tpu.memory_space<vmem>>, vector<16xf32>,
        tpu.vector_store %arg7[%parallel_loop3A_677, %parallel_loop3A_678], %parallel_loop3A_676 {strides = array<i32>} : memref<112x480xf32, #tpu.memory_space<vmem>>, vector<16xf32>,
        %parallel_loop3A_680 = arith.index_cast %parallel_loop3A_186 : i32 to index
        %parallel_loop3A_681 = arith.constant 336 : index
        %parallel_loop3A_682 = tpu.vector_load %arg6[%parallel_loop3A_680, %parallel_loop3A_681] {strides = array<i32>} : memref<112x480xf32, #tpu.memory_space<vmem>>, vector<16xf32>,
        %parallel_loop3A_683 = arith.constant 336 : index
        %parallel_loop3A_684 = tpu.vector_load %arg8[%parallel_loop3A_683] {strides = array<i32>} : memref<480xf32, #tpu.memory_space<vmem>>, vector<16xf32>,
        %parallel_loop3A_685 = arith.mulf %parallel_loop3A_453, %parallel_loop3A_684 : vector<16xf32>
        %parallel_loop3A_686 = arith.mulf %parallel_loop3A_682, %parallel_loop3A_685 : vector<16xf32>
        %parallel_loop3A_687 = arith.index_cast %parallel_loop3A_186 : i32 to index
        %parallel_loop3A_688 = arith.constant 336 : index
        %parallel_loop3A_689 = tpu.vector_load %arg7[%parallel_loop3A_687, %parallel_loop3A_688] {strides = array<i32>} : memref<112x480xf32, #tpu.memory_space<vmem>>, vector<16xf32>,
        tpu.vector_store %arg7[%parallel_loop3A_687, %parallel_loop3A_688], %parallel_loop3A_686 {strides = array<i32>} : memref<112x480xf32, #tpu.memory_space<vmem>>, vector<16xf32>,
        %parallel_loop3A_690 = arith.index_cast %parallel_loop3A_186 : i32 to index
        %parallel_loop3A_691 = arith.constant 352 : index
        %parallel_loop3A_692 = tpu.vector_load %arg6[%parallel_loop3A_690, %parallel_loop3A_691] {strides = array<i32>} : memref<112x480xf32, #tpu.memory_space<vmem>>, vector<16xf32>,
        %parallel_loop3A_693 = arith.constant 352 : index
        %parallel_loop3A_694 = tpu.vector_load %arg8[%parallel_loop3A_693] {strides = array<i32>} : memref<480xf32, #tpu.memory_space<vmem>>, vector<16xf32>,
        %parallel_loop3A_695 = arith.mulf %parallel_loop3A_453, %parallel_loop3A_694 : vector<16xf32>
        %parallel_loop3A_696 = arith.mulf %parallel_loop3A_692, %parallel_loop3A_695 : vector<16xf32>
        %parallel_loop3A_697 = arith.index_cast %parallel_loop3A_186 : i32 to index
        %parallel_loop3A_698 = arith.constant 352 : index
        %parallel_loop3A_699 = tpu.vector_load %arg7[%parallel_loop3A_697, %parallel_loop3A_698] {strides = array<i32>} : memref<112x480xf32, #tpu.memory_space<vmem>>, vector<16xf32>,
        tpu.vector_store %arg7[%parallel_loop3A_697, %parallel_loop3A_698], %parallel_loop3A_696 {strides = array<i32>} : memref<112x480xf32, #tpu.memory_space<vmem>>, vector<16xf32>,
        %parallel_loop3A_700 = arith.index_cast %parallel_loop3A_186 : i32 to index
        %parallel_loop3A_701 = arith.constant 368 : index
        %parallel_loop3A_702 = tpu.vector_load %arg6[%parallel_loop3A_700, %parallel_loop3A_701] {strides = array<i32>} : memref<112x480xf32, #tpu.memory_space<vmem>>, vector<16xf32>,
        %parallel_loop3A_703 = arith.constant 368 : index
        %parallel_loop3A_704 = tpu.vector_load %arg8[%parallel_loop3A_703] {strides = array<i32>} : memref<480xf32, #tpu.memory_space<vmem>>, vector<16xf32>,
        %parallel_loop3A_705 = arith.mulf %parallel_loop3A_453, %parallel_loop3A_704 : vector<16xf32>
        %parallel_loop3A_706 = arith.mulf %parallel_loop3A_702, %parallel_loop3A_705 : vector<16xf32>
        %parallel_loop3A_707 = arith.index_cast %parallel_loop3A_186 : i32 to index
        %parallel_loop3A_708 = arith.constant 368 : index
        %parallel_loop3A_709 = tpu.vector_load %arg7[%parallel_loop3A_707, %parallel_loop3A_708] {strides = array<i32>} : memref<112x480xf32, #tpu.memory_space<vmem>>, vector<16xf32>,
        tpu.vector_store %arg7[%parallel_loop3A_707, %parallel_loop3A_708], %parallel_loop3A_706 {strides = array<i32>} : memref<112x480xf32, #tpu.memory_space<vmem>>, vector<16xf32>,
        %parallel_loop3A_710 = arith.index_cast %parallel_loop3A_186 : i32 to index
        %parallel_loop3A_711 = arith.constant 384 : index
        %parallel_loop3A_712 = tpu.vector_load %arg6[%parallel_loop3A_710, %parallel_loop3A_711] {strides = array<i32>} : memref<112x480xf32, #tpu.memory_space<vmem>>, vector<16xf32>,
        %parallel_loop3A_713 = arith.constant 384 : index
        %parallel_loop3A_714 = tpu.vector_load %arg8[%parallel_loop3A_713] {strides = array<i32>} : memref<480xf32, #tpu.memory_space<vmem>>, vector<16xf32>,
        %parallel_loop3A_715 = arith.mulf %parallel_loop3A_453, %parallel_loop3A_714 : vector<16xf32>
        %parallel_loop3A_716 = arith.mulf %parallel_loop3A_712, %parallel_loop3A_715 : vector<16xf32>
        %parallel_loop3A_717 = arith.index_cast %parallel_loop3A_186 : i32 to index
        %parallel_loop3A_718 = arith.constant 384 : index
        %parallel_loop3A_719 = tpu.vector_load %arg7[%parallel_loop3A_717, %parallel_loop3A_718] {strides = array<i32>} : memref<112x480xf32, #tpu.memory_space<vmem>>, vector<16xf32>,
        tpu.vector_store %arg7[%parallel_loop3A_717, %parallel_loop3A_718], %parallel_loop3A_716 {strides = array<i32>} : memref<112x480xf32, #tpu.memory_space<vmem>>, vector<16xf32>,
        %parallel_loop3A_720 = arith.index_cast %parallel_loop3A_186 : i32 to index
        %parallel_loop3A_721 = arith.constant 400 : index
        %parallel_loop3A_722 = tpu.vector_load %arg6[%parallel_loop3A_720, %parallel_loop3A_721] {strides = array<i32>} : memref<112x480xf32, #tpu.memory_space<vmem>>, vector<16xf32>,
        %parallel_loop3A_723 = arith.constant 400 : index
        %parallel_loop3A_724 = tpu.vector_load %arg8[%parallel_loop3A_723] {strides = array<i32>} : memref<480xf32, #tpu.memory_space<vmem>>, vector<16xf32>,
        %parallel_loop3A_725 = arith.mulf %parallel_loop3A_453, %parallel_loop3A_724 : vector<16xf32>
        %parallel_loop3A_726 = arith.mulf %parallel_loop3A_722, %parallel_loop3A_725 : vector<16xf32>
        %parallel_loop3A_727 = arith.index_cast %parallel_loop3A_186 : i32 to index
        %parallel_loop3A_728 = arith.constant 400 : index
        %parallel_loop3A_729 = tpu.vector_load %arg7[%parallel_loop3A_727, %parallel_loop3A_728] {strides = array<i32>} : memref<112x480xf32, #tpu.memory_space<vmem>>, vector<16xf32>,
        tpu.vector_store %arg7[%parallel_loop3A_727, %parallel_loop3A_728], %parallel_loop3A_726 {strides = array<i32>} : memref<112x480xf32, #tpu.memory_space<vmem>>, vector<16xf32>,
        %parallel_loop3A_730 = arith.index_cast %parallel_loop3A_186 : i32 to index
        %parallel_loop3A_731 = arith.constant 416 : index
        %parallel_loop3A_732 = tpu.vector_load %arg6[%parallel_loop3A_730, %parallel_loop3A_731] {strides = array<i32>} : memref<112x480xf32, #tpu.memory_space<vmem>>, vector<16xf32>,
        %parallel_loop3A_733 = arith.constant 416 : index
        %parallel_loop3A_734 = tpu.vector_load %arg8[%parallel_loop3A_733] {strides = array<i32>} : memref<480xf32, #tpu.memory_space<vmem>>, vector<16xf32>,
        %parallel_loop3A_735 = arith.mulf %parallel_loop3A_453, %parallel_loop3A_734 : vector<16xf32>
        %parallel_loop3A_736 = arith.mulf %parallel_loop3A_732, %parallel_loop3A_735 : vector<16xf32>
        %parallel_loop3A_737 = arith.index_cast %parallel_loop3A_186 : i32 to index
        %parallel_loop3A_738 = arith.constant 416 : index
        %parallel_loop3A_739 = tpu.vector_load %arg7[%parallel_loop3A_737, %parallel_loop3A_738] {strides = array<i32>} : memref<112x480xf32, #tpu.memory_space<vmem>>, vector<16xf32>,
        tpu.vector_store %arg7[%parallel_loop3A_737, %parallel_loop3A_738], %parallel_loop3A_736 {strides = array<i32>} : memref<112x480xf32, #tpu.memory_space<vmem>>, vector<16xf32>,
        %parallel_loop3A_740 = arith.index_cast %parallel_loop3A_186 : i32 to index
        %parallel_loop3A_741 = arith.constant 432 : index
        %parallel_loop3A_742 = tpu.vector_load %arg6[%parallel_loop3A_740, %parallel_loop3A_741] {strides = array<i32>} : memref<112x480xf32, #tpu.memory_space<vmem>>, vector<16xf32>,
        %parallel_loop3A_743 = arith.constant 432 : index
        %parallel_loop3A_744 = tpu.vector_load %arg8[%parallel_loop3A_743] {strides = array<i32>} : memref<480xf32, #tpu.memory_space<vmem>>, vector<16xf32>,
        %parallel_loop3A_745 = arith.mulf %parallel_loop3A_453, %parallel_loop3A_744 : vector<16xf32>
        %parallel_loop3A_746 = arith.mulf %parallel_loop3A_742, %parallel_loop3A_745 : vector<16xf32>
        %parallel_loop3A_747 = arith.index_cast %parallel_loop3A_186 : i32 to index
        %parallel_loop3A_748 = arith.constant 432 : index
        %parallel_loop3A_749 = tpu.vector_load %arg7[%parallel_loop3A_747, %parallel_loop3A_748] {strides = array<i32>} : memref<112x480xf32, #tpu.memory_space<vmem>>, vector<16xf32>,
        tpu.vector_store %arg7[%parallel_loop3A_747, %parallel_loop3A_748], %parallel_loop3A_746 {strides = array<i32>} : memref<112x480xf32, #tpu.memory_space<vmem>>, vector<16xf32>,
        %parallel_loop3A_750 = arith.index_cast %parallel_loop3A_186 : i32 to index
        %parallel_loop3A_751 = arith.constant 448 : index
        %parallel_loop3A_752 = tpu.vector_load %arg6[%parallel_loop3A_750, %parallel_loop3A_751] {strides = array<i32>} : memref<112x480xf32, #tpu.memory_space<vmem>>, vector<16xf32>,
        %parallel_loop3A_753 = arith.constant 448 : index
        %parallel_loop3A_754 = tpu.vector_load %arg8[%parallel_loop3A_753] {strides = array<i32>} : memref<480xf32, #tpu.memory_space<vmem>>, vector<16xf32>,
        %parallel_loop3A_755 = arith.mulf %parallel_loop3A_453, %parallel_loop3A_754 : vector<16xf32>
        %parallel_loop3A_756 = arith.mulf %parallel_loop3A_752, %parallel_loop3A_755 : vector<16xf32>
        %parallel_loop3A_757 = arith.index_cast %parallel_loop3A_186 : i32 to index
        %parallel_loop3A_758 = arith.constant 448 : index
        %parallel_loop3A_759 = tpu.vector_load %arg7[%parallel_loop3A_757, %parallel_loop3A_758] {strides = array<i32>} : memref<112x480xf32, #tpu.memory_space<vmem>>, vector<16xf32>,
        tpu.vector_store %arg7[%parallel_loop3A_757, %parallel_loop3A_758], %parallel_loop3A_756 {strides = array<i32>} : memref<112x480xf32, #tpu.memory_space<vmem>>, vector<16xf32>,
        %parallel_loop3A_760 = arith.index_cast %parallel_loop3A_186 : i32 to index
        %parallel_loop3A_761 = arith.constant 464 : index
        %parallel_loop3A_762 = tpu.vector_load %arg6[%parallel_loop3A_760, %parallel_loop3A_761] {strides = array<i32>} : memref<112x480xf32, #tpu.memory_space<vmem>>, vector<16xf32>,
        %parallel_loop3A_763 = arith.constant 464 : index
        %parallel_loop3A_764 = tpu.vector_load %arg8[%parallel_loop3A_763] {strides = array<i32>} : memref<480xf32, #tpu.memory_space<vmem>>, vector<16xf32>,
        %parallel_loop3A_765 = arith.mulf %parallel_loop3A_453, %parallel_loop3A_764 : vector<16xf32>
        %parallel_loop3A_766 = arith.mulf %parallel_loop3A_762, %parallel_loop3A_765 : vector<16xf32>
        %parallel_loop3A_767 = arith.index_cast %parallel_loop3A_186 : i32 to index
        %parallel_loop3A_768 = arith.constant 464 : index
        %parallel_loop3A_769 = tpu.vector_load %arg7[%parallel_loop3A_767, %parallel_loop3A_768] {strides = array<i32>} : memref<112x480xf32, #tpu.memory_space<vmem>>, vector<16xf32>,
        tpu.vector_store %arg7[%parallel_loop3A_767, %parallel_loop3A_768], %parallel_loop3A_766 {strides = array<i32>} : memref<112x480xf32, #tpu.memory_space<vmem>>, vector<16xf32>,
      } {sc.loop_unroll_factor = 4 : i64, sc.parallel_access}
      %mul3A_108 = arith.constant 56 : i32
      %mul3A_109 = arith.muli %add3A_77, %mul3A_108 : i32
      %sub3A_110 = arith.constant 56 : i32
      %sub3A_111 = arith.subi %mul3A_12, %sub3A_110 : i32
      %min3A_112 = arith.minsi %mul3A_109, %sub3A_111 : i32
      %add3A_113 = arith.addi %mul3A_6, %min3A_112 : i32
      %dma_start3A_114 = arith.constant 0 : i32
      %dma_start3A_115 = arith.constant 0 : i32
      %dma_start3A_116 = arith.constant 0 : i32
      %dma_start3A_117 = tpu.memref_slice %arg7[%dma_start3A_115, %dma_start3A_116] : memref<112x480xf32, #tpu.memory_space<vmem>> -> memref<56x480xf32, #tpu.memory_space<vmem>>
      %dma_start3A_118 = arith.constant 0 : i32
      %dma_start3A_119 = tpu.memref_slice %arg5[%add3A_113, %dma_start3A_118] : memref<50000x480xf32, #tpu.memory_space<hbm>> -> memref<56x480xf32, #tpu.memory_space<hbm>>
      %dma_start3A_120 = tpu.memref_slice %arg11[%dma_start3A_114] : memref<2x!tpu.dma_semaphore, #tpu.memory_space<semaphore_mem>> -> memref<1x!tpu.dma_semaphore, #tpu.memory_space<semaphore_mem>>
      %dma_start3A_121 = tpu.memref_squeeze %dma_start3A_120 : memref<1x!tpu.dma_semaphore, #tpu.memory_space<semaphore_mem>> -> memref<!tpu.dma_semaphore, #tpu.memory_space<semaphore_mem>>
      %dma_start3A_122 = arith.constant 0 : i32
      %dma_start3A_123 = tpu.memref_slice %arg5[%add3A_113, %dma_start3A_122] : memref<50000x480xf32, #tpu.memory_space<hbm>> -> memref<56x480xf32, #tpu.memory_space<hbm>>
      %dma_start3A_124 = arith.constant 0 : i32
      %dma_start3A_125 = arith.constant 0 : i32
      %dma_start3A_126 = tpu.memref_slice %arg7[%dma_start3A_124, %dma_start3A_125] : memref<112x480xf32, #tpu.memory_space<vmem>> -> memref<56x480xf32, #tpu.memory_space<vmem>>
      tpu.enqueue_dma source(%dma_start3A_126 : memref<56x480xf32, #tpu.memory_space<vmem>>) target(%dma_start3A_123 : memref<56x480xf32, #tpu.memory_space<hbm>>) target_semaphore(%dma_start3A_121 : memref<!tpu.dma_semaphore, #tpu.memory_space<semaphore_mem>>)
      %mul3A_127 = arith.constant 2 : i32
      %mul3A_128 = arith.muli %scan3A_73, %mul3A_127 : i32
      %add3A_129 = arith.constant 1 : i32
      %add3A_130 = arith.addi %mul3A_128, %add3A_129 : i32
      %add3A_131 = arith.constant 1 : i32
      %add3A_132 = arith.addi %add3A_130, %add3A_131 : i32
      %lt3A_133 = arith.constant 28 : i32
      %lt3A_134 = arith.cmpi slt, %add3A_132, %lt3A_133 : i32
      %convert_element_type3A_135 = arith.extui %lt3A_134 : i1 to i32
      %cond3A_136 = arith.constant 0 : i32
      %cond3A_137 = arith.cmpi ne, %convert_element_type3A_135, %cond3A_136 : i32
      scf.if %cond3A_137 {
        %add3A_184 = arith.constant 1 : i32
        %add3A_185 = arith.addi %add3A_130, %add3A_184 : i32
        %mul3A_186 = arith.constant 56 : i32
        %mul3A_187 = arith.muli %add3A_185, %mul3A_186 : i32
        %sub3A_188 = arith.constant 56 : i32
        %sub3A_189 = arith.subi %mul3A_12, %sub3A_188 : i32
        %min3A_190 = arith.minsi %mul3A_187, %sub3A_189 : i32
        %add3A_191 = arith.addi %mul3A_6, %min3A_190 : i32
        %dma_start3A_192 = arith.constant 0 : i32
        %dma_start3A_193 = arith.constant 0 : i32
        %dma_start3A_194 = arith.constant 0 : i32
        %dma_start3A_195 = tpu.memref_slice %arg6[%dma_start3A_193, %dma_start3A_194] : memref<112x480xf32, #tpu.memory_space<vmem>> -> memref<56x480xf32, #tpu.memory_space<vmem>>
        %dma_start3A_196 = arith.constant 0 : i32
        %dma_start3A_197 = tpu.memref_slice %arg2[%add3A_191, %dma_start3A_196] : memref<50000x480xf32, #tpu.memory_space<hbm>> -> memref<56x480xf32, #tpu.memory_space<hbm>>
        %dma_start3A_198 = tpu.memref_slice %arg10[%dma_start3A_192] : memref<2x!tpu.dma_semaphore, #tpu.memory_space<semaphore_mem>> -> memref<1x!tpu.dma_semaphore, #tpu.memory_space<semaphore_mem>>
        %dma_start3A_199 = tpu.memref_squeeze %dma_start3A_198 : memref<1x!tpu.dma_semaphore, #tpu.memory_space<semaphore_mem>> -> memref<!tpu.dma_semaphore, #tpu.memory_space<semaphore_mem>>
        %dma_start3A_200 = arith.constant 0 : i32
        %dma_start3A_201 = arith.constant 0 : i32
        %dma_start3A_202 = tpu.memref_slice %arg6[%dma_start3A_200, %dma_start3A_201] : memref<112x480xf32, #tpu.memory_space<vmem>> -> memref<56x480xf32, #tpu.memory_space<vmem>>
        %dma_start3A_203 = arith.constant 0 : i32
        %dma_start3A_204 = tpu.memref_slice %arg2[%add3A_191, %dma_start3A_203] : memref<50000x480xf32, #tpu.memory_space<hbm>> -> memref<56x480xf32, #tpu.memory_space<hbm>>
        tpu.enqueue_dma source(%dma_start3A_204 : memref<56x480xf32, #tpu.memory_space<hbm>>) target(%dma_start3A_202 : memref<56x480xf32, #tpu.memory_space<vmem>>) target_semaphore(%dma_start3A_199 : memref<!tpu.dma_semaphore, #tpu.memory_space<semaphore_mem>>)
      } else {
      }
      %mul3A_138 = arith.constant 56 : i32
      %mul3A_139 = arith.muli %add3A_130, %mul3A_138 : i32
      %sub3A_140 = arith.constant 56 : i32
      %sub3A_141 = arith.subi %mul3A_12, %sub3A_140 : i32
      %min3A_142 = arith.minsi %mul3A_139, %sub3A_141 : i32
      %add3A_143 = arith.addi %mul3A_6, %min3A_142 : i32
      %dma_wait3A_144 = arith.constant 1 : i32
      %dma_wait3A_145 = arith.constant 56 : i32
      %dma_wait3A_146 = arith.constant 0 : i32
      %dma_wait3A_147 = tpu.memref_slice %arg6[%dma_wait3A_145, %dma_wait3A_146] : memref<112x480xf32, #tpu.memory_space<vmem>> -> memref<56x480xf32, #tpu.memory_space<vmem>>
      %dma_wait3A_148 = arith.constant 0 : i32
      %dma_wait3A_149 = tpu.memref_slice %arg2[%add3A_143, %dma_wait3A_148] : memref<50000x480xf32, #tpu.memory_space<hbm>> -> memref<56x480xf32, #tpu.memory_space<hbm>>
      %dma_wait3A_150 = tpu.memref_slice %arg10[%dma_wait3A_144] : memref<2x!tpu.dma_semaphore, #tpu.memory_space<semaphore_mem>> -> memref<1x!tpu.dma_semaphore, #tpu.memory_space<semaphore_mem>>
      %dma_wait3A_151 = tpu.memref_squeeze %dma_wait3A_150 : memref<1x!tpu.dma_semaphore, #tpu.memory_space<semaphore_mem>> -> memref<!tpu.dma_semaphore, #tpu.memory_space<semaphore_mem>>
      %dma_wait3A_152 = arith.constant 56 : i32
      %dma_wait3A_153 = arith.constant 0 : i32
      %dma_wait3A_154 = tpu.memref_slice %arg6[%dma_wait3A_152, %dma_wait3A_153] : memref<112x480xf32, #tpu.memory_space<vmem>> -> memref<56x480xf32, #tpu.memory_space<vmem>>
      %dma_wait3A_155 = arith.constant 0 : i32
      %dma_wait3A_156 = tpu.memref_slice %arg2[%add3A_143, %dma_wait3A_155] : memref<50000x480xf32, #tpu.memory_space<hbm>> -> memref<56x480xf32, #tpu.memory_space<hbm>>
      tpu.wait_dma2 semaphore(%dma_wait3A_151 : memref<!tpu.dma_semaphore, #tpu.memory_space<semaphore_mem>>) src(%dma_wait3A_156 : memref<56x480xf32, #tpu.memory_space<hbm>>) dst(%dma_wait3A_154 : memref<56x480xf32, #tpu.memory_space<vmem>>)
      %ge3A_157 = arith.constant 2 : i32
      %ge3A_158 = arith.cmpi sge, %add3A_130, %ge3A_157 : i32
      %convert_element_type3A_159 = arith.extui %ge3A_158 : i1 to i32
      %cond3A_160 = arith.constant 0 : i32
      %cond3A_161 = arith.cmpi ne, %convert_element_type3A_159, %cond3A_160 : i32
      scf.if %cond3A_161 {
        %mul3A_184 = arith.constant 56 : i32
        %mul3A_185 = arith.muli %add3A_130, %mul3A_184 : i32
        %sub3A_186 = arith.constant 56 : i32
        %sub3A_187 = arith.subi %mul3A_12, %sub3A_186 : i32
        %min3A_188 = arith.minsi %mul3A_185, %sub3A_187 : i32
        %add3A_189 = arith.addi %mul3A_6, %min3A_188 : i32
        %dma_wait3A_190 = arith.constant 1 : i32
        %dma_wait3A_191 = arith.constant 56 : i32
        %dma_wait3A_192 = arith.constant 0 : i32
        %dma_wait3A_193 = tpu.memref_slice %arg7[%dma_wait3A_191, %dma_wait3A_192] : memref<112x480xf32, #tpu.memory_space<vmem>> -> memref<56x480xf32, #tpu.memory_space<vmem>>
        %dma_wait3A_194 = arith.constant 0 : i32
        %dma_wait3A_195 = tpu.memref_slice %arg5[%add3A_189, %dma_wait3A_194] : memref<50000x480xf32, #tpu.memory_space<hbm>> -> memref<56x480xf32, #tpu.memory_space<hbm>>
        %dma_wait3A_196 = tpu.memref_slice %arg11[%dma_wait3A_190] : memref<2x!tpu.dma_semaphore, #tpu.memory_space<semaphore_mem>> -> memref<1x!tpu.dma_semaphore, #tpu.memory_space<semaphore_mem>>
        %dma_wait3A_197 = tpu.memref_squeeze %dma_wait3A_196 : memref<1x!tpu.dma_semaphore, #tpu.memory_space<semaphore_mem>> -> memref<!tpu.dma_semaphore, #tpu.memory_space<semaphore_mem>>
        %dma_wait3A_198 = arith.constant 0 : i32
        %dma_wait3A_199 = tpu.memref_slice %arg5[%add3A_189, %dma_wait3A_198] : memref<50000x480xf32, #tpu.memory_space<hbm>> -> memref<56x480xf32, #tpu.memory_space<hbm>>
        %dma_wait3A_200 = arith.constant 56 : i32
        %dma_wait3A_201 = arith.constant 0 : i32
        %dma_wait3A_202 = tpu.memref_slice %arg7[%dma_wait3A_200, %dma_wait3A_201] : memref<112x480xf32, #tpu.memory_space<vmem>> -> memref<56x480xf32, #tpu.memory_space<vmem>>
        tpu.wait_dma2 semaphore(%dma_wait3A_197 : memref<!tpu.dma_semaphore, #tpu.memory_space<semaphore_mem>>) src(%dma_wait3A_202 : memref<56x480xf32, #tpu.memory_space<vmem>>) dst(%dma_wait3A_199 : memref<56x480xf32, #tpu.memory_space<hbm>>)
      } else {
      }
      %parallel_loop3A_162 = arith.constant 0 : i32
      %parallel_loop3A_163 = arith.constant 56 : i32
      %parallel_loop3A_164 = arith.constant 1 : i32
      scf.for %parallel_loop3A_184 = %parallel_loop3A_162 to %parallel_loop3A_163 step %parallel_loop3A_164  : i32 {
        %parallel_loop3A_185 = arith.constant 56 : i32
        %parallel_loop3A_186 = arith.addi %parallel_loop3A_185, %parallel_loop3A_184 : i32
        %parallel_loop3A_187 = arith.index_cast %parallel_loop3A_186 : i32 to index
        %parallel_loop3A_188 = arith.constant 0 : index
        %parallel_loop3A_189 = tpu.vector_load %arg6[%parallel_loop3A_187, %parallel_loop3A_188] {strides = array<i32>} : memref<112x480xf32, #tpu.memory_space<vmem>>, vector<16xf32>,
        %parallel_loop3A_190 = arith.index_cast %parallel_loop3A_186 : i32 to index
        %parallel_loop3A_191 = arith.constant 16 : index
        %parallel_loop3A_192 = tpu.vector_load %arg6[%parallel_loop3A_190, %parallel_loop3A_191] {strides = array<i32>} : memref<112x480xf32, #tpu.memory_space<vmem>>, vector<16xf32>,
        %parallel_loop3A_193 = arith.index_cast %parallel_loop3A_186 : i32 to index
        %parallel_loop3A_194 = arith.constant 32 : index
        %parallel_loop3A_195 = tpu.vector_load %arg6[%parallel_loop3A_193, %parallel_loop3A_194] {strides = array<i32>} : memref<112x480xf32, #tpu.memory_space<vmem>>, vector<16xf32>,
        %parallel_loop3A_196 = arith.index_cast %parallel_loop3A_186 : i32 to index
        %parallel_loop3A_197 = arith.constant 48 : index
        %parallel_loop3A_198 = tpu.vector_load %arg6[%parallel_loop3A_196, %parallel_loop3A_197] {strides = array<i32>} : memref<112x480xf32, #tpu.memory_space<vmem>>, vector<16xf32>,
        %parallel_loop3A_199 = arith.index_cast %parallel_loop3A_186 : i32 to index
        %parallel_loop3A_200 = arith.constant 64 : index
        %parallel_loop3A_201 = tpu.vector_load %arg6[%parallel_loop3A_199, %parallel_loop3A_200] {strides = array<i32>} : memref<112x480xf32, #tpu.memory_space<vmem>>, vector<16xf32>,
        %parallel_loop3A_202 = arith.index_cast %parallel_loop3A_186 : i32 to index
        %parallel_loop3A_203 = arith.constant 80 : index
        %parallel_loop3A_204 = tpu.vector_load %arg6[%parallel_loop3A_202, %parallel_loop3A_203] {strides = array<i32>} : memref<112x480xf32, #tpu.memory_space<vmem>>, vector<16xf32>,
        %parallel_loop3A_205 = arith.index_cast %parallel_loop3A_186 : i32 to index
        %parallel_loop3A_206 = arith.constant 96 : index
        %parallel_loop3A_207 = tpu.vector_load %arg6[%parallel_loop3A_205, %parallel_loop3A_206] {strides = array<i32>} : memref<112x480xf32, #tpu.memory_space<vmem>>, vector<16xf32>,
        %parallel_loop3A_208 = arith.index_cast %parallel_loop3A_186 : i32 to index
        %parallel_loop3A_209 = arith.constant 112 : index
        %parallel_loop3A_210 = tpu.vector_load %arg6[%parallel_loop3A_208, %parallel_loop3A_209] {strides = array<i32>} : memref<112x480xf32, #tpu.memory_space<vmem>>, vector<16xf32>,
        %parallel_loop3A_211 = arith.addf %parallel_loop3A_189, %parallel_loop3A_192 : vector<16xf32>
        %parallel_loop3A_212 = arith.addf %parallel_loop3A_195, %parallel_loop3A_198 : vector<16xf32>
        %parallel_loop3A_213 = arith.addf %parallel_loop3A_201, %parallel_loop3A_204 : vector<16xf32>
        %parallel_loop3A_214 = arith.addf %parallel_loop3A_207, %parallel_loop3A_210 : vector<16xf32>
        %parallel_loop3A_215 = arith.addf %parallel_loop3A_211, %parallel_loop3A_212 : vector<16xf32>
        %parallel_loop3A_216 = arith.addf %parallel_loop3A_213, %parallel_loop3A_214 : vector<16xf32>
        %parallel_loop3A_217 = arith.addf %parallel_loop3A_215, %parallel_loop3A_216 : vector<16xf32>
        %parallel_loop3A_218 = arith.mulf %parallel_loop3A_189, %parallel_loop3A_189 : vector<16xf32>
        %parallel_loop3A_219 = arith.mulf %parallel_loop3A_192, %parallel_loop3A_192 : vector<16xf32>
        %parallel_loop3A_220 = arith.mulf %parallel_loop3A_195, %parallel_loop3A_195 : vector<16xf32>
        %parallel_loop3A_221 = arith.mulf %parallel_loop3A_198, %parallel_loop3A_198 : vector<16xf32>
        %parallel_loop3A_222 = arith.mulf %parallel_loop3A_201, %parallel_loop3A_201 : vector<16xf32>
        %parallel_loop3A_223 = arith.mulf %parallel_loop3A_204, %parallel_loop3A_204 : vector<16xf32>
        %parallel_loop3A_224 = arith.mulf %parallel_loop3A_207, %parallel_loop3A_207 : vector<16xf32>
        %parallel_loop3A_225 = arith.mulf %parallel_loop3A_210, %parallel_loop3A_210 : vector<16xf32>
        %parallel_loop3A_226 = arith.addf %parallel_loop3A_218, %parallel_loop3A_219 : vector<16xf32>
        %parallel_loop3A_227 = arith.addf %parallel_loop3A_220, %parallel_loop3A_221 : vector<16xf32>
        %parallel_loop3A_228 = arith.addf %parallel_loop3A_222, %parallel_loop3A_223 : vector<16xf32>
        %parallel_loop3A_229 = arith.addf %parallel_loop3A_224, %parallel_loop3A_225 : vector<16xf32>
        %parallel_loop3A_230 = arith.addf %parallel_loop3A_226, %parallel_loop3A_227 : vector<16xf32>
        %parallel_loop3A_231 = arith.addf %parallel_loop3A_228, %parallel_loop3A_229 : vector<16xf32>
        %parallel_loop3A_232 = arith.addf %parallel_loop3A_230, %parallel_loop3A_231 : vector<16xf32>
        %parallel_loop3A_233 = arith.index_cast %parallel_loop3A_186 : i32 to index
        %parallel_loop3A_234 = arith.constant 128 : index
        %parallel_loop3A_235 = tpu.vector_load %arg6[%parallel_loop3A_233, %parallel_loop3A_234] {strides = array<i32>} : memref<112x480xf32, #tpu.memory_space<vmem>>, vector<16xf32>,
        %parallel_loop3A_236 = arith.mulf %parallel_loop3A_235, %parallel_loop3A_235 : vector<16xf32>
        %parallel_loop3A_237 = arith.index_cast %parallel_loop3A_186 : i32 to index
        %parallel_loop3A_238 = arith.constant 144 : index
        %parallel_loop3A_239 = tpu.vector_load %arg6[%parallel_loop3A_237, %parallel_loop3A_238] {strides = array<i32>} : memref<112x480xf32, #tpu.memory_space<vmem>>, vector<16xf32>,
        %parallel_loop3A_240 = arith.mulf %parallel_loop3A_239, %parallel_loop3A_239 : vector<16xf32>
        %parallel_loop3A_241 = arith.index_cast %parallel_loop3A_186 : i32 to index
        %parallel_loop3A_242 = arith.constant 160 : index
        %parallel_loop3A_243 = tpu.vector_load %arg6[%parallel_loop3A_241, %parallel_loop3A_242] {strides = array<i32>} : memref<112x480xf32, #tpu.memory_space<vmem>>, vector<16xf32>,
        %parallel_loop3A_244 = arith.mulf %parallel_loop3A_243, %parallel_loop3A_243 : vector<16xf32>
        %parallel_loop3A_245 = arith.addf %parallel_loop3A_236, %parallel_loop3A_244 : vector<16xf32>
        %parallel_loop3A_246 = arith.index_cast %parallel_loop3A_186 : i32 to index
        %parallel_loop3A_247 = arith.constant 176 : index
        %parallel_loop3A_248 = tpu.vector_load %arg6[%parallel_loop3A_246, %parallel_loop3A_247] {strides = array<i32>} : memref<112x480xf32, #tpu.memory_space<vmem>>, vector<16xf32>,
        %parallel_loop3A_249 = arith.mulf %parallel_loop3A_248, %parallel_loop3A_248 : vector<16xf32>
        %parallel_loop3A_250 = arith.addf %parallel_loop3A_240, %parallel_loop3A_249 : vector<16xf32>
        %parallel_loop3A_251 = arith.index_cast %parallel_loop3A_186 : i32 to index
        %parallel_loop3A_252 = arith.constant 192 : index
        %parallel_loop3A_253 = tpu.vector_load %arg6[%parallel_loop3A_251, %parallel_loop3A_252] {strides = array<i32>} : memref<112x480xf32, #tpu.memory_space<vmem>>, vector<16xf32>,
        %parallel_loop3A_254 = arith.mulf %parallel_loop3A_253, %parallel_loop3A_253 : vector<16xf32>
        %parallel_loop3A_255 = arith.addf %parallel_loop3A_245, %parallel_loop3A_254 : vector<16xf32>
        %parallel_loop3A_256 = arith.index_cast %parallel_loop3A_186 : i32 to index
        %parallel_loop3A_257 = arith.constant 208 : index
        %parallel_loop3A_258 = tpu.vector_load %arg6[%parallel_loop3A_256, %parallel_loop3A_257] {strides = array<i32>} : memref<112x480xf32, #tpu.memory_space<vmem>>, vector<16xf32>,
        %parallel_loop3A_259 = arith.mulf %parallel_loop3A_258, %parallel_loop3A_258 : vector<16xf32>
        %parallel_loop3A_260 = arith.addf %parallel_loop3A_250, %parallel_loop3A_259 : vector<16xf32>
        %parallel_loop3A_261 = arith.index_cast %parallel_loop3A_186 : i32 to index
        %parallel_loop3A_262 = arith.constant 224 : index
        %parallel_loop3A_263 = tpu.vector_load %arg6[%parallel_loop3A_261, %parallel_loop3A_262] {strides = array<i32>} : memref<112x480xf32, #tpu.memory_space<vmem>>, vector<16xf32>,
        %parallel_loop3A_264 = arith.mulf %parallel_loop3A_263, %parallel_loop3A_263 : vector<16xf32>
        %parallel_loop3A_265 = arith.addf %parallel_loop3A_255, %parallel_loop3A_264 : vector<16xf32>
        %parallel_loop3A_266 = arith.index_cast %parallel_loop3A_186 : i32 to index
        %parallel_loop3A_267 = arith.constant 240 : index
        %parallel_loop3A_268 = tpu.vector_load %arg6[%parallel_loop3A_266, %parallel_loop3A_267] {strides = array<i32>} : memref<112x480xf32, #tpu.memory_space<vmem>>, vector<16xf32>,
        %parallel_loop3A_269 = arith.mulf %parallel_loop3A_268, %parallel_loop3A_268 : vector<16xf32>
        %parallel_loop3A_270 = arith.addf %parallel_loop3A_260, %parallel_loop3A_269 : vector<16xf32>
        %parallel_loop3A_271 = arith.index_cast %parallel_loop3A_186 : i32 to index
        %parallel_loop3A_272 = arith.constant 256 : index
        %parallel_loop3A_273 = tpu.vector_load %arg6[%parallel_loop3A_271, %parallel_loop3A_272] {strides = array<i32>} : memref<112x480xf32, #tpu.memory_space<vmem>>, vector<16xf32>,
        %parallel_loop3A_274 = arith.mulf %parallel_loop3A_273, %parallel_loop3A_273 : vector<16xf32>
        %parallel_loop3A_275 = arith.addf %parallel_loop3A_265, %parallel_loop3A_274 : vector<16xf32>
        %parallel_loop3A_276 = arith.index_cast %parallel_loop3A_186 : i32 to index
        %parallel_loop3A_277 = arith.constant 272 : index
        %parallel_loop3A_278 = tpu.vector_load %arg6[%parallel_loop3A_276, %parallel_loop3A_277] {strides = array<i32>} : memref<112x480xf32, #tpu.memory_space<vmem>>, vector<16xf32>,
        %parallel_loop3A_279 = arith.mulf %parallel_loop3A_278, %parallel_loop3A_278 : vector<16xf32>
        %parallel_loop3A_280 = arith.addf %parallel_loop3A_270, %parallel_loop3A_279 : vector<16xf32>
        %parallel_loop3A_281 = arith.index_cast %parallel_loop3A_186 : i32 to index
        %parallel_loop3A_282 = arith.constant 288 : index
        %parallel_loop3A_283 = tpu.vector_load %arg6[%parallel_loop3A_281, %parallel_loop3A_282] {strides = array<i32>} : memref<112x480xf32, #tpu.memory_space<vmem>>, vector<16xf32>,
        %parallel_loop3A_284 = arith.mulf %parallel_loop3A_283, %parallel_loop3A_283 : vector<16xf32>
        %parallel_loop3A_285 = arith.addf %parallel_loop3A_275, %parallel_loop3A_284 : vector<16xf32>
        %parallel_loop3A_286 = arith.index_cast %parallel_loop3A_186 : i32 to index
        %parallel_loop3A_287 = arith.constant 304 : index
        %parallel_loop3A_288 = tpu.vector_load %arg6[%parallel_loop3A_286, %parallel_loop3A_287] {strides = array<i32>} : memref<112x480xf32, #tpu.memory_space<vmem>>, vector<16xf32>,
        %parallel_loop3A_289 = arith.mulf %parallel_loop3A_288, %parallel_loop3A_288 : vector<16xf32>
        %parallel_loop3A_290 = arith.addf %parallel_loop3A_280, %parallel_loop3A_289 : vector<16xf32>
        %parallel_loop3A_291 = arith.addf %parallel_loop3A_285, %parallel_loop3A_290 : vector<16xf32>
        %parallel_loop3A_292 = arith.index_cast %parallel_loop3A_186 : i32 to index
        %parallel_loop3A_293 = arith.constant 320 : index
        %parallel_loop3A_294 = tpu.vector_load %arg6[%parallel_loop3A_292, %parallel_loop3A_293] {strides = array<i32>} : memref<112x480xf32, #tpu.memory_space<vmem>>, vector<16xf32>,
        %parallel_loop3A_295 = arith.mulf %parallel_loop3A_294, %parallel_loop3A_294 : vector<16xf32>
        %parallel_loop3A_296 = arith.index_cast %parallel_loop3A_186 : i32 to index
        %parallel_loop3A_297 = arith.constant 336 : index
        %parallel_loop3A_298 = tpu.vector_load %arg6[%parallel_loop3A_296, %parallel_loop3A_297] {strides = array<i32>} : memref<112x480xf32, #tpu.memory_space<vmem>>, vector<16xf32>,
        %parallel_loop3A_299 = arith.mulf %parallel_loop3A_298, %parallel_loop3A_298 : vector<16xf32>
        %parallel_loop3A_300 = arith.index_cast %parallel_loop3A_186 : i32 to index
        %parallel_loop3A_301 = arith.constant 352 : index
        %parallel_loop3A_302 = tpu.vector_load %arg6[%parallel_loop3A_300, %parallel_loop3A_301] {strides = array<i32>} : memref<112x480xf32, #tpu.memory_space<vmem>>, vector<16xf32>,
        %parallel_loop3A_303 = arith.mulf %parallel_loop3A_302, %parallel_loop3A_302 : vector<16xf32>
        %parallel_loop3A_304 = arith.addf %parallel_loop3A_295, %parallel_loop3A_303 : vector<16xf32>
        %parallel_loop3A_305 = arith.index_cast %parallel_loop3A_186 : i32 to index
        %parallel_loop3A_306 = arith.constant 368 : index
        %parallel_loop3A_307 = tpu.vector_load %arg6[%parallel_loop3A_305, %parallel_loop3A_306] {strides = array<i32>} : memref<112x480xf32, #tpu.memory_space<vmem>>, vector<16xf32>,
        %parallel_loop3A_308 = arith.mulf %parallel_loop3A_307, %parallel_loop3A_307 : vector<16xf32>
        %parallel_loop3A_309 = arith.addf %parallel_loop3A_299, %parallel_loop3A_308 : vector<16xf32>
        %parallel_loop3A_310 = arith.index_cast %parallel_loop3A_186 : i32 to index
        %parallel_loop3A_311 = arith.constant 384 : index
        %parallel_loop3A_312 = tpu.vector_load %arg6[%parallel_loop3A_310, %parallel_loop3A_311] {strides = array<i32>} : memref<112x480xf32, #tpu.memory_space<vmem>>, vector<16xf32>,
        %parallel_loop3A_313 = arith.mulf %parallel_loop3A_312, %parallel_loop3A_312 : vector<16xf32>
        %parallel_loop3A_314 = arith.addf %parallel_loop3A_304, %parallel_loop3A_313 : vector<16xf32>
        %parallel_loop3A_315 = arith.index_cast %parallel_loop3A_186 : i32 to index
        %parallel_loop3A_316 = arith.constant 400 : index
        %parallel_loop3A_317 = tpu.vector_load %arg6[%parallel_loop3A_315, %parallel_loop3A_316] {strides = array<i32>} : memref<112x480xf32, #tpu.memory_space<vmem>>, vector<16xf32>,
        %parallel_loop3A_318 = arith.mulf %parallel_loop3A_317, %parallel_loop3A_317 : vector<16xf32>
        %parallel_loop3A_319 = arith.addf %parallel_loop3A_309, %parallel_loop3A_318 : vector<16xf32>
        %parallel_loop3A_320 = arith.index_cast %parallel_loop3A_186 : i32 to index
        %parallel_loop3A_321 = arith.constant 416 : index
        %parallel_loop3A_322 = tpu.vector_load %arg6[%parallel_loop3A_320, %parallel_loop3A_321] {strides = array<i32>} : memref<112x480xf32, #tpu.memory_space<vmem>>, vector<16xf32>,
        %parallel_loop3A_323 = arith.mulf %parallel_loop3A_322, %parallel_loop3A_322 : vector<16xf32>
        %parallel_loop3A_324 = arith.addf %parallel_loop3A_314, %parallel_loop3A_323 : vector<16xf32>
        %parallel_loop3A_325 = arith.index_cast %parallel_loop3A_186 : i32 to index
        %parallel_loop3A_326 = arith.constant 432 : index
        %parallel_loop3A_327 = tpu.vector_load %arg6[%parallel_loop3A_325, %parallel_loop3A_326] {strides = array<i32>} : memref<112x480xf32, #tpu.memory_space<vmem>>, vector<16xf32>,
        %parallel_loop3A_328 = arith.mulf %parallel_loop3A_327, %parallel_loop3A_327 : vector<16xf32>
        %parallel_loop3A_329 = arith.addf %parallel_loop3A_319, %parallel_loop3A_328 : vector<16xf32>
        %parallel_loop3A_330 = arith.index_cast %parallel_loop3A_186 : i32 to index
        %parallel_loop3A_331 = arith.constant 448 : index
        %parallel_loop3A_332 = tpu.vector_load %arg6[%parallel_loop3A_330, %parallel_loop3A_331] {strides = array<i32>} : memref<112x480xf32, #tpu.memory_space<vmem>>, vector<16xf32>,
        %parallel_loop3A_333 = arith.mulf %parallel_loop3A_332, %parallel_loop3A_332 : vector<16xf32>
        %parallel_loop3A_334 = arith.addf %parallel_loop3A_324, %parallel_loop3A_333 : vector<16xf32>
        %parallel_loop3A_335 = arith.index_cast %parallel_loop3A_186 : i32 to index
        %parallel_loop3A_336 = arith.constant 464 : index
        %parallel_loop3A_337 = tpu.vector_load %arg6[%parallel_loop3A_335, %parallel_loop3A_336] {strides = array<i32>} : memref<112x480xf32, #tpu.memory_space<vmem>>, vector<16xf32>,
        %parallel_loop3A_338 = arith.mulf %parallel_loop3A_337, %parallel_loop3A_337 : vector<16xf32>
        %parallel_loop3A_339 = arith.addf %parallel_loop3A_329, %parallel_loop3A_338 : vector<16xf32>
        %parallel_loop3A_340 = arith.addf %parallel_loop3A_334, %parallel_loop3A_339 : vector<16xf32>
        %parallel_loop3A_341 = arith.constant true
        %parallel_loop3A_342 = vector.broadcast %parallel_loop3A_341 : i1 to vector<16xi1>
        %parallel_loop3A_343 = tpu.scan <sum>, %parallel_loop3A_217 masked %parallel_loop3A_342 : vector<16xf32>, vector<16xi1> -> vector<16xf32>
        %parallel_loop3A_344 = vector.extract %parallel_loop3A_343[15] : f32 from vector<16xf32>
        %parallel_loop3A_345 = arith.constant 7.812500e-03 : f32
        %parallel_loop3A_346 = arith.mulf %parallel_loop3A_344, %parallel_loop3A_345 : f32
        %parallel_loop3A_347 = arith.constant true
        %parallel_loop3A_348 = vector.broadcast %parallel_loop3A_347 : i1 to vector<16xi1>
        %parallel_loop3A_349 = tpu.scan <sum>, %parallel_loop3A_232 masked %parallel_loop3A_348 : vector<16xf32>, vector<16xi1> -> vector<16xf32>
        %parallel_loop3A_350 = vector.extract %parallel_loop3A_349[15] : f32 from vector<16xf32>
        %parallel_loop3A_351 = arith.constant 7.812500e-03 : f32
        %parallel_loop3A_352 = arith.mulf %parallel_loop3A_350, %parallel_loop3A_351 : f32
        %parallel_loop3A_353 = arith.mulf %parallel_loop3A_346, %parallel_loop3A_346 : f32
        %parallel_loop3A_354 = arith.subf %parallel_loop3A_352, %parallel_loop3A_353 : f32
        %parallel_loop3A_355 = arith.constant 9.99999974E-6 : f32
        %parallel_loop3A_356 = arith.addf %parallel_loop3A_354, %parallel_loop3A_355 : f32
        %parallel_loop3A_357 = arith.constant true
        %parallel_loop3A_358 = vector.broadcast %parallel_loop3A_357 : i1 to vector<16xi1>
        %parallel_loop3A_359 = tpu.scan <sum>, %parallel_loop3A_291 masked %parallel_loop3A_358 : vector<16xf32>, vector<16xi1> -> vector<16xf32>
        %parallel_loop3A_360 = vector.extract %parallel_loop3A_359[15] : f32 from vector<16xf32>
        %parallel_loop3A_361 = arith.constant 0.00520833349 : f32
        %parallel_loop3A_362 = arith.mulf %parallel_loop3A_360, %parallel_loop3A_361 : f32
        %parallel_loop3A_363 = arith.constant 9.99999974E-6 : f32
        %parallel_loop3A_364 = arith.addf %parallel_loop3A_362, %parallel_loop3A_363 : f32
        %parallel_loop3A_365 = arith.constant true
        %parallel_loop3A_366 = vector.broadcast %parallel_loop3A_365 : i1 to vector<16xi1>
        %parallel_loop3A_367 = tpu.scan <sum>, %parallel_loop3A_340 masked %parallel_loop3A_366 : vector<16xf32>, vector<16xi1> -> vector<16xf32>
        %parallel_loop3A_368 = vector.extract %parallel_loop3A_367[15] : f32 from vector<16xf32>
        %parallel_loop3A_369 = arith.constant 6.250000e-03 : f32
        %parallel_loop3A_370 = arith.mulf %parallel_loop3A_368, %parallel_loop3A_369 : f32
        %parallel_loop3A_371 = arith.constant 9.99999974E-6 : f32
        %parallel_loop3A_372 = arith.addf %parallel_loop3A_370, %parallel_loop3A_371 : f32
        %parallel_loop3A_373 = vector.broadcast %parallel_loop3A_356 : f32 to vector<16xf32>
        %parallel_loop3A_374 = tpu.bitcast %parallel_loop3A_373 : vector<16xf32> -> vector<16xi32>
        %parallel_loop3A_375 = arith.constant 1 : i32
        %parallel_loop3A_376 = vector.broadcast %parallel_loop3A_375 : i32 to vector<16xi32>
        %parallel_loop3A_377 = arith.shrsi %parallel_loop3A_374, %parallel_loop3A_376 : vector<16xi32>
        %parallel_loop3A_378 = arith.constant 1597463007 : i32
        %parallel_loop3A_379 = vector.broadcast %parallel_loop3A_378 : i32 to vector<16xi32>
        %parallel_loop3A_380 = arith.subi %parallel_loop3A_379, %parallel_loop3A_377 : vector<16xi32>
        %parallel_loop3A_381 = tpu.bitcast %parallel_loop3A_380 : vector<16xi32> -> vector<16xf32>
        %parallel_loop3A_382 = arith.constant 5.000000e-01 : f32
        %parallel_loop3A_383 = vector.broadcast %parallel_loop3A_382 : f32 to vector<16xf32>
        %parallel_loop3A_384 = arith.mulf %parallel_loop3A_383, %parallel_loop3A_373 : vector<16xf32>
        %parallel_loop3A_385 = arith.mulf %parallel_loop3A_384, %parallel_loop3A_381 : vector<16xf32>
        %parallel_loop3A_386 = arith.mulf %parallel_loop3A_385, %parallel_loop3A_381 : vector<16xf32>
        %parallel_loop3A_387 = arith.constant 1.500000e+00 : f32
        %parallel_loop3A_388 = vector.broadcast %parallel_loop3A_387 : f32 to vector<16xf32>
        %parallel_loop3A_389 = arith.subf %parallel_loop3A_388, %parallel_loop3A_386 : vector<16xf32>
        %parallel_loop3A_390 = arith.mulf %parallel_loop3A_381, %parallel_loop3A_389 : vector<16xf32>
        %parallel_loop3A_391 = arith.constant 5.000000e-01 : f32
        %parallel_loop3A_392 = vector.broadcast %parallel_loop3A_391 : f32 to vector<16xf32>
        %parallel_loop3A_393 = arith.mulf %parallel_loop3A_392, %parallel_loop3A_373 : vector<16xf32>
        %parallel_loop3A_394 = arith.mulf %parallel_loop3A_393, %parallel_loop3A_390 : vector<16xf32>
        %parallel_loop3A_395 = arith.mulf %parallel_loop3A_394, %parallel_loop3A_390 : vector<16xf32>
        %parallel_loop3A_396 = arith.constant 1.500000e+00 : f32
        %parallel_loop3A_397 = vector.broadcast %parallel_loop3A_396 : f32 to vector<16xf32>
        %parallel_loop3A_398 = arith.subf %parallel_loop3A_397, %parallel_loop3A_395 : vector<16xf32>
        %parallel_loop3A_399 = arith.mulf %parallel_loop3A_390, %parallel_loop3A_398 : vector<16xf32>
        %parallel_loop3A_400 = vector.broadcast %parallel_loop3A_364 : f32 to vector<16xf32>
        %parallel_loop3A_401 = tpu.bitcast %parallel_loop3A_400 : vector<16xf32> -> vector<16xi32>
        %parallel_loop3A_402 = arith.constant 1 : i32
        %parallel_loop3A_403 = vector.broadcast %parallel_loop3A_402 : i32 to vector<16xi32>
        %parallel_loop3A_404 = arith.shrsi %parallel_loop3A_401, %parallel_loop3A_403 : vector<16xi32>
        %parallel_loop3A_405 = arith.constant 1597463007 : i32
        %parallel_loop3A_406 = vector.broadcast %parallel_loop3A_405 : i32 to vector<16xi32>
        %parallel_loop3A_407 = arith.subi %parallel_loop3A_406, %parallel_loop3A_404 : vector<16xi32>
        %parallel_loop3A_408 = tpu.bitcast %parallel_loop3A_407 : vector<16xi32> -> vector<16xf32>
        %parallel_loop3A_409 = arith.constant 5.000000e-01 : f32
        %parallel_loop3A_410 = vector.broadcast %parallel_loop3A_409 : f32 to vector<16xf32>
        %parallel_loop3A_411 = arith.mulf %parallel_loop3A_410, %parallel_loop3A_400 : vector<16xf32>
        %parallel_loop3A_412 = arith.mulf %parallel_loop3A_411, %parallel_loop3A_408 : vector<16xf32>
        %parallel_loop3A_413 = arith.mulf %parallel_loop3A_412, %parallel_loop3A_408 : vector<16xf32>
        %parallel_loop3A_414 = arith.constant 1.500000e+00 : f32
        %parallel_loop3A_415 = vector.broadcast %parallel_loop3A_414 : f32 to vector<16xf32>
        %parallel_loop3A_416 = arith.subf %parallel_loop3A_415, %parallel_loop3A_413 : vector<16xf32>
        %parallel_loop3A_417 = arith.mulf %parallel_loop3A_408, %parallel_loop3A_416 : vector<16xf32>
        %parallel_loop3A_418 = arith.constant 5.000000e-01 : f32
        %parallel_loop3A_419 = vector.broadcast %parallel_loop3A_418 : f32 to vector<16xf32>
        %parallel_loop3A_420 = arith.mulf %parallel_loop3A_419, %parallel_loop3A_400 : vector<16xf32>
        %parallel_loop3A_421 = arith.mulf %parallel_loop3A_420, %parallel_loop3A_417 : vector<16xf32>
        %parallel_loop3A_422 = arith.mulf %parallel_loop3A_421, %parallel_loop3A_417 : vector<16xf32>
        %parallel_loop3A_423 = arith.constant 1.500000e+00 : f32
        %parallel_loop3A_424 = vector.broadcast %parallel_loop3A_423 : f32 to vector<16xf32>
        %parallel_loop3A_425 = arith.subf %parallel_loop3A_424, %parallel_loop3A_422 : vector<16xf32>
        %parallel_loop3A_426 = arith.mulf %parallel_loop3A_417, %parallel_loop3A_425 : vector<16xf32>
        %parallel_loop3A_427 = vector.broadcast %parallel_loop3A_372 : f32 to vector<16xf32>
        %parallel_loop3A_428 = tpu.bitcast %parallel_loop3A_427 : vector<16xf32> -> vector<16xi32>
        %parallel_loop3A_429 = arith.constant 1 : i32
        %parallel_loop3A_430 = vector.broadcast %parallel_loop3A_429 : i32 to vector<16xi32>
        %parallel_loop3A_431 = arith.shrsi %parallel_loop3A_428, %parallel_loop3A_430 : vector<16xi32>
        %parallel_loop3A_432 = arith.constant 1597463007 : i32
        %parallel_loop3A_433 = vector.broadcast %parallel_loop3A_432 : i32 to vector<16xi32>
        %parallel_loop3A_434 = arith.subi %parallel_loop3A_433, %parallel_loop3A_431 : vector<16xi32>
        %parallel_loop3A_435 = tpu.bitcast %parallel_loop3A_434 : vector<16xi32> -> vector<16xf32>
        %parallel_loop3A_436 = arith.constant 5.000000e-01 : f32
        %parallel_loop3A_437 = vector.broadcast %parallel_loop3A_436 : f32 to vector<16xf32>
        %parallel_loop3A_438 = arith.mulf %parallel_loop3A_437, %parallel_loop3A_427 : vector<16xf32>
        %parallel_loop3A_439 = arith.mulf %parallel_loop3A_438, %parallel_loop3A_435 : vector<16xf32>
        %parallel_loop3A_440 = arith.mulf %parallel_loop3A_439, %parallel_loop3A_435 : vector<16xf32>
        %parallel_loop3A_441 = arith.constant 1.500000e+00 : f32
        %parallel_loop3A_442 = vector.broadcast %parallel_loop3A_441 : f32 to vector<16xf32>
        %parallel_loop3A_443 = arith.subf %parallel_loop3A_442, %parallel_loop3A_440 : vector<16xf32>
        %parallel_loop3A_444 = arith.mulf %parallel_loop3A_435, %parallel_loop3A_443 : vector<16xf32>
        %parallel_loop3A_445 = arith.constant 5.000000e-01 : f32
        %parallel_loop3A_446 = vector.broadcast %parallel_loop3A_445 : f32 to vector<16xf32>
        %parallel_loop3A_447 = arith.mulf %parallel_loop3A_446, %parallel_loop3A_427 : vector<16xf32>
        %parallel_loop3A_448 = arith.mulf %parallel_loop3A_447, %parallel_loop3A_444 : vector<16xf32>
        %parallel_loop3A_449 = arith.mulf %parallel_loop3A_448, %parallel_loop3A_444 : vector<16xf32>
        %parallel_loop3A_450 = arith.constant 1.500000e+00 : f32
        %parallel_loop3A_451 = vector.broadcast %parallel_loop3A_450 : f32 to vector<16xf32>
        %parallel_loop3A_452 = arith.subf %parallel_loop3A_451, %parallel_loop3A_449 : vector<16xf32>
        %parallel_loop3A_453 = arith.mulf %parallel_loop3A_444, %parallel_loop3A_452 : vector<16xf32>
        %parallel_loop3A_454 = arith.constant 0 : index
        %parallel_loop3A_455 = tpu.vector_load %arg8[%parallel_loop3A_454] {strides = array<i32>} : memref<480xf32, #tpu.memory_space<vmem>>, vector<16xf32>,
        %parallel_loop3A_456 = arith.mulf %parallel_loop3A_399, %parallel_loop3A_455 : vector<16xf32>
        %parallel_loop3A_457 = vector.broadcast %parallel_loop3A_346 : f32 to vector<16xf32>
        %parallel_loop3A_458 = arith.subf %parallel_loop3A_189, %parallel_loop3A_457 : vector<16xf32>
        %parallel_loop3A_459 = arith.mulf %parallel_loop3A_458, %parallel_loop3A_456 : vector<16xf32>
        %parallel_loop3A_460 = arith.constant 0 : index
        %parallel_loop3A_461 = tpu.vector_load %arg9[%parallel_loop3A_460] {strides = array<i32>} : memref<480xf32, #tpu.memory_space<vmem>>, vector<16xf32>,
        %parallel_loop3A_462 = arith.addf %parallel_loop3A_459, %parallel_loop3A_461 : vector<16xf32>
        %parallel_loop3A_463 = arith.index_cast %parallel_loop3A_186 : i32 to index
        %parallel_loop3A_464 = arith.constant 0 : index
        %parallel_loop3A_465 = tpu.vector_load %arg7[%parallel_loop3A_463, %parallel_loop3A_464] {strides = array<i32>} : memref<112x480xf32, #tpu.memory_space<vmem>>, vector<16xf32>,
        tpu.vector_store %arg7[%parallel_loop3A_463, %parallel_loop3A_464], %parallel_loop3A_462 {strides = array<i32>} : memref<112x480xf32, #tpu.memory_space<vmem>>, vector<16xf32>,
        %parallel_loop3A_466 = arith.constant 16 : index
        %parallel_loop3A_467 = tpu.vector_load %arg8[%parallel_loop3A_466] {strides = array<i32>} : memref<480xf32, #tpu.memory_space<vmem>>, vector<16xf32>,
        %parallel_loop3A_468 = arith.mulf %parallel_loop3A_399, %parallel_loop3A_467 : vector<16xf32>
        %parallel_loop3A_469 = vector.broadcast %parallel_loop3A_346 : f32 to vector<16xf32>
        %parallel_loop3A_470 = arith.subf %parallel_loop3A_192, %parallel_loop3A_469 : vector<16xf32>
        %parallel_loop3A_471 = arith.mulf %parallel_loop3A_470, %parallel_loop3A_468 : vector<16xf32>
        %parallel_loop3A_472 = arith.constant 16 : index
        %parallel_loop3A_473 = tpu.vector_load %arg9[%parallel_loop3A_472] {strides = array<i32>} : memref<480xf32, #tpu.memory_space<vmem>>, vector<16xf32>,
        %parallel_loop3A_474 = arith.addf %parallel_loop3A_471, %parallel_loop3A_473 : vector<16xf32>
        %parallel_loop3A_475 = arith.index_cast %parallel_loop3A_186 : i32 to index
        %parallel_loop3A_476 = arith.constant 16 : index
        %parallel_loop3A_477 = tpu.vector_load %arg7[%parallel_loop3A_475, %parallel_loop3A_476] {strides = array<i32>} : memref<112x480xf32, #tpu.memory_space<vmem>>, vector<16xf32>,
        tpu.vector_store %arg7[%parallel_loop3A_475, %parallel_loop3A_476], %parallel_loop3A_474 {strides = array<i32>} : memref<112x480xf32, #tpu.memory_space<vmem>>, vector<16xf32>,
        %parallel_loop3A_478 = arith.constant 32 : index
        %parallel_loop3A_479 = tpu.vector_load %arg8[%parallel_loop3A_478] {strides = array<i32>} : memref<480xf32, #tpu.memory_space<vmem>>, vector<16xf32>,
        %parallel_loop3A_480 = arith.mulf %parallel_loop3A_399, %parallel_loop3A_479 : vector<16xf32>
        %parallel_loop3A_481 = vector.broadcast %parallel_loop3A_346 : f32 to vector<16xf32>
        %parallel_loop3A_482 = arith.subf %parallel_loop3A_195, %parallel_loop3A_481 : vector<16xf32>
        %parallel_loop3A_483 = arith.mulf %parallel_loop3A_482, %parallel_loop3A_480 : vector<16xf32>
        %parallel_loop3A_484 = arith.constant 32 : index
        %parallel_loop3A_485 = tpu.vector_load %arg9[%parallel_loop3A_484] {strides = array<i32>} : memref<480xf32, #tpu.memory_space<vmem>>, vector<16xf32>,
        %parallel_loop3A_486 = arith.addf %parallel_loop3A_483, %parallel_loop3A_485 : vector<16xf32>
        %parallel_loop3A_487 = arith.index_cast %parallel_loop3A_186 : i32 to index
        %parallel_loop3A_488 = arith.constant 32 : index
        %parallel_loop3A_489 = tpu.vector_load %arg7[%parallel_loop3A_487, %parallel_loop3A_488] {strides = array<i32>} : memref<112x480xf32, #tpu.memory_space<vmem>>, vector<16xf32>,
        tpu.vector_store %arg7[%parallel_loop3A_487, %parallel_loop3A_488], %parallel_loop3A_486 {strides = array<i32>} : memref<112x480xf32, #tpu.memory_space<vmem>>, vector<16xf32>,
        %parallel_loop3A_490 = arith.constant 48 : index
        %parallel_loop3A_491 = tpu.vector_load %arg8[%parallel_loop3A_490] {strides = array<i32>} : memref<480xf32, #tpu.memory_space<vmem>>, vector<16xf32>,
        %parallel_loop3A_492 = arith.mulf %parallel_loop3A_399, %parallel_loop3A_491 : vector<16xf32>
        %parallel_loop3A_493 = vector.broadcast %parallel_loop3A_346 : f32 to vector<16xf32>
        %parallel_loop3A_494 = arith.subf %parallel_loop3A_198, %parallel_loop3A_493 : vector<16xf32>
        %parallel_loop3A_495 = arith.mulf %parallel_loop3A_494, %parallel_loop3A_492 : vector<16xf32>
        %parallel_loop3A_496 = arith.constant 48 : index
        %parallel_loop3A_497 = tpu.vector_load %arg9[%parallel_loop3A_496] {strides = array<i32>} : memref<480xf32, #tpu.memory_space<vmem>>, vector<16xf32>,
        %parallel_loop3A_498 = arith.addf %parallel_loop3A_495, %parallel_loop3A_497 : vector<16xf32>
        %parallel_loop3A_499 = arith.index_cast %parallel_loop3A_186 : i32 to index
        %parallel_loop3A_500 = arith.constant 48 : index
        %parallel_loop3A_501 = tpu.vector_load %arg7[%parallel_loop3A_499, %parallel_loop3A_500] {strides = array<i32>} : memref<112x480xf32, #tpu.memory_space<vmem>>, vector<16xf32>,
        tpu.vector_store %arg7[%parallel_loop3A_499, %parallel_loop3A_500], %parallel_loop3A_498 {strides = array<i32>} : memref<112x480xf32, #tpu.memory_space<vmem>>, vector<16xf32>,
        %parallel_loop3A_502 = arith.constant 64 : index
        %parallel_loop3A_503 = tpu.vector_load %arg8[%parallel_loop3A_502] {strides = array<i32>} : memref<480xf32, #tpu.memory_space<vmem>>, vector<16xf32>,
        %parallel_loop3A_504 = arith.mulf %parallel_loop3A_399, %parallel_loop3A_503 : vector<16xf32>
        %parallel_loop3A_505 = vector.broadcast %parallel_loop3A_346 : f32 to vector<16xf32>
        %parallel_loop3A_506 = arith.subf %parallel_loop3A_201, %parallel_loop3A_505 : vector<16xf32>
        %parallel_loop3A_507 = arith.mulf %parallel_loop3A_506, %parallel_loop3A_504 : vector<16xf32>
        %parallel_loop3A_508 = arith.constant 64 : index
        %parallel_loop3A_509 = tpu.vector_load %arg9[%parallel_loop3A_508] {strides = array<i32>} : memref<480xf32, #tpu.memory_space<vmem>>, vector<16xf32>,
        %parallel_loop3A_510 = arith.addf %parallel_loop3A_507, %parallel_loop3A_509 : vector<16xf32>
        %parallel_loop3A_511 = arith.index_cast %parallel_loop3A_186 : i32 to index
        %parallel_loop3A_512 = arith.constant 64 : index
        %parallel_loop3A_513 = tpu.vector_load %arg7[%parallel_loop3A_511, %parallel_loop3A_512] {strides = array<i32>} : memref<112x480xf32, #tpu.memory_space<vmem>>, vector<16xf32>,
        tpu.vector_store %arg7[%parallel_loop3A_511, %parallel_loop3A_512], %parallel_loop3A_510 {strides = array<i32>} : memref<112x480xf32, #tpu.memory_space<vmem>>, vector<16xf32>,
        %parallel_loop3A_514 = arith.constant 80 : index
        %parallel_loop3A_515 = tpu.vector_load %arg8[%parallel_loop3A_514] {strides = array<i32>} : memref<480xf32, #tpu.memory_space<vmem>>, vector<16xf32>,
        %parallel_loop3A_516 = arith.mulf %parallel_loop3A_399, %parallel_loop3A_515 : vector<16xf32>
        %parallel_loop3A_517 = vector.broadcast %parallel_loop3A_346 : f32 to vector<16xf32>
        %parallel_loop3A_518 = arith.subf %parallel_loop3A_204, %parallel_loop3A_517 : vector<16xf32>
        %parallel_loop3A_519 = arith.mulf %parallel_loop3A_518, %parallel_loop3A_516 : vector<16xf32>
        %parallel_loop3A_520 = arith.constant 80 : index
        %parallel_loop3A_521 = tpu.vector_load %arg9[%parallel_loop3A_520] {strides = array<i32>} : memref<480xf32, #tpu.memory_space<vmem>>, vector<16xf32>,
        %parallel_loop3A_522 = arith.addf %parallel_loop3A_519, %parallel_loop3A_521 : vector<16xf32>
        %parallel_loop3A_523 = arith.index_cast %parallel_loop3A_186 : i32 to index
        %parallel_loop3A_524 = arith.constant 80 : index
        %parallel_loop3A_525 = tpu.vector_load %arg7[%parallel_loop3A_523, %parallel_loop3A_524] {strides = array<i32>} : memref<112x480xf32, #tpu.memory_space<vmem>>, vector<16xf32>,
        tpu.vector_store %arg7[%parallel_loop3A_523, %parallel_loop3A_524], %parallel_loop3A_522 {strides = array<i32>} : memref<112x480xf32, #tpu.memory_space<vmem>>, vector<16xf32>,
        %parallel_loop3A_526 = arith.constant 96 : index
        %parallel_loop3A_527 = tpu.vector_load %arg8[%parallel_loop3A_526] {strides = array<i32>} : memref<480xf32, #tpu.memory_space<vmem>>, vector<16xf32>,
        %parallel_loop3A_528 = arith.mulf %parallel_loop3A_399, %parallel_loop3A_527 : vector<16xf32>
        %parallel_loop3A_529 = vector.broadcast %parallel_loop3A_346 : f32 to vector<16xf32>
        %parallel_loop3A_530 = arith.subf %parallel_loop3A_207, %parallel_loop3A_529 : vector<16xf32>
        %parallel_loop3A_531 = arith.mulf %parallel_loop3A_530, %parallel_loop3A_528 : vector<16xf32>
        %parallel_loop3A_532 = arith.constant 96 : index
        %parallel_loop3A_533 = tpu.vector_load %arg9[%parallel_loop3A_532] {strides = array<i32>} : memref<480xf32, #tpu.memory_space<vmem>>, vector<16xf32>,
        %parallel_loop3A_534 = arith.addf %parallel_loop3A_531, %parallel_loop3A_533 : vector<16xf32>
        %parallel_loop3A_535 = arith.index_cast %parallel_loop3A_186 : i32 to index
        %parallel_loop3A_536 = arith.constant 96 : index
        %parallel_loop3A_537 = tpu.vector_load %arg7[%parallel_loop3A_535, %parallel_loop3A_536] {strides = array<i32>} : memref<112x480xf32, #tpu.memory_space<vmem>>, vector<16xf32>,
        tpu.vector_store %arg7[%parallel_loop3A_535, %parallel_loop3A_536], %parallel_loop3A_534 {strides = array<i32>} : memref<112x480xf32, #tpu.memory_space<vmem>>, vector<16xf32>,
        %parallel_loop3A_538 = arith.constant 112 : index
        %parallel_loop3A_539 = tpu.vector_load %arg8[%parallel_loop3A_538] {strides = array<i32>} : memref<480xf32, #tpu.memory_space<vmem>>, vector<16xf32>,
        %parallel_loop3A_540 = arith.mulf %parallel_loop3A_399, %parallel_loop3A_539 : vector<16xf32>
        %parallel_loop3A_541 = vector.broadcast %parallel_loop3A_346 : f32 to vector<16xf32>
        %parallel_loop3A_542 = arith.subf %parallel_loop3A_210, %parallel_loop3A_541 : vector<16xf32>
        %parallel_loop3A_543 = arith.mulf %parallel_loop3A_542, %parallel_loop3A_540 : vector<16xf32>
        %parallel_loop3A_544 = arith.constant 112 : index
        %parallel_loop3A_545 = tpu.vector_load %arg9[%parallel_loop3A_544] {strides = array<i32>} : memref<480xf32, #tpu.memory_space<vmem>>, vector<16xf32>,
        %parallel_loop3A_546 = arith.addf %parallel_loop3A_543, %parallel_loop3A_545 : vector<16xf32>
        %parallel_loop3A_547 = arith.index_cast %parallel_loop3A_186 : i32 to index
        %parallel_loop3A_548 = arith.constant 112 : index
        %parallel_loop3A_549 = tpu.vector_load %arg7[%parallel_loop3A_547, %parallel_loop3A_548] {strides = array<i32>} : memref<112x480xf32, #tpu.memory_space<vmem>>, vector<16xf32>,
        tpu.vector_store %arg7[%parallel_loop3A_547, %parallel_loop3A_548], %parallel_loop3A_546 {strides = array<i32>} : memref<112x480xf32, #tpu.memory_space<vmem>>, vector<16xf32>,
        %parallel_loop3A_550 = arith.index_cast %parallel_loop3A_186 : i32 to index
        %parallel_loop3A_551 = arith.constant 128 : index
        %parallel_loop3A_552 = tpu.vector_load %arg6[%parallel_loop3A_550, %parallel_loop3A_551] {strides = array<i32>} : memref<112x480xf32, #tpu.memory_space<vmem>>, vector<16xf32>,
        %parallel_loop3A_553 = arith.constant 128 : index
        %parallel_loop3A_554 = tpu.vector_load %arg8[%parallel_loop3A_553] {strides = array<i32>} : memref<480xf32, #tpu.memory_space<vmem>>, vector<16xf32>,
        %parallel_loop3A_555 = arith.mulf %parallel_loop3A_426, %parallel_loop3A_554 : vector<16xf32>
        %parallel_loop3A_556 = arith.mulf %parallel_loop3A_552, %parallel_loop3A_555 : vector<16xf32>
        %parallel_loop3A_557 = arith.index_cast %parallel_loop3A_186 : i32 to index
        %parallel_loop3A_558 = arith.constant 128 : index
        %parallel_loop3A_559 = tpu.vector_load %arg7[%parallel_loop3A_557, %parallel_loop3A_558] {strides = array<i32>} : memref<112x480xf32, #tpu.memory_space<vmem>>, vector<16xf32>,
        tpu.vector_store %arg7[%parallel_loop3A_557, %parallel_loop3A_558], %parallel_loop3A_556 {strides = array<i32>} : memref<112x480xf32, #tpu.memory_space<vmem>>, vector<16xf32>,
        %parallel_loop3A_560 = arith.index_cast %parallel_loop3A_186 : i32 to index
        %parallel_loop3A_561 = arith.constant 144 : index
        %parallel_loop3A_562 = tpu.vector_load %arg6[%parallel_loop3A_560, %parallel_loop3A_561] {strides = array<i32>} : memref<112x480xf32, #tpu.memory_space<vmem>>, vector<16xf32>,
        %parallel_loop3A_563 = arith.constant 144 : index
        %parallel_loop3A_564 = tpu.vector_load %arg8[%parallel_loop3A_563] {strides = array<i32>} : memref<480xf32, #tpu.memory_space<vmem>>, vector<16xf32>,
        %parallel_loop3A_565 = arith.mulf %parallel_loop3A_426, %parallel_loop3A_564 : vector<16xf32>
        %parallel_loop3A_566 = arith.mulf %parallel_loop3A_562, %parallel_loop3A_565 : vector<16xf32>
        %parallel_loop3A_567 = arith.index_cast %parallel_loop3A_186 : i32 to index
        %parallel_loop3A_568 = arith.constant 144 : index
        %parallel_loop3A_569 = tpu.vector_load %arg7[%parallel_loop3A_567, %parallel_loop3A_568] {strides = array<i32>} : memref<112x480xf32, #tpu.memory_space<vmem>>, vector<16xf32>,
        tpu.vector_store %arg7[%parallel_loop3A_567, %parallel_loop3A_568], %parallel_loop3A_566 {strides = array<i32>} : memref<112x480xf32, #tpu.memory_space<vmem>>, vector<16xf32>,
        %parallel_loop3A_570 = arith.index_cast %parallel_loop3A_186 : i32 to index
        %parallel_loop3A_571 = arith.constant 160 : index
        %parallel_loop3A_572 = tpu.vector_load %arg6[%parallel_loop3A_570, %parallel_loop3A_571] {strides = array<i32>} : memref<112x480xf32, #tpu.memory_space<vmem>>, vector<16xf32>,
        %parallel_loop3A_573 = arith.constant 160 : index
        %parallel_loop3A_574 = tpu.vector_load %arg8[%parallel_loop3A_573] {strides = array<i32>} : memref<480xf32, #tpu.memory_space<vmem>>, vector<16xf32>,
        %parallel_loop3A_575 = arith.mulf %parallel_loop3A_426, %parallel_loop3A_574 : vector<16xf32>
        %parallel_loop3A_576 = arith.mulf %parallel_loop3A_572, %parallel_loop3A_575 : vector<16xf32>
        %parallel_loop3A_577 = arith.index_cast %parallel_loop3A_186 : i32 to index
        %parallel_loop3A_578 = arith.constant 160 : index
        %parallel_loop3A_579 = tpu.vector_load %arg7[%parallel_loop3A_577, %parallel_loop3A_578] {strides = array<i32>} : memref<112x480xf32, #tpu.memory_space<vmem>>, vector<16xf32>,
        tpu.vector_store %arg7[%parallel_loop3A_577, %parallel_loop3A_578], %parallel_loop3A_576 {strides = array<i32>} : memref<112x480xf32, #tpu.memory_space<vmem>>, vector<16xf32>,
        %parallel_loop3A_580 = arith.index_cast %parallel_loop3A_186 : i32 to index
        %parallel_loop3A_581 = arith.constant 176 : index
        %parallel_loop3A_582 = tpu.vector_load %arg6[%parallel_loop3A_580, %parallel_loop3A_581] {strides = array<i32>} : memref<112x480xf32, #tpu.memory_space<vmem>>, vector<16xf32>,
        %parallel_loop3A_583 = arith.constant 176 : index
        %parallel_loop3A_584 = tpu.vector_load %arg8[%parallel_loop3A_583] {strides = array<i32>} : memref<480xf32, #tpu.memory_space<vmem>>, vector<16xf32>,
        %parallel_loop3A_585 = arith.mulf %parallel_loop3A_426, %parallel_loop3A_584 : vector<16xf32>
        %parallel_loop3A_586 = arith.mulf %parallel_loop3A_582, %parallel_loop3A_585 : vector<16xf32>
        %parallel_loop3A_587 = arith.index_cast %parallel_loop3A_186 : i32 to index
        %parallel_loop3A_588 = arith.constant 176 : index
        %parallel_loop3A_589 = tpu.vector_load %arg7[%parallel_loop3A_587, %parallel_loop3A_588] {strides = array<i32>} : memref<112x480xf32, #tpu.memory_space<vmem>>, vector<16xf32>,
        tpu.vector_store %arg7[%parallel_loop3A_587, %parallel_loop3A_588], %parallel_loop3A_586 {strides = array<i32>} : memref<112x480xf32, #tpu.memory_space<vmem>>, vector<16xf32>,
        %parallel_loop3A_590 = arith.index_cast %parallel_loop3A_186 : i32 to index
        %parallel_loop3A_591 = arith.constant 192 : index
        %parallel_loop3A_592 = tpu.vector_load %arg6[%parallel_loop3A_590, %parallel_loop3A_591] {strides = array<i32>} : memref<112x480xf32, #tpu.memory_space<vmem>>, vector<16xf32>,
        %parallel_loop3A_593 = arith.constant 192 : index
        %parallel_loop3A_594 = tpu.vector_load %arg8[%parallel_loop3A_593] {strides = array<i32>} : memref<480xf32, #tpu.memory_space<vmem>>, vector<16xf32>,
        %parallel_loop3A_595 = arith.mulf %parallel_loop3A_426, %parallel_loop3A_594 : vector<16xf32>
        %parallel_loop3A_596 = arith.mulf %parallel_loop3A_592, %parallel_loop3A_595 : vector<16xf32>
        %parallel_loop3A_597 = arith.index_cast %parallel_loop3A_186 : i32 to index
        %parallel_loop3A_598 = arith.constant 192 : index
        %parallel_loop3A_599 = tpu.vector_load %arg7[%parallel_loop3A_597, %parallel_loop3A_598] {strides = array<i32>} : memref<112x480xf32, #tpu.memory_space<vmem>>, vector<16xf32>,
        tpu.vector_store %arg7[%parallel_loop3A_597, %parallel_loop3A_598], %parallel_loop3A_596 {strides = array<i32>} : memref<112x480xf32, #tpu.memory_space<vmem>>, vector<16xf32>,
        %parallel_loop3A_600 = arith.index_cast %parallel_loop3A_186 : i32 to index
        %parallel_loop3A_601 = arith.constant 208 : index
        %parallel_loop3A_602 = tpu.vector_load %arg6[%parallel_loop3A_600, %parallel_loop3A_601] {strides = array<i32>} : memref<112x480xf32, #tpu.memory_space<vmem>>, vector<16xf32>,
        %parallel_loop3A_603 = arith.constant 208 : index
        %parallel_loop3A_604 = tpu.vector_load %arg8[%parallel_loop3A_603] {strides = array<i32>} : memref<480xf32, #tpu.memory_space<vmem>>, vector<16xf32>,
        %parallel_loop3A_605 = arith.mulf %parallel_loop3A_426, %parallel_loop3A_604 : vector<16xf32>
        %parallel_loop3A_606 = arith.mulf %parallel_loop3A_602, %parallel_loop3A_605 : vector<16xf32>
        %parallel_loop3A_607 = arith.index_cast %parallel_loop3A_186 : i32 to index
        %parallel_loop3A_608 = arith.constant 208 : index
        %parallel_loop3A_609 = tpu.vector_load %arg7[%parallel_loop3A_607, %parallel_loop3A_608] {strides = array<i32>} : memref<112x480xf32, #tpu.memory_space<vmem>>, vector<16xf32>,
        tpu.vector_store %arg7[%parallel_loop3A_607, %parallel_loop3A_608], %parallel_loop3A_606 {strides = array<i32>} : memref<112x480xf32, #tpu.memory_space<vmem>>, vector<16xf32>,
        %parallel_loop3A_610 = arith.index_cast %parallel_loop3A_186 : i32 to index
        %parallel_loop3A_611 = arith.constant 224 : index
        %parallel_loop3A_612 = tpu.vector_load %arg6[%parallel_loop3A_610, %parallel_loop3A_611] {strides = array<i32>} : memref<112x480xf32, #tpu.memory_space<vmem>>, vector<16xf32>,
        %parallel_loop3A_613 = arith.constant 224 : index
        %parallel_loop3A_614 = tpu.vector_load %arg8[%parallel_loop3A_613] {strides = array<i32>} : memref<480xf32, #tpu.memory_space<vmem>>, vector<16xf32>,
        %parallel_loop3A_615 = arith.mulf %parallel_loop3A_426, %parallel_loop3A_614 : vector<16xf32>
        %parallel_loop3A_616 = arith.mulf %parallel_loop3A_612, %parallel_loop3A_615 : vector<16xf32>
        %parallel_loop3A_617 = arith.index_cast %parallel_loop3A_186 : i32 to index
        %parallel_loop3A_618 = arith.constant 224 : index
        %parallel_loop3A_619 = tpu.vector_load %arg7[%parallel_loop3A_617, %parallel_loop3A_618] {strides = array<i32>} : memref<112x480xf32, #tpu.memory_space<vmem>>, vector<16xf32>,
        tpu.vector_store %arg7[%parallel_loop3A_617, %parallel_loop3A_618], %parallel_loop3A_616 {strides = array<i32>} : memref<112x480xf32, #tpu.memory_space<vmem>>, vector<16xf32>,
        %parallel_loop3A_620 = arith.index_cast %parallel_loop3A_186 : i32 to index
        %parallel_loop3A_621 = arith.constant 240 : index
        %parallel_loop3A_622 = tpu.vector_load %arg6[%parallel_loop3A_620, %parallel_loop3A_621] {strides = array<i32>} : memref<112x480xf32, #tpu.memory_space<vmem>>, vector<16xf32>,
        %parallel_loop3A_623 = arith.constant 240 : index
        %parallel_loop3A_624 = tpu.vector_load %arg8[%parallel_loop3A_623] {strides = array<i32>} : memref<480xf32, #tpu.memory_space<vmem>>, vector<16xf32>,
        %parallel_loop3A_625 = arith.mulf %parallel_loop3A_426, %parallel_loop3A_624 : vector<16xf32>
        %parallel_loop3A_626 = arith.mulf %parallel_loop3A_622, %parallel_loop3A_625 : vector<16xf32>
        %parallel_loop3A_627 = arith.index_cast %parallel_loop3A_186 : i32 to index
        %parallel_loop3A_628 = arith.constant 240 : index
        %parallel_loop3A_629 = tpu.vector_load %arg7[%parallel_loop3A_627, %parallel_loop3A_628] {strides = array<i32>} : memref<112x480xf32, #tpu.memory_space<vmem>>, vector<16xf32>,
        tpu.vector_store %arg7[%parallel_loop3A_627, %parallel_loop3A_628], %parallel_loop3A_626 {strides = array<i32>} : memref<112x480xf32, #tpu.memory_space<vmem>>, vector<16xf32>,
        %parallel_loop3A_630 = arith.index_cast %parallel_loop3A_186 : i32 to index
        %parallel_loop3A_631 = arith.constant 256 : index
        %parallel_loop3A_632 = tpu.vector_load %arg6[%parallel_loop3A_630, %parallel_loop3A_631] {strides = array<i32>} : memref<112x480xf32, #tpu.memory_space<vmem>>, vector<16xf32>,
        %parallel_loop3A_633 = arith.constant 256 : index
        %parallel_loop3A_634 = tpu.vector_load %arg8[%parallel_loop3A_633] {strides = array<i32>} : memref<480xf32, #tpu.memory_space<vmem>>, vector<16xf32>,
        %parallel_loop3A_635 = arith.mulf %parallel_loop3A_426, %parallel_loop3A_634 : vector<16xf32>
        %parallel_loop3A_636 = arith.mulf %parallel_loop3A_632, %parallel_loop3A_635 : vector<16xf32>
        %parallel_loop3A_637 = arith.index_cast %parallel_loop3A_186 : i32 to index
        %parallel_loop3A_638 = arith.constant 256 : index
        %parallel_loop3A_639 = tpu.vector_load %arg7[%parallel_loop3A_637, %parallel_loop3A_638] {strides = array<i32>} : memref<112x480xf32, #tpu.memory_space<vmem>>, vector<16xf32>,
        tpu.vector_store %arg7[%parallel_loop3A_637, %parallel_loop3A_638], %parallel_loop3A_636 {strides = array<i32>} : memref<112x480xf32, #tpu.memory_space<vmem>>, vector<16xf32>,
        %parallel_loop3A_640 = arith.index_cast %parallel_loop3A_186 : i32 to index
        %parallel_loop3A_641 = arith.constant 272 : index
        %parallel_loop3A_642 = tpu.vector_load %arg6[%parallel_loop3A_640, %parallel_loop3A_641] {strides = array<i32>} : memref<112x480xf32, #tpu.memory_space<vmem>>, vector<16xf32>,
        %parallel_loop3A_643 = arith.constant 272 : index
        %parallel_loop3A_644 = tpu.vector_load %arg8[%parallel_loop3A_643] {strides = array<i32>} : memref<480xf32, #tpu.memory_space<vmem>>, vector<16xf32>,
        %parallel_loop3A_645 = arith.mulf %parallel_loop3A_426, %parallel_loop3A_644 : vector<16xf32>
        %parallel_loop3A_646 = arith.mulf %parallel_loop3A_642, %parallel_loop3A_645 : vector<16xf32>
        %parallel_loop3A_647 = arith.index_cast %parallel_loop3A_186 : i32 to index
        %parallel_loop3A_648 = arith.constant 272 : index
        %parallel_loop3A_649 = tpu.vector_load %arg7[%parallel_loop3A_647, %parallel_loop3A_648] {strides = array<i32>} : memref<112x480xf32, #tpu.memory_space<vmem>>, vector<16xf32>,
        tpu.vector_store %arg7[%parallel_loop3A_647, %parallel_loop3A_648], %parallel_loop3A_646 {strides = array<i32>} : memref<112x480xf32, #tpu.memory_space<vmem>>, vector<16xf32>,
        %parallel_loop3A_650 = arith.index_cast %parallel_loop3A_186 : i32 to index
        %parallel_loop3A_651 = arith.constant 288 : index
        %parallel_loop3A_652 = tpu.vector_load %arg6[%parallel_loop3A_650, %parallel_loop3A_651] {strides = array<i32>} : memref<112x480xf32, #tpu.memory_space<vmem>>, vector<16xf32>,
        %parallel_loop3A_653 = arith.constant 288 : index
        %parallel_loop3A_654 = tpu.vector_load %arg8[%parallel_loop3A_653] {strides = array<i32>} : memref<480xf32, #tpu.memory_space<vmem>>, vector<16xf32>,
        %parallel_loop3A_655 = arith.mulf %parallel_loop3A_426, %parallel_loop3A_654 : vector<16xf32>
        %parallel_loop3A_656 = arith.mulf %parallel_loop3A_652, %parallel_loop3A_655 : vector<16xf32>
        %parallel_loop3A_657 = arith.index_cast %parallel_loop3A_186 : i32 to index
        %parallel_loop3A_658 = arith.constant 288 : index
        %parallel_loop3A_659 = tpu.vector_load %arg7[%parallel_loop3A_657, %parallel_loop3A_658] {strides = array<i32>} : memref<112x480xf32, #tpu.memory_space<vmem>>, vector<16xf32>,
        tpu.vector_store %arg7[%parallel_loop3A_657, %parallel_loop3A_658], %parallel_loop3A_656 {strides = array<i32>} : memref<112x480xf32, #tpu.memory_space<vmem>>, vector<16xf32>,
        %parallel_loop3A_660 = arith.index_cast %parallel_loop3A_186 : i32 to index
        %parallel_loop3A_661 = arith.constant 304 : index
        %parallel_loop3A_662 = tpu.vector_load %arg6[%parallel_loop3A_660, %parallel_loop3A_661] {strides = array<i32>} : memref<112x480xf32, #tpu.memory_space<vmem>>, vector<16xf32>,
        %parallel_loop3A_663 = arith.constant 304 : index
        %parallel_loop3A_664 = tpu.vector_load %arg8[%parallel_loop3A_663] {strides = array<i32>} : memref<480xf32, #tpu.memory_space<vmem>>, vector<16xf32>,
        %parallel_loop3A_665 = arith.mulf %parallel_loop3A_426, %parallel_loop3A_664 : vector<16xf32>
        %parallel_loop3A_666 = arith.mulf %parallel_loop3A_662, %parallel_loop3A_665 : vector<16xf32>
        %parallel_loop3A_667 = arith.index_cast %parallel_loop3A_186 : i32 to index
        %parallel_loop3A_668 = arith.constant 304 : index
        %parallel_loop3A_669 = tpu.vector_load %arg7[%parallel_loop3A_667, %parallel_loop3A_668] {strides = array<i32>} : memref<112x480xf32, #tpu.memory_space<vmem>>, vector<16xf32>,
        tpu.vector_store %arg7[%parallel_loop3A_667, %parallel_loop3A_668], %parallel_loop3A_666 {strides = array<i32>} : memref<112x480xf32, #tpu.memory_space<vmem>>, vector<16xf32>,
        %parallel_loop3A_670 = arith.index_cast %parallel_loop3A_186 : i32 to index
        %parallel_loop3A_671 = arith.constant 320 : index
        %parallel_loop3A_672 = tpu.vector_load %arg6[%parallel_loop3A_670, %parallel_loop3A_671] {strides = array<i32>} : memref<112x480xf32, #tpu.memory_space<vmem>>, vector<16xf32>,
        %parallel_loop3A_673 = arith.constant 320 : index
        %parallel_loop3A_674 = tpu.vector_load %arg8[%parallel_loop3A_673] {strides = array<i32>} : memref<480xf32, #tpu.memory_space<vmem>>, vector<16xf32>,
        %parallel_loop3A_675 = arith.mulf %parallel_loop3A_453, %parallel_loop3A_674 : vector<16xf32>
        %parallel_loop3A_676 = arith.mulf %parallel_loop3A_672, %parallel_loop3A_675 : vector<16xf32>
        %parallel_loop3A_677 = arith.index_cast %parallel_loop3A_186 : i32 to index
        %parallel_loop3A_678 = arith.constant 320 : index
        %parallel_loop3A_679 = tpu.vector_load %arg7[%parallel_loop3A_677, %parallel_loop3A_678] {strides = array<i32>} : memref<112x480xf32, #tpu.memory_space<vmem>>, vector<16xf32>,
        tpu.vector_store %arg7[%parallel_loop3A_677, %parallel_loop3A_678], %parallel_loop3A_676 {strides = array<i32>} : memref<112x480xf32, #tpu.memory_space<vmem>>, vector<16xf32>,
        %parallel_loop3A_680 = arith.index_cast %parallel_loop3A_186 : i32 to index
        %parallel_loop3A_681 = arith.constant 336 : index
        %parallel_loop3A_682 = tpu.vector_load %arg6[%parallel_loop3A_680, %parallel_loop3A_681] {strides = array<i32>} : memref<112x480xf32, #tpu.memory_space<vmem>>, vector<16xf32>,
        %parallel_loop3A_683 = arith.constant 336 : index
        %parallel_loop3A_684 = tpu.vector_load %arg8[%parallel_loop3A_683] {strides = array<i32>} : memref<480xf32, #tpu.memory_space<vmem>>, vector<16xf32>,
        %parallel_loop3A_685 = arith.mulf %parallel_loop3A_453, %parallel_loop3A_684 : vector<16xf32>
        %parallel_loop3A_686 = arith.mulf %parallel_loop3A_682, %parallel_loop3A_685 : vector<16xf32>
        %parallel_loop3A_687 = arith.index_cast %parallel_loop3A_186 : i32 to index
        %parallel_loop3A_688 = arith.constant 336 : index
        %parallel_loop3A_689 = tpu.vector_load %arg7[%parallel_loop3A_687, %parallel_loop3A_688] {strides = array<i32>} : memref<112x480xf32, #tpu.memory_space<vmem>>, vector<16xf32>,
        tpu.vector_store %arg7[%parallel_loop3A_687, %parallel_loop3A_688], %parallel_loop3A_686 {strides = array<i32>} : memref<112x480xf32, #tpu.memory_space<vmem>>, vector<16xf32>,
        %parallel_loop3A_690 = arith.index_cast %parallel_loop3A_186 : i32 to index
        %parallel_loop3A_691 = arith.constant 352 : index
        %parallel_loop3A_692 = tpu.vector_load %arg6[%parallel_loop3A_690, %parallel_loop3A_691] {strides = array<i32>} : memref<112x480xf32, #tpu.memory_space<vmem>>, vector<16xf32>,
        %parallel_loop3A_693 = arith.constant 352 : index
        %parallel_loop3A_694 = tpu.vector_load %arg8[%parallel_loop3A_693] {strides = array<i32>} : memref<480xf32, #tpu.memory_space<vmem>>, vector<16xf32>,
        %parallel_loop3A_695 = arith.mulf %parallel_loop3A_453, %parallel_loop3A_694 : vector<16xf32>
        %parallel_loop3A_696 = arith.mulf %parallel_loop3A_692, %parallel_loop3A_695 : vector<16xf32>
        %parallel_loop3A_697 = arith.index_cast %parallel_loop3A_186 : i32 to index
        %parallel_loop3A_698 = arith.constant 352 : index
        %parallel_loop3A_699 = tpu.vector_load %arg7[%parallel_loop3A_697, %parallel_loop3A_698] {strides = array<i32>} : memref<112x480xf32, #tpu.memory_space<vmem>>, vector<16xf32>,
        tpu.vector_store %arg7[%parallel_loop3A_697, %parallel_loop3A_698], %parallel_loop3A_696 {strides = array<i32>} : memref<112x480xf32, #tpu.memory_space<vmem>>, vector<16xf32>,
        %parallel_loop3A_700 = arith.index_cast %parallel_loop3A_186 : i32 to index
        %parallel_loop3A_701 = arith.constant 368 : index
        %parallel_loop3A_702 = tpu.vector_load %arg6[%parallel_loop3A_700, %parallel_loop3A_701] {strides = array<i32>} : memref<112x480xf32, #tpu.memory_space<vmem>>, vector<16xf32>,
        %parallel_loop3A_703 = arith.constant 368 : index
        %parallel_loop3A_704 = tpu.vector_load %arg8[%parallel_loop3A_703] {strides = array<i32>} : memref<480xf32, #tpu.memory_space<vmem>>, vector<16xf32>,
        %parallel_loop3A_705 = arith.mulf %parallel_loop3A_453, %parallel_loop3A_704 : vector<16xf32>
        %parallel_loop3A_706 = arith.mulf %parallel_loop3A_702, %parallel_loop3A_705 : vector<16xf32>
        %parallel_loop3A_707 = arith.index_cast %parallel_loop3A_186 : i32 to index
        %parallel_loop3A_708 = arith.constant 368 : index
        %parallel_loop3A_709 = tpu.vector_load %arg7[%parallel_loop3A_707, %parallel_loop3A_708] {strides = array<i32>} : memref<112x480xf32, #tpu.memory_space<vmem>>, vector<16xf32>,
        tpu.vector_store %arg7[%parallel_loop3A_707, %parallel_loop3A_708], %parallel_loop3A_706 {strides = array<i32>} : memref<112x480xf32, #tpu.memory_space<vmem>>, vector<16xf32>,
        %parallel_loop3A_710 = arith.index_cast %parallel_loop3A_186 : i32 to index
        %parallel_loop3A_711 = arith.constant 384 : index
        %parallel_loop3A_712 = tpu.vector_load %arg6[%parallel_loop3A_710, %parallel_loop3A_711] {strides = array<i32>} : memref<112x480xf32, #tpu.memory_space<vmem>>, vector<16xf32>,
        %parallel_loop3A_713 = arith.constant 384 : index
        %parallel_loop3A_714 = tpu.vector_load %arg8[%parallel_loop3A_713] {strides = array<i32>} : memref<480xf32, #tpu.memory_space<vmem>>, vector<16xf32>,
        %parallel_loop3A_715 = arith.mulf %parallel_loop3A_453, %parallel_loop3A_714 : vector<16xf32>
        %parallel_loop3A_716 = arith.mulf %parallel_loop3A_712, %parallel_loop3A_715 : vector<16xf32>
        %parallel_loop3A_717 = arith.index_cast %parallel_loop3A_186 : i32 to index
        %parallel_loop3A_718 = arith.constant 384 : index
        %parallel_loop3A_719 = tpu.vector_load %arg7[%parallel_loop3A_717, %parallel_loop3A_718] {strides = array<i32>} : memref<112x480xf32, #tpu.memory_space<vmem>>, vector<16xf32>,
        tpu.vector_store %arg7[%parallel_loop3A_717, %parallel_loop3A_718], %parallel_loop3A_716 {strides = array<i32>} : memref<112x480xf32, #tpu.memory_space<vmem>>, vector<16xf32>,
        %parallel_loop3A_720 = arith.index_cast %parallel_loop3A_186 : i32 to index
        %parallel_loop3A_721 = arith.constant 400 : index
        %parallel_loop3A_722 = tpu.vector_load %arg6[%parallel_loop3A_720, %parallel_loop3A_721] {strides = array<i32>} : memref<112x480xf32, #tpu.memory_space<vmem>>, vector<16xf32>,
        %parallel_loop3A_723 = arith.constant 400 : index
        %parallel_loop3A_724 = tpu.vector_load %arg8[%parallel_loop3A_723] {strides = array<i32>} : memref<480xf32, #tpu.memory_space<vmem>>, vector<16xf32>,
        %parallel_loop3A_725 = arith.mulf %parallel_loop3A_453, %parallel_loop3A_724 : vector<16xf32>
        %parallel_loop3A_726 = arith.mulf %parallel_loop3A_722, %parallel_loop3A_725 : vector<16xf32>
        %parallel_loop3A_727 = arith.index_cast %parallel_loop3A_186 : i32 to index
        %parallel_loop3A_728 = arith.constant 400 : index
        %parallel_loop3A_729 = tpu.vector_load %arg7[%parallel_loop3A_727, %parallel_loop3A_728] {strides = array<i32>} : memref<112x480xf32, #tpu.memory_space<vmem>>, vector<16xf32>,
        tpu.vector_store %arg7[%parallel_loop3A_727, %parallel_loop3A_728], %parallel_loop3A_726 {strides = array<i32>} : memref<112x480xf32, #tpu.memory_space<vmem>>, vector<16xf32>,
        %parallel_loop3A_730 = arith.index_cast %parallel_loop3A_186 : i32 to index
        %parallel_loop3A_731 = arith.constant 416 : index
        %parallel_loop3A_732 = tpu.vector_load %arg6[%parallel_loop3A_730, %parallel_loop3A_731] {strides = array<i32>} : memref<112x480xf32, #tpu.memory_space<vmem>>, vector<16xf32>,
        %parallel_loop3A_733 = arith.constant 416 : index
        %parallel_loop3A_734 = tpu.vector_load %arg8[%parallel_loop3A_733] {strides = array<i32>} : memref<480xf32, #tpu.memory_space<vmem>>, vector<16xf32>,
        %parallel_loop3A_735 = arith.mulf %parallel_loop3A_453, %parallel_loop3A_734 : vector<16xf32>
        %parallel_loop3A_736 = arith.mulf %parallel_loop3A_732, %parallel_loop3A_735 : vector<16xf32>
        %parallel_loop3A_737 = arith.index_cast %parallel_loop3A_186 : i32 to index
        %parallel_loop3A_738 = arith.constant 416 : index
        %parallel_loop3A_739 = tpu.vector_load %arg7[%parallel_loop3A_737, %parallel_loop3A_738] {strides = array<i32>} : memref<112x480xf32, #tpu.memory_space<vmem>>, vector<16xf32>,
        tpu.vector_store %arg7[%parallel_loop3A_737, %parallel_loop3A_738], %parallel_loop3A_736 {strides = array<i32>} : memref<112x480xf32, #tpu.memory_space<vmem>>, vector<16xf32>,
        %parallel_loop3A_740 = arith.index_cast %parallel_loop3A_186 : i32 to index
        %parallel_loop3A_741 = arith.constant 432 : index
        %parallel_loop3A_742 = tpu.vector_load %arg6[%parallel_loop3A_740, %parallel_loop3A_741] {strides = array<i32>} : memref<112x480xf32, #tpu.memory_space<vmem>>, vector<16xf32>,
        %parallel_loop3A_743 = arith.constant 432 : index
        %parallel_loop3A_744 = tpu.vector_load %arg8[%parallel_loop3A_743] {strides = array<i32>} : memref<480xf32, #tpu.memory_space<vmem>>, vector<16xf32>,
        %parallel_loop3A_745 = arith.mulf %parallel_loop3A_453, %parallel_loop3A_744 : vector<16xf32>
        %parallel_loop3A_746 = arith.mulf %parallel_loop3A_742, %parallel_loop3A_745 : vector<16xf32>
        %parallel_loop3A_747 = arith.index_cast %parallel_loop3A_186 : i32 to index
        %parallel_loop3A_748 = arith.constant 432 : index
        %parallel_loop3A_749 = tpu.vector_load %arg7[%parallel_loop3A_747, %parallel_loop3A_748] {strides = array<i32>} : memref<112x480xf32, #tpu.memory_space<vmem>>, vector<16xf32>,
        tpu.vector_store %arg7[%parallel_loop3A_747, %parallel_loop3A_748], %parallel_loop3A_746 {strides = array<i32>} : memref<112x480xf32, #tpu.memory_space<vmem>>, vector<16xf32>,
        %parallel_loop3A_750 = arith.index_cast %parallel_loop3A_186 : i32 to index
        %parallel_loop3A_751 = arith.constant 448 : index
        %parallel_loop3A_752 = tpu.vector_load %arg6[%parallel_loop3A_750, %parallel_loop3A_751] {strides = array<i32>} : memref<112x480xf32, #tpu.memory_space<vmem>>, vector<16xf32>,
        %parallel_loop3A_753 = arith.constant 448 : index
        %parallel_loop3A_754 = tpu.vector_load %arg8[%parallel_loop3A_753] {strides = array<i32>} : memref<480xf32, #tpu.memory_space<vmem>>, vector<16xf32>,
        %parallel_loop3A_755 = arith.mulf %parallel_loop3A_453, %parallel_loop3A_754 : vector<16xf32>
        %parallel_loop3A_756 = arith.mulf %parallel_loop3A_752, %parallel_loop3A_755 : vector<16xf32>
        %parallel_loop3A_757 = arith.index_cast %parallel_loop3A_186 : i32 to index
        %parallel_loop3A_758 = arith.constant 448 : index
        %parallel_loop3A_759 = tpu.vector_load %arg7[%parallel_loop3A_757, %parallel_loop3A_758] {strides = array<i32>} : memref<112x480xf32, #tpu.memory_space<vmem>>, vector<16xf32>,
        tpu.vector_store %arg7[%parallel_loop3A_757, %parallel_loop3A_758], %parallel_loop3A_756 {strides = array<i32>} : memref<112x480xf32, #tpu.memory_space<vmem>>, vector<16xf32>,
        %parallel_loop3A_760 = arith.index_cast %parallel_loop3A_186 : i32 to index
        %parallel_loop3A_761 = arith.constant 464 : index
        %parallel_loop3A_762 = tpu.vector_load %arg6[%parallel_loop3A_760, %parallel_loop3A_761] {strides = array<i32>} : memref<112x480xf32, #tpu.memory_space<vmem>>, vector<16xf32>,
        %parallel_loop3A_763 = arith.constant 464 : index
        %parallel_loop3A_764 = tpu.vector_load %arg8[%parallel_loop3A_763] {strides = array<i32>} : memref<480xf32, #tpu.memory_space<vmem>>, vector<16xf32>,
        %parallel_loop3A_765 = arith.mulf %parallel_loop3A_453, %parallel_loop3A_764 : vector<16xf32>
        %parallel_loop3A_766 = arith.mulf %parallel_loop3A_762, %parallel_loop3A_765 : vector<16xf32>
        %parallel_loop3A_767 = arith.index_cast %parallel_loop3A_186 : i32 to index
        %parallel_loop3A_768 = arith.constant 464 : index
        %parallel_loop3A_769 = tpu.vector_load %arg7[%parallel_loop3A_767, %parallel_loop3A_768] {strides = array<i32>} : memref<112x480xf32, #tpu.memory_space<vmem>>, vector<16xf32>,
        tpu.vector_store %arg7[%parallel_loop3A_767, %parallel_loop3A_768], %parallel_loop3A_766 {strides = array<i32>} : memref<112x480xf32, #tpu.memory_space<vmem>>, vector<16xf32>,
      } {sc.loop_unroll_factor = 4 : i64, sc.parallel_access}
      %mul3A_165 = arith.constant 56 : i32
      %mul3A_166 = arith.muli %add3A_130, %mul3A_165 : i32
      %sub3A_167 = arith.constant 56 : i32
      %sub3A_168 = arith.subi %mul3A_12, %sub3A_167 : i32
      %min3A_169 = arith.minsi %mul3A_166, %sub3A_168 : i32
      %add3A_170 = arith.addi %mul3A_6, %min3A_169 : i32
      %dma_start3A_171 = arith.constant 1 : i32
      %dma_start3A_172 = arith.constant 56 : i32
      %dma_start3A_173 = arith.constant 0 : i32
      %dma_start3A_174 = tpu.memref_slice %arg7[%dma_start3A_172, %dma_start3A_173] : memref<112x480xf32, #tpu.memory_space<vmem>> -> memref<56x480xf32, #tpu.memory_space<vmem>>
      %dma_start3A_175 = arith.constant 0 : i32
      %dma_start3A_176 = tpu.memref_slice %arg5[%add3A_170, %dma_start3A_175] : memref<50000x480xf32, #tpu.memory_space<hbm>> -> memref<56x480xf32, #tpu.memory_space<hbm>>
      %dma_start3A_177 = tpu.memref_slice %arg11[%dma_start3A_171] : memref<2x!tpu.dma_semaphore, #tpu.memory_space<semaphore_mem>> -> memref<1x!tpu.dma_semaphore, #tpu.memory_space<semaphore_mem>>
      %dma_start3A_178 = tpu.memref_squeeze %dma_start3A_177 : memref<1x!tpu.dma_semaphore, #tpu.memory_space<semaphore_mem>> -> memref<!tpu.dma_semaphore, #tpu.memory_space<semaphore_mem>>
      %dma_start3A_179 = arith.constant 0 : i32
      %dma_start3A_180 = tpu.memref_slice %arg5[%add3A_170, %dma_start3A_179] : memref<50000x480xf32, #tpu.memory_space<hbm>> -> memref<56x480xf32, #tpu.memory_space<hbm>>
      %dma_start3A_181 = arith.constant 56 : i32
      %dma_start3A_182 = arith.constant 0 : i32
      %dma_start3A_183 = tpu.memref_slice %arg7[%dma_start3A_181, %dma_start3A_182] : memref<112x480xf32, #tpu.memory_space<vmem>> -> memref<56x480xf32, #tpu.memory_space<vmem>>
      tpu.enqueue_dma source(%dma_start3A_183 : memref<56x480xf32, #tpu.memory_space<vmem>>) target(%dma_start3A_180 : memref<56x480xf32, #tpu.memory_space<hbm>>) target_semaphore(%dma_start3A_178 : memref<!tpu.dma_semaphore, #tpu.memory_space<semaphore_mem>>)
    }
    %scan3A_33 = arith.constant 14 : i32
    %mul3A_34 = arith.constant 26 : i32
    %mul3A_35 = arith.constant 56 : i32
    %mul3A_36 = arith.muli %mul3A_34, %mul3A_35 : i32
    %sub3A_37 = arith.constant 56 : i32
    %sub3A_38 = arith.subi %mul3A_12, %sub3A_37 : i32
    %min3A_39 = arith.minsi %mul3A_36, %sub3A_38 : i32
    %add3A_40 = arith.addi %mul3A_6, %min3A_39 : i32
    %dma_wait3A = arith.constant 0 : i32
    %dma_wait3A_41 = arith.constant 0 : i32
    %dma_wait3A_42 = arith.constant 0 : i32
    %dma_wait3A_43 = tpu.memref_slice %arg7[%dma_wait3A_41, %dma_wait3A_42] : memref<112x480xf32, #tpu.memory_space<vmem>> -> memref<56x480xf32, #tpu.memory_space<vmem>>
    %dma_wait3A_44 = arith.constant 0 : i32
    %dma_wait3A_45 = tpu.memref_slice %arg5[%add3A_40, %dma_wait3A_44] : memref<50000x480xf32, #tpu.memory_space<hbm>> -> memref<56x480xf32, #tpu.memory_space<hbm>>
    %dma_wait3A_46 = tpu.memref_slice %arg11[%dma_wait3A] : memref<2x!tpu.dma_semaphore, #tpu.memory_space<semaphore_mem>> -> memref<1x!tpu.dma_semaphore, #tpu.memory_space<semaphore_mem>>
    %dma_wait3A_47 = tpu.memref_squeeze %dma_wait3A_46 : memref<1x!tpu.dma_semaphore, #tpu.memory_space<semaphore_mem>> -> memref<!tpu.dma_semaphore, #tpu.memory_space<semaphore_mem>>
    %dma_wait3A_48 = arith.constant 0 : i32
    %dma_wait3A_49 = tpu.memref_slice %arg5[%add3A_40, %dma_wait3A_48] : memref<50000x480xf32, #tpu.memory_space<hbm>> -> memref<56x480xf32, #tpu.memory_space<hbm>>
    %dma_wait3A_50 = arith.constant 0 : i32
    %dma_wait3A_51 = arith.constant 0 : i32
    %dma_wait3A_52 = tpu.memref_slice %arg7[%dma_wait3A_50, %dma_wait3A_51] : memref<112x480xf32, #tpu.memory_space<vmem>> -> memref<56x480xf32, #tpu.memory_space<vmem>>
    tpu.wait_dma2 semaphore(%dma_wait3A_47 : memref<!tpu.dma_semaphore, #tpu.memory_space<semaphore_mem>>) src(%dma_wait3A_52 : memref<56x480xf32, #tpu.memory_space<vmem>>) dst(%dma_wait3A_49 : memref<56x480xf32, #tpu.memory_space<hbm>>)
    %mul3A_53 = arith.constant 27 : i32
    %mul3A_54 = arith.constant 56 : i32
    %mul3A_55 = arith.muli %mul3A_53, %mul3A_54 : i32
    %sub3A_56 = arith.constant 56 : i32
    %sub3A_57 = arith.subi %mul3A_12, %sub3A_56 : i32
    %min3A_58 = arith.minsi %mul3A_55, %sub3A_57 : i32
    %add3A_59 = arith.addi %mul3A_6, %min3A_58 : i32
    %dma_wait3A_60 = arith.constant 1 : i32
    %dma_wait3A_61 = arith.constant 56 : i32
    %dma_wait3A_62 = arith.constant 0 : i32
    %dma_wait3A_63 = tpu.memref_slice %arg7[%dma_wait3A_61, %dma_wait3A_62] : memref<112x480xf32, #tpu.memory_space<vmem>> -> memref<56x480xf32, #tpu.memory_space<vmem>>
    %dma_wait3A_64 = arith.constant 0 : i32
    %dma_wait3A_65 = tpu.memref_slice %arg5[%add3A_59, %dma_wait3A_64] : memref<50000x480xf32, #tpu.memory_space<hbm>> -> memref<56x480xf32, #tpu.memory_space<hbm>>
    %dma_wait3A_66 = tpu.memref_slice %arg11[%dma_wait3A_60] : memref<2x!tpu.dma_semaphore, #tpu.memory_space<semaphore_mem>> -> memref<1x!tpu.dma_semaphore, #tpu.memory_space<semaphore_mem>>
    %dma_wait3A_67 = tpu.memref_squeeze %dma_wait3A_66 : memref<1x!tpu.dma_semaphore, #tpu.memory_space<semaphore_mem>> -> memref<!tpu.dma_semaphore, #tpu.memory_space<semaphore_mem>>
    %dma_wait3A_68 = arith.constant 0 : i32
    %dma_wait3A_69 = tpu.memref_slice %arg5[%add3A_59, %dma_wait3A_68] : memref<50000x480xf32, #tpu.memory_space<hbm>> -> memref<56x480xf32, #tpu.memory_space<hbm>>
    %dma_wait3A_70 = arith.constant 56 : i32
    %dma_wait3A_71 = arith.constant 0 : i32
    %dma_wait3A_72 = tpu.memref_slice %arg7[%dma_wait3A_70, %dma_wait3A_71] : memref<112x480xf32, #tpu.memory_space<vmem>> -> memref<56x480xf32, #tpu.memory_space<vmem>>
    tpu.wait_dma2 semaphore(%dma_wait3A_67 : memref<!tpu.dma_semaphore, #tpu.memory_space<semaphore_mem>>) src(%dma_wait3A_72 : memref<56x480xf32, #tpu.memory_space<vmem>>) dst(%dma_wait3A_69 : memref<56x480xf32, #tpu.memory_space<hbm>>)
    return
  }
}

</mosaic_0001>

<sc_bundles>
// kernel: kernel.3.cloned.1.call-start
scs
__scs_entry_jumppad:
0x0: {  	(pc) =	sbr.rel $0x88, $3  }
0x1: {  	(tag) =	ssettag $0x0;
	lr =	simm.s32 $0x1  }
0x2: {  	[smem:$0x3F9E] =	sst lr;
	_ =	strace $0xD0000000  }
0x3: {  	_ = 	snop  }
0x4: {  	_ = 	snop  }
0x5: {  	_ = 	snop  }
0x6: {  	_ = 	snop  }
0x7: {  	_ = 	snop  }
__scs_overlays_trampoline_lowered:
0x8: {  	[smem:$0x3FAD] =	sst s0  }
0x9: {  	[smem:$0x3FAE] =	sst s1  }
0xa: {  	[smem:$0x3FAF] =	sst s2  }
0xb: {  	[smem:$0x3FB0] =	sst s3  }
0xc: {  	[smem:$0x3FB1] =	sst s4  }
0xd: {  	[smem:$0x3FB2] =	sst s5  }
0xe: {  	[smem:$0x3FB3] =	sst s6  }
0xf: {  	[smem:$0x3FB4] =	sst s7  }
0x10: {  	[smem:$0x3FB5] =	sst s8  }
0x11: {  	[smem:$0x3FB6] =	sst s9;
	s0 =	simm.s32 @!p0 $0x0  }
0x12: {  	s1 =	sld [smem:$0x3F9C];
	s0 =	simm.s32 @p0 $0x1  }
0x13: {  	[smem:$0x3FB7] =	sst s0;
	s0 =	simm.s32 @!p1 $0x0  }
0x14: {  	s2 =	sld [smem:$0x3F9B];
	s0 =	simm.s32 @p1 $0x1  }
0x15: {  	[smem:$0x3FB8] =	sst s0;
	s0 =	simm.s32 @!p2 $0x0  }
0x16: {  	s3 =	sld [smem:$0x3FDB];
	s0 =	simm.s32 @p2 $0x1  }
0x17: {  	s4 =	simm.s32 $0x1BF5;
	[smem:$0x3FBA] =	sst s0  }
0x18: {  	s0 =	sld [smem:$0x3F9D];
	_ =	swait.ge [sflag:s4], $0x0  }
0x19: {  	s7 =	sld [smem:$0x3F9E]  }
0x1a: {  	s8 =	sadd.s32 $0xFFFFE003, lr  }
0x1b: {  	s9 =	sadd.s32 $0xFFFFFEF7, lr;
	s5 =	simm.s32 $0xFFFFFFFF;
	p2 =	slt.u32 s8, $0xFFFFF086  }
0x1c: {  	p1 =	slt.u32 s9, $0xF7A;
	s5 =	simm.s32 @!p2 $0x0  }
0x1d: {  	s5 =	simm.s32 @p1 $0x1;
	p0 =	seq.s32 s7, s2  }
0x1e: {  	s7 =	smul.u32 @!p0 $0xF7A, s2;
	p2 =	seq.s32 @!p0 s5, $0x0  }
0x1f: {  	s9 =	smul.u32 $0xF7A, s1;
	s8 =	simm.s32 @!p0 $0x1BF5;
	p2 =	por !p2, p0  }
0x20: {  	[sflag:s8] =	ssyncset.s32 @!p0 $0xFFFFF086;
	s6 =	sadd.s32 @!p0 s3, s7;
	s7 =	simm.s32 @!p0 $0x108  }
0x21: {  	s3 =	sadd.s32 s3, s9;
	s6 =	sadd.s32 @!p0 $0x88, s6;
	s7 =	simm.s32 @p2 $0x1082  }
0x22: {  	[simem:s7], [sflag:s8] =	dma.local @!p0 [hbm:s6], $0xF7A  }
0x23: {  	s9 =	sor.u32 $0xD0000000, s2;
	s6 =	simm.s32 $0x108;
	_ =	swait.ge @!p0 [sflag:s8], $0x0  }
0x24: {  	s3 =	sadd.s32 $0x88, s3;
	s6 =	simm.s32 @!p1 $0x1082;
	[sflag:s4] =	ssyncset.s32 $0xFFFFF086  }
0x25: {  	[simem:s6], [sflag:s4] =	dma.local [hbm:s3], $0xF7A  }
0x26: {  	[smem:$0x3F9E] =	sst s1;
	(tag) =	ssettag s2;
	_ =	strace s9  }
0x27: {  	s1 =	sld [smem:$0x3FAE]  }
0x28: {  	s2 =	sld [smem:$0x3FAF]  }
0x29: {  	s4 =	sld [smem:$0x3FB1]  }
0x2a: {  	p0 =	seq.s32 s5, $0x0;
	s5 =	sld [smem:$0x3FB2]  }
0x2b: {  	s6 =	sld [smem:$0x3FB3]  }
0x2c: {  	s7 =	sld [smem:$0x3FB4]  }
0x2d: {  	s3 =	simm.s32 $0x108;
	s8 =	sld [smem:$0x3FB5]  }
0x2e: {  	s3 =	simm.s32 @!p0 $0x1082;
	s9 =	sld [smem:$0x3FB6]  }
0x2f: {  	lr =	sadd.s32 s0, s3;
	s0 =	sld [smem:$0x3FAD]  }
0x30: {  	s3 =	sld [smem:$0x3FB0]  }
0x31: {  	[smem:$0x3FB9] =	sst s10  }
0x32: {  	s10 =	sld [smem:$0x3FB7];
	_ =	sdelay $0x3  }
0x33: {  	p0 =	seq.s32 s10, $0x1;
	s10 =	sld [smem:$0x3FB9];
	_ =	sdelay $0x3  }
0x34: {  	[smem:$0x3FB9] =	sst s10  }
0x35: {  	s10 =	sld [smem:$0x3FB8];
	_ =	sdelay $0x3  }
0x36: {  	p1 =	seq.s32 s10, $0x1;
	s10 =	sld [smem:$0x3FB9];
	_ =	sdelay $0x3  }
0x37: {  	[smem:$0x3FB9] =	sst s10  }
0x38: {  	s10 =	sld [smem:$0x3FBA]  }
0x39: {  	_ = 	snop;
	(pc) =	sbr.ind lr, $3  }
0x3a: {  	_ = 	snop  }
0x3b: {  	_ = 	snop  }
0x3c: {  	p2 =	seq.s32 s10, $0x1;
	s10 =	sld [smem:$0x3FB9]  }
0x3d: {  	_ =	shalt  }
0x3e: {  	_ =	shalt  }
0x3f: {  	_ =	shalt  }
0x40: {  	_ =	shalt  }
0x41: {  	_ =	shalt  }
0x42: {  	_ =	shalt  }
0x43: {  	_ =	shalt  }
0x44: {  	_ =	shalt  }
0x45: {  	_ =	shalt  }
0x46: {  	_ =	shalt  }
0x47: {  	_ =	shalt  }
0x48: {  	_ =	shalt  }
0x49: {  	_ =	shalt  }
0x4a: {  	_ =	shalt  }
0x4b: {  	_ =	shalt  }
0x4c: {  	_ =	shalt  }
0x4d: {  	_ =	shalt  }
0x4e: {  	_ =	shalt  }
0x4f: {  	_ =	shalt  }
0x50: {  	_ =	shalt  }
0x51: {  	_ =	shalt  }
0x52: {  	_ =	shalt  }
0x53: {  	_ =	shalt  }
0x54: {  	_ =	shalt  }
0x55: {  	_ =	shalt  }
0x56: {  	_ =	shalt  }
0x57: {  	_ =	shalt  }
0x58: {  	_ =	shalt  }
0x59: {  	_ =	shalt  }
0x5a: {  	_ =	shalt  }
0x5b: {  	_ =	shalt  }
0x5c: {  	_ =	shalt  }
0x5d: {  	_ =	shalt  }
0x5e: {  	_ =	shalt  }
0x5f: {  	_ =	shalt  }
0x60: {  	_ =	shalt  }
0x61: {  	_ =	shalt  }
0x62: {  	_ =	shalt  }
0x63: {  	_ =	shalt  }
0x64: {  	_ =	shalt  }
0x65: {  	_ =	shalt  }
0x66: {  	_ =	shalt  }
0x67: {  	_ =	shalt  }
0x68: {  	_ =	shalt  }
0x69: {  	_ =	shalt  }
0x6a: {  	_ =	shalt  }
0x6b: {  	_ =	shalt  }
0x6c: {  	_ =	shalt  }
0x6d: {  	_ =	shalt  }
0x6e: {  	_ =	shalt  }
0x6f: {  	_ =	shalt  }
0x70: {  	_ =	shalt  }
0x71: {  	_ =	shalt  }
0x72: {  	_ =	shalt  }
0x73: {  	_ =	shalt  }
0x74: {  	_ =	shalt  }
0x75: {  	_ =	shalt  }
0x76: {  	_ =	shalt  }
0x77: {  	_ =	shalt  }
0x78: {  	_ =	shalt  }
0x79: {  	_ =	shalt  }
0x7a: {  	_ =	shalt  }
0x7b: {  	_ =	shalt  }
0x7c: {  	_ =	shalt  }
0x7d: {  	_ =	shalt  }
0x7e: {  	_ =	shalt  }
0x7f: {  	_ =	shalt  }
0x80: {  	_ =	shalt  }
0x81: {  	_ =	shalt  }
0x82: {  	_ =	shalt  }
0x83: {  	_ =	shalt  }
0x84: {  	_ =	shalt  }
0x85: {  	_ =	shalt  }
0x86: {  	_ =	shalt  }
0x87: {  	_ =	shalt  }
.Lfunc_end0:
.L_simem_size_0:
called_computation_lowered:
.L_overlay_start_0:
0x88: {  	s2 =	sld [smem:$0x3FD9]  }
0x89: {  	s3 =	sld [smem:$0x3FFE];
	_ =	sdelay $0x1  }
0x8a: {  	s1 =	srdreg.scid  }
0x8b: {  	s0 =	sand.u32 $0x1, s1  }
0x8c: {  	s17 =	sshll.u32 s0, $0xA;
	s2 =	sadd.s32 s3, s2  }
0x8d: {  	s2 =	sadd.s32 s2, s17  }
0x8e: {  	[smem:$0x3FC5] =	sst s2  }
0x8f: {  	_ = 	snop  }
0x90: {  	s2 =	sld [smem:$0x3FD0];
	(tm) =	ssettm $0x1  }
0x91: {  	s18 =	sld [smem:$0x3FFB];
	_ =	sdelay $0x3  }
0x92: {  	_ =	strace s18  }
0x93: {  	s3 =	sld [smem:$0x3FFC];
	_ =	sdelay $0x3  }
0x94: {  	_ =	strace s3  }
0x95: {  	s3 =	sld [smem:$0x3FFD];
	_ =	sdelay $0x3  }
0x96: {  	_ =	strace s3  }
0x97: {  	_ =	strace $0x8FFFFFFF  }
0x98: {  	s19 =	sld [smem:$0x3FDB];
	_ =	sdelay $0x1  }
0x99: {  	s4 =	simm.s32 $_scs_section_size  }
0x9a: {  	s5 =	simm.s32 $_size__tile_overlayer_lowered;
	s6 =	simm.s32 $_tile_overlayer_lowered  }
0x9b: {  	s22 =	simm.s32 $0x1BFF;
	s21 =	sshll.u32 s6, $0x1;
	s3 =	sadd.s32 s4, s19  }
0x9c: {  	s7 =	simm.s32 $0x0;
	s20 =	sshll.u32 s5, $0x1;
	s5 =	sadd.s32 s21, s3  }
0x9d: {  	[timem:s7], [sflag:s22] =	dma.local [hbm:s5], s20  }
0x9e: {  	_ =	swait.ge [sflag:s22], s20  }
0x9f: {  	s4 =	ssub.s32 $0x0, s20;
	[sflag:s22] =	ssyncset.done $0x0  }
0xa0: {  	[sflag:s22] =	ssyncadd.s32 s4;
	_ =	sdelay $0x1  }
0xa1: {  	s23 =	simm.s32 $0x1B8B  }
0xa2: {  	_ =	swait.ge [sflag:s23], $0x1  }
0xa3: {  	[sflag:s23] =	ssyncset.done $0x0  }
0xa4: {  	s25 =	simm.s32 $0x1B8E;
	s24 =	sld [smem:$0x3FFE];
	[sflag:s23] =	ssyncadd.s32 $0xFFFFFFFF  }
0xa5: {  	s26 =	simm.s32 $execute0_lowered;
	[smem:$0x3FD2] =	sst s25  }
0xa6: {  	s5 =	sshll.u32 s26, $0x1;
	_ =	strace $0x80000046;
	[dreg:$0x1] =	wrdreg $0xFFFFFFFF  }
0xa7: {  	s28 =	simm.s32 $_size_execute0_lowered;
	s3 =	sadd.s32 s3, s5;
	[dreg:$0x0] =	wrdreg $0x0  }
0xa8: {  	s5 =	sshll.u32 s28, $0x1;
	[dreg:$0x2] =	wrdreg s3  }
0xa9: {  	[dreg:$0x3] =	wrdreg s5  }
0xaa: {  	[dreg:$0x4] =	wrdreg $0xC0  }
0xab: {  	_ =	task [dreg:s7], $0x5FFFF  }
0xac: {  	[dreg:$0x1] =	wrdreg $0xFFFFFFFF  }
0xad: {  	[dreg:$0x0] =	wrdreg $0x60  }
0xae: {  	[dreg:$0x2] =	wrdreg s24  }
0xaf: {  	[dreg:$0x3] =	wrdreg s2  }
0xb0: {  	[dreg:$0x4] =	wrdreg $0x9  }
0xb1: {  	_ =	task.clear_ibuf [dreg:s7], $0x5FFFF;
	_ =	strace $0x90000046  }
0xb2: {  	s29 =	simm.s32 $0x9;
	_ =	strace $0x80000048  }
0xb3: {  	_ =	swait.ge [sflag:s29], $0x1  }
0xb4: {  	[sflag:s29] =	ssyncadd.s32 $0xFFFFFFFF  }
0xb5: {  	_ =	strace $0x90000048  }
0xb6: {  	_ =	sfence  }
0xb7: {  	s30 =	sld [smem:$0x0];
	_ =	sdelay $0x2  }
0xb8: {  	s31 =	sshll.u32 s1, $0xD;
	s1 =	sshrl.u32 s1, $0x2  }
0xb9: {  	s3 =	sand.u32 $0x4000, s31;
	s1 =	sadd.s32 s1, s30  }
0xba: {  	s0 =	sor.u32 s3, s0;
	s1 =	sshll.u32 s1, $0x11  }
0xbb: {  	s0 =	sor.u32 s1, s0  }
0xbc: {  	s0 =	sadd.s32 $0x8F2B, s0  }
0xbd: {  	[sflag:s0] =	ssyncadd.remote.s32 $0x1  }
0xbe: {  	_ =	sfence.sel $0xFFFF  }
0xbf: {  	[dreg:$0x0] =	wrdreg $0xFFFFFFFF;
	(pc) =	sbr.abs _section_cstart, $3  }
0xc0: {  	[dreg:$0x1] =	wrdreg $0xFFFFFFFF  }
0xc1: {  	_ =	task.clear_ibuf [dreg:s7], $0x2FFFF;
	_ =	strace $0x9FFFFFFF  }
0xc2: {  	(tm) =	ssettm $0x7FFFFFFF  }
0xc3: {  	_ =	shalt  }
tec
execute0_lowered:
.L_overlay_start_1:
0x0: {  	(tag) =	ssettag $0x1  }
0x1: {  	s0 =	rddreg [dreg:$0x0];
	s18 =	simm.s32 $0x0;
	s1 =	srdreg.scid  }
0x2: {  	s5 =	stileid.u32;
	[smem:$0x7FF] =	sst s18  }
0x3: {  	s1 =	sand.u32 $0x1, s1;
	s2 =	sshll.u32 s5, $0x1;
	s6 =	sadd.s32 $0x400, s0  }
0x4: {  	s4 =	sadd.s32 $0x30D800, s0;
	s19 =	sadd.s32 $0x30DA00, s0;
	p0 =	slt.u32 s5, $0x5  }
0x5: {  	_ =	strace $0x80000047;
	s2 =	sor.u32 s1, s2;
	s1 =	ssub.s32 $0x2, s1  }
0x6: {  	[dreg:$0x4] =	wrdreg s4;
	s3 =	smul.u32 $0xC3, s2;
	s28 =	sshrl.u32 s1, $0x1  }
0x7: {  	[dreg:$0x3] =	wrdreg s6;
	s2 =	smin.u32 s2, $0xA;
	s29 =	ssub.s32 s1, s28  }
0x8: {  	[dreg:$0x5] =	wrdreg s19;
	s30 =	sadd.s32 s2, s3;
	s0 =	smax.u32 s29, $0x1  }
0x9: {  	s3 =	simm.s32 $0x5E8;
	s1 =	sshll.u32 s30, $0x3;
	[dreg:$0x9] =	wrdreg s0  }
0xa: {  	s2 =	sshll.u32 s30, $0x9;
	s3 =	simm.s32 @!p0 $0x5E0;
	[dreg:$0x7] =	wrdreg s1  }
0xb: {  	[dreg:$0x6] =	wrdreg s3;
	s31 =	sadd.s32 s6, s2  }
0xc: {  	s2 =	simm.s32 $0x0;
	[dreg:$0x8] =	wrdreg s31  }
.LBB2_1:
0xd: {  	[dreg:$0xa] =	wrdreg s2  }
0xe: {  	s0 =	rddreg [dreg:$0x1];
	s1 =	simm.s32 $0x1C000;
	s28 =	simm.s32 $0x5  }
0xf: {  	[tilespmem:s1], [sflag:$0x5] =	stream.linear.gather [hbm4b:s0+s18], $0x200, $0x38;
	[tilespmem:$0x1C400] =	vst v63  }
0x10: {  	_ =	swait.ge [sflag:s28], $0x200  }
0x11: {  	[sflag:s28] =	ssyncset.done $0x0  }
0x12: {  	s30 =	simm.s32 $0x1C200;
	s29 =	rddreg [dreg:$0x4];
	[sflag:s28] =	ssyncadd.s32 $0xFFFFFE00  }
0x13: {  	[tilespmem:s30], [sflag:$0x5] =	stream.linear.gather [hbm4b:s29+s18], $0x200, $0x38;
	[tilespmem:$0x1C400] =	vst v63  }
0x14: {  	_ =	swait.ge [sflag:s28], $0x200  }
0x15: {  	[sflag:s28] =	ssyncset.done $0x0  }
0x16: {  	s20 =	simm.s32 $0x0;
	s31 =	rddreg [dreg:$0x8];
	[sflag:s28] =	ssyncadd.s32 $0xFFFFFE00  }
0x17: {  	[tilespmem:s18], [sflag:$0x1] =	stream.linear.gather [hbm4b:s31+s18], $0x7000, $0x38;
	[tilespmem:$0x1C400] =	vst v63  }
.LBB2_2:
0x18: {  	s3 =	smul.u32 $0x70, s20;
	_ =	sdelay $0x1  }
0x19: {  	s1 =	rddreg [dreg:$0x6];
	s0 =	sadd.s32 $0x38, s3  }
0x1a: {  	p0 =	slt.s32 s0, s1  }
0x1b: {  	s2 =	rddreg [dreg:$0x7];
	s1 =	smov.u32 @p0 s0  }
0x1c: {  	s0 =	sadd.s32 s2, s1  }
0x1d: {  	s25 =	rddreg [dreg:$0x3];
	s26 =	simm.s32 $0x7000;
	s1 =	sshll.u32 s0, $0x6  }
0x1e: {  	s30 =	simm.s32 $0x1;
	[dreg:$0xc] =	wrdreg s1;
	s0 =	sadd.s32 s25, s1  }
0x1f: {  	[tilespmem:s26], [sflag:$0x2] =	stream.linear.gather [hbm4b:s0+s18], $0x7000, $0x38;
	[tilespmem:$0x1C400] =	vst v63  }
0x20: {  	_ =	swait.ge [sflag:s30], $0x7000  }
0x21: {  	s11 =	simm.s32 $0xFFFFFFFC;
	p0 =	seq.s32 s20, $0x0;
	[sflag:s30] =	ssyncset.done $0x0  }
0x22: {  	s0 =	simm.s32 @!p0 $0x3;
	[dreg:$0xb] =	wrdreg s20;
	[sflag:s30] =	ssyncadd.s32 $0xFFFF9000  }
0x23: {  	s28 =	simm.s32 $0x0;
	p1 =	por $0x0, $0x0;
	_ =	swait.ge @!p0 [sflag:s0], $0x7000  }
0x24: {  	s31 =	sadd.s32 s2, s3;
	[dreg:$0xd] =	wrdreg s3;
	[sflag:s0] =	ssyncset.done @!p0 $0x0  }
0x25: {  	s29 =	simm.s32 $0x0;
	[dreg:$0xe] =	wrdreg s31;
	[sflag:s0] =	ssyncadd.s32 @!p0 $0xFFFF9000  }
.LBB2_3:
0x26: {  	s0 =	sand.u32 $0x7000, s28;
	s1 =	sand.u32 $0x200, s29  }
0x27: {  	s17 =	sor.u32 s1, s0  }
0x28: {  	v18 =	vld [tilespmem:s17+$0x0]  }
0x29: {  	v15 =	vld [tilespmem:s17+$0x10]  }
0x2a: {  	v12 =	vld [tilespmem:s17+$0x20]  }
0x2b: {  	v7 =	vld [tilespmem:s17+$0x30]  }
0x2c: {  	v5 =	vld [tilespmem:s17+$0x40]  }
0x2d: {  	v3 =	vld [tilespmem:s17+$0x50]  }
0x2e: {  	v1 =	vld [tilespmem:s17+$0x60]  }
0x2f: {  	v0 =	vld [tilespmem:s17+$0x70]  }
0x30: {  	v62 =	vld [tilespmem:s17+$0x400]  }
0x31: {  	v63 =	vld [tilespmem:s17+$0x410]  }
0x32: {  	v21 =	vld [tilespmem:s17+$0x450]  }
0x33: {  	v23 =	vld [tilespmem:s17+$0x460]  }
0x34: {  	v24 =	vld [tilespmem:s17+$0x470]  }
0x35: {  	s0 =	simm.s32 $0x1;
	v49 =	vld [tilespmem:s17+$0x480]  }
0x36: {  	s0 =	simm.s32 @!p1 $0x0;
	v51 =	vld [tilespmem:s17+$0x490]  }
0x37: {  	v52 =	vld [tilespmem:s17+$0x4A0];
	s0 =	sshll.u32 s0, $0x9  }
0x38: {  	v55 =	vld [tilespmem:s17+$0x4B0];
	s1 =	sadd.s32 s0, s28  }
0x39: {  	v56 =	vld [tilespmem:s17+$0x4C0];
	s0 =	sor.u32 $0x800, s1  }
0x3a: {  	s5 =	sor.u32 $0x810, s1;
	v25 =	vld [tilespmem:s0+$0x0]  }
0x3b: {  	s6 =	sor.u32 $0x820, s1;
	v27 =	vld [tilespmem:s5+$0x0]  }
0x3c: {  	s7 =	sor.u32 $0x830, s1;
	v29 =	vld [tilespmem:s6+$0x0]  }
0x3d: {  	s8 =	sor.u32 $0x840, s1;
	v31 =	vld [tilespmem:s7+$0x0]  }
0x3e: {  	s9 =	sor.u32 $0x850, s1;
	v33 =	vld [tilespmem:s8+$0x0]  }
0x3f: {  	s10 =	sor.u32 $0x860, s1;
	v35 =	vld [tilespmem:s9+$0x0]  }
0x40: {  	s12 =	sor.u32 $0x870, s1;
	v37 =	vld [tilespmem:s10+$0x0];
	v2 =	vadd.f32 v15, v18;
	v4 =	vmul.f32 v18, v18;
	v6 =	vmul.f32 v15, v15  }
0x41: {  	s13 =	sor.u32 $0xC00, s1;
	v38 =	vld [tilespmem:s12+$0x0];
	v8 =	vadd.f32 v7, v12;
	v9 =	vmul.f32 v12, v12;
	v10 =	vmul.f32 v7, v7  }
0x42: {  	s14 =	sor.u32 $0xC10, s1;
	v41 =	vld [tilespmem:s13+$0x0];
	v11 =	vadd.f32 v3, v5;
	v13 =	vmul.f32 v5, v5;
	v14 =	vmul.f32 v3, v3  }
0x43: {  	s15 =	sor.u32 $0xC20, s1;
	v42 =	vld [tilespmem:s14+$0x0];
	v16 =	vadd.f32 v0, v1;
	v17 =	vmul.f32 v1, v1;
	v19 =	vmul.f32 v0, v0  }
0x44: {  	s16 =	sor.u32 $0xC30, s1;
	v43 =	vld [tilespmem:s15+$0x0];
	v4 =	vadd.f32 v6, v4;
	v57 =	vadd.f32 v10, v9  }
0x45: {  	s19 =	sor.u32 $0xC50, s1;
	v28 =	vmul.f32 v21, v21;
	v21 =	vld [tilespmem:s16+$0x0];
	v58 =	vadd.f32 v14, v13;
	v59 =	vadd.f32 v19, v17  }
0x46: {  	v30 =	vmul.f32 v23, v23;
	v23 =	vld [tilespmem:s19+$0x0];
	v2 =	vadd.f32 v8, v2;
	v60 =	vadd.f32 v16, v11  }
0x47: {  	v16 =	vld [tilespmem:s17+$0x420];
	v4 =	vadd.f32 v57, v4;
	v61 =	vadd.f32 v59, v58  }
0x48: {  	v32 =	vmul.f32 v24, v24;
	v17 =	vld [tilespmem:s17+$0x430];
	v2 =	vadd.f32 v60, v2  }
0x49: {  	v19 =	vld [tilespmem:s17+$0x440];
	v34 =	vmul.f32 v25, v25;
	v36 =	vmul.f32 v27, v27;
	v4 =	vadd.f32 v61, v4  }
0x4a: {  	v14 =	vld [tilespmem:s17+$0xA0];
	v39 =	vmul.f32 v29, v29;
	v44 =	vmul.f32 v33, v33;
	(xrf2) =	vadd.scan.msk.f32 $0xffff, v2  }
0x4b: {  	v11 =	vld [tilespmem:s17+$0xB0];
	v45 =	vmul.f32 v37, v37;
	v46 =	vmul.f32 v35, v35;
	(xrf2) =	vadd.scan.msk.f32 $0xffff, v4  }
0x4c: {  	s4 =	sadd.s32 $0x80, s1;
	v9 =	vld [tilespmem:s17+$0xC0];
	v47 =	vmul.f32 v38, v38;
	v13 =	vmul.f32 v41, v41  }
0x4d: {  	s22 =	sor.u32 $0x840, s4;
	v57 =	vld [tilespmem:s17+$0x4D0];
	v2 =	vmul.f32 v62, v62;
	v6 =	vmul.f32 v16, v16  }
0x4e: {  	s23 =	sor.u32 $0x850, s4;
	v41 =	vld [tilespmem:s22+$0x0];
	v8 =	vmul.f32 v17, v17;
	v4 =	vmul.f32 v63, v63  }
0x4f: {  	s30 =	sor.u32 $0xC10, s4;
	v48 =	vmul.f32 v42, v42;
	v42 =	vld [tilespmem:s23+$0x0];
	v26 =	vmul.f32 v19, v19;
	v2 =	vadd.f32 v6, v2  }
0x50: {  	s3 =	sor.u32 $0x820, s4;
	v50 =	vmul.f32 v21, v21;
	v21 =	vmul.f32 v51, v51;
	v51 =	vld [tilespmem:s30+$0x0];
	v4 =	vadd.f32 v8, v4  }
0x51: {  	[smem:$0x7EB] =	sst s0;
	s24 =	sor.u32 $0x860, s4;
	v54 =	vmul.f32 v23, v23;
	v24 =	vadd.f32 v45, v44;
	v62 =	vld [tilespmem:s3+$0x0];
	v2 =	vadd.f32 v26, v2  }
0x52: {  	[smem:$0x7EC] =	sst s5;
	v23 =	vmul.f32 v55, v55;
	v10 =	vadd.f32 v47, v46;
	v44 =	vld [tilespmem:s24+$0x0];
	v4 =	vadd.f32 v28, v4  }
0x53: {  	[smem:$0x7EE] =	sst s6;
	v40 =	vmul.f32 v31, v31;
	v19 =	vld [tilespmem:s17+$0x90];
	v25 =	vadd.f32 v11, v14;
	v2 =	vadd.f32 v30, v2  }
0x54: {  	[smem:$0x7F2] =	sst s7;
	v61 =	vmul.f32 v49, v49;
	v21 =	vadd.f32 v23, v21;
	v6 =	vld [tilespmem:s17+$0xD0];
	v4 =	vadd.f32 v32, v4;
	v20, _, _ =	vpop (xrf2)  }
0x55: {  	s18 =	sor.u32 $0xC40, s1;
	[dreg:$0x1c] =	wrdreg s8;
	v31 =	vmul.f32 v14, v14;
	v26 =	vld [tilespmem:s17+$0x4E0];
	v2 =	vadd.f32 v34, v2;
	(v2sf) =	vpush v20, $0xF;
	v22, _, _ =	vpop (xrf2)  }
0x56: {  	[dreg:$0x19] =	wrdreg s9;
	v60 =	vmul.f32 v11, v11;
	v4 =	vadd.f32 v36, v4;
	(v2sf) =	vpush v22, $0xF;
	v22 =	vld [tilespmem:s18+$0x0]  }
0x57: {  	[dreg:$0x17] =	wrdreg s10;
	s10 =	sor.u32 $0x810, s4;
	v13 =	vadd.f32 v13, v24;
	v10 =	vadd.f32 v48, v10;
	v16 =	vmul.f32 v57, v57;
	v30 =	vld [tilespmem:s17+$0x4F0]  }
0x58: {  	[dreg:$0x15] =	wrdreg s12;
	v8 =	vmul.f32 v43, v43;
	v34 =	vld [tilespmem:s10+$0x0];
	v2 =	vadd.f32 v39, v2;
	v4 =	vadd.f32 v40, v4  }
0x59: {  	[dreg:$0x14] =	wrdreg s13;
	s21 =	sor.u32 $0x830, s4;
	v33 =	vmul.f32 v9, v9;
	v10 =	vadd.f32 v50, v10;
	v16 =	vadd.f32 v16, v21;
	v20 =	vld [tilespmem:s17+$0x80]  }
0x5a: {  	[dreg:$0x13] =	wrdreg s14;
	v63 =	vld [tilespmem:s21+$0x0];
	v8 =	vadd.f32 v8, v13;
	v59 =	vmul.f32 v19, v19;
	v2 =	vadd.f32 v4, v2  }
0x5b: {  	[dreg:$0x12] =	wrdreg s15;
	v10 =	vadd.f32 v54, v10;
	v35 =	vmul.f32 v6, v6;
	v4 =	vld [tilespmem:s17+$0xE0];
	v53 =	vmul.f32 v22, v22  }
0x5c: {  	[dreg:$0x11] =	wrdreg s16;
	s25 =	sor.u32 $0x870, s4;
	v13 =	vmul.f32 v52, v52;
	v27 =	vadd.f32 v6, v9;
	v45 =	vmul.f32 v30, v30;
	(xrf2) =	vadd.scan.msk.f32 $0xffff, v2;
	v2 =	vld [tilespmem:s17+$0xF0]  }
0x5d: {  	[dreg:$0x10] =	wrdreg s18;
	s8 =	sor.u32 $0x800, s4;
	v46 =	vld [tilespmem:s25+$0x0];
	v43 =	vmul.f32 v26, v26;
	v49 =	vadd.f32 v35, v33;
	v8 =	vadd.f32 v53, v8  }
0x5e: {  	[dreg:$0xf] =	wrdreg s19;
	s26 =	sor.u32 $0xC00, s4;
	v32 =	vld [tilespmem:s8+$0x0];
	v16 =	vadd.f32 v45, v16;
	v50 =	vmul.f32 v34, v34;
	v58 =	vadd.f32 v19, v20  }
0x5f: {  	s12 =	sor.u32 $0xC30, s4;
	[smem:$0x7F0] =	sst s3;
	v48 =	vld [tilespmem:s26+$0x0];
	v40 =	vmul.f32 v56, v56;
	v8 =	vadd.f32 v10, v8;
	v10 =	vadd.f32 v13, v61  }
0x60: {  	[smem:$0x7F3] =	sst s21;
	v57 =	vld [tilespmem:s12+$0x0];
	v29 =	vmul.f32 v20, v20;
	v54 =	vadd.f32 v50, v16;
	v22 =	vadd.f32 v25, v58  }
0x61: {  	s5 =	sor.u32 $0xC20, s4;
	[smem:$0x7F4] =	sst s22;
	v21 =	vld [tilespmem:s17+$0x100];
	v56 =	vmul.f32 v63, v63;
	v28 =	vadd.f32 v2, v4;
	v10 =	vadd.f32 v40, v10  }
0x62: {  	s13 =	sor.u32 $0xC40, s4;
	s4 =	sor.u32 $0xC50, s4;
	[smem:$0x7F5] =	sst s23;
	v26 =	vld [tilespmem:s17+$0x130];
	v25 =	vadd.f32 v59, v29;
	v36 =	vmul.f32 v4, v4;
	v37 =	vmul.f32 v2, v2;
	(xrf2) =	vadd.scan.msk.f32 $0xffff, v8  }
0x63: {  	[smem:$0x7F6] =	sst s24;
	v63 =	vld [tilespmem:s4+$0x0];
	v47 =	vmul.f32 v32, v32;
	v27 =	vadd.f32 v28, v27;
	v10 =	vadd.f32 v43, v10  }
0x64: {  	[dreg:$0x1f] =	wrdreg s25;
	v16 =	vld [tilespmem:s17+$0x140];
	v28 =	vadd.f32 v60, v31;
	v52 =	vadd.f32 v37, v36  }
0x65: {  	[dreg:$0x1e] =	wrdreg s26;
	v55 =	vmul.f32 v62, v62;
	v62 =	vadd.f32 v56, v54;
	v29 =	vld [tilespmem:s17+$0x110];
	v10 =	vadd.f32 v47, v10  }
0x66: {  	[dreg:$0x1d] =	wrdreg s30;
	v53 =	vld [tilespmem:s5+$0x0];
	v36 =	vmul.f32 v41, v41;
	v58 =	vadd.f32 v28, v25;
	v59 =	vadd.f32 v52, v49  }
0x67: {  	[dreg:$0x1b] =	wrdreg s5;
	v13 =	vld [tilespmem:s17+$0x150];
	v37 =	vmul.f32 v44, v44;
	v22 =	vadd.f32 v27, v22;
	v61 =	vadd.f32 v55, v10  }
0x68: {  	[dreg:$0x1a] =	wrdreg s12;
	v38 =	vmul.f32 v42, v42;
	v39 =	vmul.f32 v46, v46;
	v60 =	vld [tilespmem:s13+$0x0];
	v35 =	vadd.f32 v59, v58  }
0x69: {  	[dreg:$0x18] =	wrdreg s13;
	v41 =	vmul.f32 v48, v48;
	v31 =	vld [tilespmem:s17+$0x500];
	s2 =	spop (v2sf);
	(xrf2) =	vadd.scan.msk.f32 $0xffff, v22;
	v10 =	vadd.f32 v37, v36;
	v8 =	vadd.f32 v62, v61  }
0x6a: {  	v28 =	vld [tilespmem:s17+$0x120];
	v43 =	vadd.f32 v39, v38;
	v46, _, _ =	vpop (xrf2);
	s31 =	smul.f32 $7.812500000e-03, s2;
	s20 =	spop (v2sf);
	(xrf2) =	vadd.scan.msk.f32 $0xffff, v35  }
0x6b: {  	[dreg:$0x16] =	wrdreg s4;
	v44 =	vmul.f32 v51, v51;
	(v2sf) =	vpush v46, $0xF;
	s0 =	smul.f32 $7.812500000e-03, s20;
	v23 =	vadd.f32 v41, v10;
	v10 =	vld [tilespmem:s17+$0x160];
	(xrf2) =	vadd.scan.msk.f32 $0xffff, v8  }
0x6c: {  	s14 =	smul.f32 s31, s31;
	v8 =	vld [tilespmem:s17+$0x170];
	v32, _, _ =	vpop (xrf2)  }
0x6d: {  	v27 =	vmul.f32 v57, v57;
	v25 =	vadd.f32 v44, v43;
	v33 =	vld [tilespmem:s17+$0x510]  }
0x6e: {  	v17 =	vmul.f32 v63, v63;
	v56 =	vadd.f32 v29, v21;
	s0 =	ssub.f32 s0, s14;
	v49 =	vld [tilespmem:s17+$0x520]  }
0x6f: {  	v45 =	vmul.f32 v53, v53;
	v39 =	vmul.f32 v21, v21;
	v25 =	vadd.f32 v27, v25;
	v51 =	vld [tilespmem:s17+$0x530]  }
0x70: {  	v59 =	vadd.f32 v13, v16;
	v48 =	vmul.f32 v60, v60;
	v44 =	vmul.f32 v13, v13;
	s0 =	sadd.f32 $9.999999740e-06, s0;
	v53 =	vld [tilespmem:s17+$0x540]  }
0x71: {  	v31 =	vmul.f32 v31, v31;
	v58 =	vadd.f32 v26, v28;
	v17 =	vadd.f32 v17, v25;
	v55 =	vld [tilespmem:s17+$0x550]  }
0x72: {  	s13 =	sadd.s32 $0x100, s1;
	v61 =	vmul.f32 v28, v28;
	v23 =	vadd.f32 v45, v23;
	v40 =	vmov s0;
	v57 =	vld [tilespmem:s17+$0x560]  }
0x73: {  	v62 =	vmul.f32 v16, v16;
	s0 =	sor.u32 $0x800, s13;
	v42 =	vshra.s32 v40, $0x1;
	v22 =	vmul.f32 $5.000000000e-01, v40;
	v60 =	vld [tilespmem:s17+$0x570]  }
0x74: {  	s2 =	sor.u32 $0x810, s13;
	(v2sf) =	vpush v32, $0xF;
	v23 =	vadd.f32 v48, v23;
	v40 =	vmul.f32 v29, v29;
	v41 =	vld [tilespmem:s0+$0x0];
	v50, _, _ =	vpop (xrf2)  }
0x75: {  	s4 =	sor.u32 $0x820, s13;
	v43 =	vld [tilespmem:s2+$0x0];
	v24 =	vsub.s32 $0x5F3759DF, v42;
	v42 =	vmul.f32 v26, v26;
	(v2sf) =	vpush v50, $0xF  }
0x76: {  	s6 =	sor.u32 $0x840, s13;
	v45 =	vld [tilespmem:s4+$0x0];
	v47 =	vmul.f32 v24, v22;
	v17 =	vadd.f32 v17, v23;
	v39 =	vadd.f32 v40, v39  }
0x77: {  	s5 =	sor.u32 $0x830, s13;
	v63 =	vld [tilespmem:s6+$0x0];
	v46 =	vmul.f32 v10, v10;
	v52, _, _ =	vpop (xrf2);
	v38 =	vadd.f32 v8, v10;
	v23 =	vadd.f32 v42, v61  }
0x78: {  	s9 =	sor.u32 $0x860, s13;
	v40 =	vld [tilespmem:s5+$0x0];
	v30 =	vmul.f32 v24, v47;
	(v2sf) =	vpush v52, $0xF;
	(xrf2) =	vadd.scan.msk.f32 $0xffff, v17;
	v17 =	vadd.f32 v58, v56  }
0x79: {  	s19 =	sor.u32 $0xC30, s13;
	v50 =	vld [tilespmem:s9+$0x0];
	v47 =	vmul.f32 v8, v8;
	v36 =	vadd.f32 v38, v59;
	v32 =	vmul.f32 v49, v49  }
0x7a: {  	s15 =	sor.u32 $0xC00, s13;
	v61 =	vld [tilespmem:s19+$0x0];
	v38 =	vadd.f32 v44, v62;
	v33 =	vmul.f32 v33, v33;
	v34 =	vmul.f32 v51, v51  }
0x7b: {  	s7 =	sor.u32 $0x850, s13;
	v52 =	vld [tilespmem:s15+$0x0];
	v23 =	vadd.f32 v23, v39;
	v27 =	vmul.f32 v55, v55;
	v56 =	vmul.f32 v60, v60  }
0x7c: {  	s12 =	sor.u32 $0x870, s13;
	v49 =	vld [tilespmem:s7+$0x0];
	v59 =	vmul.f32 v63, v63;
	v42 =	vmul.f32 v41, v41;
	v25 =	vsub.f32 $1.500000000e+00, v30  }
0x7d: {  	s16 =	sor.u32 $0xC10, s13;
	v51 =	vld [tilespmem:s12+$0x0];
	v48 =	vadd.f32 v47, v46;
	v30 =	vmul.f32 v53, v53;
	v31 =	vadd.f32 v32, v31  }
0x7e: {  	s20 =	sor.u32 $0xC40, s13;
	v55 =	vld [tilespmem:s16+$0x0];
	v47 =	vmul.f32 v43, v43;
	v17 =	vadd.f32 v36, v17;
	v33 =	vadd.f32 v34, v33  }
0x7f: {  	v63 =	vld [tilespmem:s20+$0x0];
	v60 =	vmul.f32 v50, v50;
	v50 =	vmul.f32 v45, v45;
	v54, _, _ =	vpop (xrf2);
	v38 =	vadd.f32 v48, v38  }
0x80: {  	s18 =	sor.u32 $0xC20, s13;
	v41 =	vld [tilespmem:s17+$0x1A0];
	(v2sf) =	vpush v54, $0xF;
	v30 =	vadd.f32 v30, v31;
	v54 =	vmul.f32 v57, v57;
	(xrf2) =	vadd.scan.msk.f32 $0xffff, v17  }
0x81: {  	s21 =	sor.u32 $0xC50, s13;
	v27 =	vadd.f32 v27, v33;
	v57 =	vld [tilespmem:s18+$0x0];
	v44 =	vmul.f32 v52, v52;
	v23 =	vadd.f32 v38, v23  }
0x82: {  	v46 =	vld [tilespmem:s21+$0x0];
	v62 =	vmul.f32 v49, v49;
	v32 =	vmul.f32 v51, v51;
	v58 =	vadd.f32 v54, v30  }
0x83: {  	v31 =	vld [tilespmem:s17+$0x1C0];
	v35 =	vmul.f32 v55, v55;
	v27 =	vadd.f32 v56, v27;
	v30 =	vadd.f32 v60, v59  }
0x84: {  	v49 =	vmul.f32 v61, v61;
	v38 =	vld [tilespmem:s17+$0x1B0];
	(xrf2) =	vadd.scan.msk.f32 $0xffff, v23;
	v32 =	vadd.f32 v32, v62;
	v17 =	vadd.f32 v42, v58  }
0x85: {  	v51 =	vmul.f32 v40, v40;
	v23 =	vld [tilespmem:s17+$0x180];
	v30 =	vadd.f32 v44, v30;
	v27 =	vadd.f32 v47, v27;
	v53, _, _ =	vpop (xrf2)  }
0x86: {  	v42 =	vld [tilespmem:s17+$0x190];
	v48 =	vmul.f32 v57, v57;
	v32 =	vadd.f32 v35, v32;
	(v2sf) =	vpush v53, $0xF  }
0x87: {  	v33 =	vmul.f32 v63, v63;
	v17 =	vadd.f32 v50, v17;
	v53 =	vadd.f32 v51, v27;
	v27 =	vld [tilespmem:s17+$0x1E0]  }
0x88: {  	v34 =	vmul.f32 v46, v46;
	v52 =	vadd.f32 v48, v30;
	v32 =	vadd.f32 v49, v32;
	v30 =	vld [tilespmem:s17+$0x1D0]  }
0x89: {  	v59 =	vmul.f32 v41, v41;
	v58 =	vadd.f32 v38, v41;
	v35 =	vadd.f32 v53, v17;
	v17 =	vld [tilespmem:s17+$0x1F0]  }
0x8a: {  	v60 =	vmul.f32 v38, v38;
	v33 =	vadd.f32 v33, v52;
	v32 =	vadd.f32 v34, v32;
	v54, _, _ =	vpop (xrf2)  }
0x8b: {  	v56 =	vmul.f32 v23, v23;
	v57 =	vmul.f32 v42, v42;
	(v2sf) =	vpush v54, $0xF  }
0x8c: {  	v62 =	vmul.f32 v31, v31;
	v32 =	vadd.f32 v32, v33;
	v33 =	vadd.f32 v42, v23  }
0x8d: {  	v53 =	vmul.f32 v27, v27;
	v34 =	vadd.f32 v57, v56;
	v54 =	vadd.f32 v60, v59  }
0x8e: {  	v61 =	vadd.f32 v30, v31;
	v63 =	vmul.f32 v30, v30;
	v55, _, _ =	vpop (xrf2);
	v48 =	vmul.f32 v17, v17  }
0x8f: {  	v52 =	vadd.f32 v17, v27;
	(v2sf) =	vpush v55, $0xF  }
0x90: {  	v55 =	vadd.f32 v63, v62;
	v56 =	vadd.f32 v48, v53  }
0x91: {  	v33 =	vadd.f32 v58, v33;
	v57 =	vadd.f32 v52, v61  }
0x92: {  	s13 =	spop (v2sf);
	v34 =	vadd.f32 v54, v34;
	v58 =	vadd.f32 v56, v55  }
0x93: {  	s22 =	spop (v2sf);
	(xrf2) =	vadd.scan.msk.f32 $0xffff, v35;
	v59 =	vadd.f32 v57, v33  }
0x94: {  	[smem:$0x7F8] =	sst s15;
	s14 =	spop (v2sf);
	(xrf2) =	vadd.scan.msk.f32 $0xffff, v32;
	v60 =	vadd.f32 v58, v34  }
0x95: {  	s14 =	smul.f32 $7.812500000e-03, s14;
	s15 =	spop (v2sf);
	(xrf2) =	vadd.scan.msk.f32 $0xffff, v59  }
0x96: {  	s15 =	smul.f32 $7.812500000e-03, s15;
	(xrf2) =	vadd.scan.msk.f32 $0xffff, v60  }
0x97: {  	[smem:$0x7F9] =	sst s16;
	s16 =	smul.f32 s14, s14  }
0x98: {  	v24 =	vmul.f32 v24, v25  }
0x99: {  	s15 =	ssub.f32 s15, s16  }
0x9a: {  	v22 =	vmul.f32 v24, v22  }
0x9b: {  	s15 =	sadd.f32 $9.999999740e-06, s15  }
0x9c: {  	v22 =	vmul.f32 v22, v24  }
0x9d: {  	v44 =	vld [tilespmem:$0x1C000];
	v61 =	vmov s15;
	s15 =	spop (v2sf);
	v37, _, _ =	vpop (xrf2)  }
0x9e: {  	v22 =	vsub.f32 $1.500000000e+00, v22;
	(v2sf) =	vpush v37, $0xF;
	s23 =	spop (v2sf);
	v40, _, _ =	vpop (xrf2)  }
0x9f: {  	(v2sf) =	vpush v40, $0xF;
	s24 =	spop (v2sf);
	v46, _, _ =	vpop (xrf2)  }
0xa0: {  	v36 =	vmov s31;
	v35 =	vmul.f32 v22, v24;
	s25 =	smul.f32 $7.812500000e-03, s24;
	(v2sf) =	vpush v46, $0xF;
	v48, _, _ =	vpop (xrf2)  }
0xa1: {  	[smem:$0x7FA] =	sst s18;
	v43 =	vld [tilespmem:$0x1C200];
	v62 =	vshra.s32 v61, $0x1;
	v63 =	vmul.f32 $5.000000000e-01, v61;
	(v2sf) =	vpush v48, $0xF  }
0xa2: {  	v18 =	vsub.f32 v18, v36;
	v39 =	vmul.f32 v35, v44;
	v22 =	vsub.s32 $0x5F3759DF, v62;
	s26 =	spop (v2sf);
	s18 =	smul.f32 s25, s25  }
0xa3: {  	v45 =	vmul.f32 v22, v63;
	s3 =	smul.f32 $7.812500000e-03, s26  }
0xa4: {  	v18 =	vmul.f32 v39, v18  }
0xa5: {  	v47 =	vmul.f32 v22, v45;
	s3 =	ssub.f32 s3, s18  }
0xa6: {  	v18 =	vadd.f32 v18, v43  }
0xa7: {  	v49 =	vsub.f32 $1.500000000e+00, v47;
	s3 =	sadd.f32 $9.999999740e-06, s3  }
0xa8: {  	[tilespmem:s17+$0xE000] =	vst v18  }
0xa9: {  	v18 =	vld [tilespmem:$0x1C010];
	v22 =	vmul.f32 v22, v49;
	v50 =	vmov s3  }
0xaa: {  	v52 =	vshra.s32 v50, $0x1;
	v25 =	vmul.f32 $5.000000000e-01, v50  }
0xab: {  	v24 =	vmul.f32 v22, v63;
	v53 =	vsub.s32 $0x5F3759DF, v52  }
0xac: {  	v54 =	vmul.f32 v53, v25  }
0xad: {  	v32 =	vmov s14;
	v51 =	vld [tilespmem:$0x1C210];
	v24 =	vmul.f32 v24, v22;
	s14 =	spop (v2sf)  }
0xae: {  	v15 =	vsub.f32 v15, v36;
	v18 =	vmul.f32 v18, v35;
	s30 =	spop (v2sf);
	v55 =	vmul.f32 v53, v54  }
0xaf: {  	[smem:$0x7F7] =	sst s12;
	v24 =	vsub.f32 $1.500000000e+00, v24;
	s31 =	spop (v2sf)  }
0xb0: {  	v15 =	vmul.f32 v18, v15;
	v18 =	vsub.f32 $1.500000000e+00, v55;
	s3 =	smul.f32 $7.812500000e-03, s31;
	s12 =	spop (v2sf)  }
0xb1: {  	v33 =	vmul.f32 v24, v22;
	s18 =	smul.f32 $7.812500000e-03, s12  }
0xb2: {  	[smem:$0x7FB] =	sst s19;
	v15 =	vadd.f32 v15, v51;
	v18 =	vmul.f32 v53, v18;
	s19 =	smul.f32 s3, s3  }
0xb3: {  	v20 =	vsub.f32 v20, v32;
	v22 =	vmul.f32 v33, v44  }
0xb4: {  	[tilespmem:s17+$0xE010] =	vst v15;
	v58 =	vmul.f32 v18, v25;
	s18 =	ssub.f32 s18, s19  }
0xb5: {  	v57 =	vld [tilespmem:$0x1C020];
	v56 =	vmul.f32 v22, v20  }
0xb6: {  	v22 =	vmul.f32 v58, v18;
	s18 =	sadd.f32 $9.999999740e-06, s18  }
0xb7: {  	v15 =	vadd.f32 v56, v43  }
0xb8: {  	v22 =	vsub.f32 $1.500000000e+00, v22;
	v59 =	vmov s18  }
0xb9: {  	v12 =	vsub.f32 v12, v36;
	v60 =	vld [tilespmem:$0x1C220];
	[tilespmem:s17+$0xE080] =	vst v15;
	v62 =	vshra.s32 v59, $0x1;
	v63 =	vmul.f32 $5.000000000e-01, v59  }
0xba: {  	v20 =	vmul.f32 v57, v35;
	v15 =	vld [tilespmem:$0x1C010];
	v37 =	vmul.f32 v22, v18;
	v18 =	vsub.s32 $0x5F3759DF, v62  }
0xbb: {  	v52 =	vmul.f32 v18, v63  }
0xbc: {  	v12 =	vmul.f32 v20, v12  }
0xbd: {  	v54 =	vmul.f32 v18, v52  }
0xbe: {  	v12 =	vadd.f32 v12, v60;
	v61 =	vld [tilespmem:$0x1C210]  }
0xbf: {  	v19 =	vsub.f32 v19, v32;
	v15 =	vmul.f32 v15, v33;
	v56 =	vsub.f32 $1.500000000e+00, v54  }
0xc0: {  	[tilespmem:s17+$0xE020] =	vst v12;
	s12 =	sadd.s32 $0x180, s1  }
0xc1: {  	v57 =	vld [tilespmem:$0x1C030];
	s16 =	sor.u32 $0x800, s12;
	v15 =	vmul.f32 v15, v19;
	v59 =	vmul.f32 v18, v56  }
0xc2: {  	[smem:$0x7ED] =	sst s22;
	s22 =	sor.u32 $0x810, s12;
	v48 =	vld [tilespmem:s16+$0x0]  }
0xc3: {  	v34 =	vmov s25;
	s25 =	sor.u32 $0x820, s12;
	v49 =	vld [tilespmem:s22+$0x0];
	v15 =	vadd.f32 v15, v61;
	v61 =	vmul.f32 v59, v63  }
0xc4: {  	[smem:$0x7EF] =	sst s23;
	s23 =	sor.u32 $0x840, s12;
	v50 =	vld [tilespmem:s25+$0x0]  }
0xc5: {  	[smem:$0x7FC] =	sst s20;
	s20 =	sor.u32 $0x870, s12;
	v19 =	vld [tilespmem:s23+$0x0];
	[tilespmem:s17+$0xE090] =	vst v15;
	v15 =	vmul.f32 v61, v59  }
0xc6: {  	s26 =	sor.u32 $0xC30, s12;
	v25 =	vld [tilespmem:s20+$0x0]  }
0xc7: {  	[smem:$0x7FD] =	sst s21;
	v21 =	vsub.f32 v21, v34;
	s21 =	sor.u32 $0xC00, s12;
	v20 =	vld [tilespmem:s26+$0x0];
	v51 =	vmul.f32 v37, v44;
	v15 =	vsub.f32 $1.500000000e+00, v15  }
0xc8: {  	v22 =	vld [tilespmem:s21+$0x0]  }
0xc9: {  	s18 =	sor.u32 $0x860, s12;
	v58 =	vld [tilespmem:$0x1C020];
	v53 =	vmul.f32 v51, v21;
	v40 =	vmul.f32 v15, v59  }
0xca: {  	[smem:$0x7F1] =	sst s30;
	v39 =	vmov s3;
	s30 =	sor.u32 $0xC10, s12;
	v24 =	vld [tilespmem:s18+$0x0]  }
0xcb: {  	s24 =	sor.u32 $0x830, s12;
	v62 =	vsub.f32 v23, v39;
	v23 =	vld [tilespmem:s30+$0x0];
	v55 =	vadd.f32 v53, v43;
	v12 =	vmul.f32 v40, v44  }
0xcc: {  	s31 =	sor.u32 $0xC20, s12;
	v51 =	vld [tilespmem:s24+$0x0]  }
0xcd: {  	v21 =	vld [tilespmem:s31+$0x0];
	[tilespmem:s17+$0xE100] =	vst v55;
	v15 =	vmul.f32 v12, v62  }
0xce: {  	s19 =	sor.u32 $0x850, s12;
	v60 =	vld [tilespmem:$0x1C010]  }
0xcf: {  	s1 =	sor.u32 $0xC40, s12;
	v18 =	vld [tilespmem:s19+$0x0];
	v43 =	vadd.f32 v15, v43  }
0xd0: {  	s3 =	sor.u32 $0xC50, s12;
	v12 =	vld [tilespmem:s1+$0x0]  }
0xd1: {  	v14 =	vsub.f32 v14, v32;
	v58 =	vmul.f32 v58, v33;
	v15 =	vld [tilespmem:s3+$0x0];
	[tilespmem:s17+$0xE180] =	vst v43  }
0xd2: {  	v56 =	vmul.f32 v57, v35;
	v57 =	vld [tilespmem:$0x1C010]  }
0xd3: {  	v14 =	vmul.f32 v58, v14;
	v58 =	vld [tilespmem:s17+$0x590]  }
0xd4: {  	v63 =	vld [tilespmem:$0x1C230]  }
0xd5: {  	v7 =	vsub.f32 v7, v36;
	v59 =	vld [tilespmem:$0x1C210]  }
0xd6: {  	v29 =	vsub.f32 v29, v34;
	v47 =	vmul.f32 v60, v37;
	v60 =	vld [tilespmem:$0x1C210]  }
0xd7: {  	v42 =	vsub.f32 v42, v39;
	v7 =	vmul.f32 v56, v7;
	v61 =	vmul.f32 v57, v40  }
0xd8: {  	v52 =	vld [tilespmem:$0x1C220];
	v29 =	vmul.f32 v47, v29  }
0xd9: {  	v7 =	vadd.f32 v7, v63;
	v42 =	vmul.f32 v61, v42  }
0xda: {  	v53 =	vld [tilespmem:s17+$0x5B0];
	v29 =	vadd.f32 v29, v59  }
0xdb: {  	v47 =	vmul.f32 v58, v58;
	v58 =	vld [tilespmem:s17+$0x5F0];
	[tilespmem:s17+$0xE030] =	vst v7;
	v54 =	vadd.f32 v42, v60  }
0xdc: {  	v63 =	vld [tilespmem:$0x1C040];
	[tilespmem:s17+$0xE110] =	vst v29  }
0xdd: {  	v62 =	vadd.f32 v14, v52;
	v55 =	vld [tilespmem:$0x1C020];
	[tilespmem:s17+$0xE190] =	vst v54  }
0xde: {  	v29 =	vld [tilespmem:$0x1C020]  }
0xdf: {  	v44 =	vld [tilespmem:$0x1C240];
	[tilespmem:s17+$0xE0A0] =	vst v62  }
0xe0: {  	v7 =	vld [tilespmem:$0x1C030]  }
0xe1: {  	v56 =	vld [tilespmem:$0x1C220]  }
0xe2: {  	v28 =	vsub.f32 v28, v34;
	v42 =	vmul.f32 v55, v37;
	v59 =	vld [tilespmem:$0x1C220]  }
0xe3: {  	v41 =	vsub.f32 v41, v39;
	v62 =	vld [tilespmem:s17+$0x5D0];
	v29 =	vmul.f32 v29, v40  }
0xe4: {  	v57 =	vld [tilespmem:s17+$0x580];
	v28 =	vmul.f32 v42, v28  }
0xe5: {  	v60 =	vld [tilespmem:s17+$0x5A0];
	v29 =	vmul.f32 v29, v41  }
0xe6: {  	v5 =	vsub.f32 v5, v36;
	v14 =	vmul.f32 v63, v35;
	v43 =	vld [tilespmem:$0x1C230];
	v28 =	vadd.f32 v28, v56  }
0xe7: {  	v11 =	vsub.f32 v11, v32;
	v7 =	vmul.f32 v7, v33;
	v61 =	vld [tilespmem:s17+$0x5C0];
	v63 =	vadd.f32 v29, v59  }
0xe8: {  	v5 =	vmul.f32 v14, v5;
	v14 =	vld [tilespmem:s17+$0x5E0];
	[tilespmem:s17+$0xE120] =	vst v28  }
0xe9: {  	v3 =	vsub.f32 v3, v36;
	v7 =	vmul.f32 v7, v11;
	v56 =	vld [tilespmem:$0x1C030];
	[tilespmem:s17+$0xE1A0] =	vst v63  }
0xea: {  	v5 =	vadd.f32 v5, v44;
	v46 =	vmul.f32 v57, v57;
	v42 =	vmul.f32 v60, v60;
	v60 =	vld [tilespmem:$0x1C030]  }
0xeb: {  	v26 =	vsub.f32 v26, v34;
	v38 =	vsub.f32 v38, v39;
	v57 =	vmul.f32 v53, v53  }
0xec: {  	[tilespmem:s17+$0xE040] =	vst v5;
	v7 =	vadd.f32 v7, v43;
	v42 =	vadd.f32 v42, v46;
	v46 =	vld [tilespmem:$0x1C230];
	v59 =	vmul.f32 v61, v61  }
0xed: {  	v14 =	vmul.f32 v14, v14;
	v41 =	vmul.f32 v62, v62;
	v61 =	vadd.f32 v57, v47;
	v63 =	vld [tilespmem:$0x1C050]  }
0xee: {  	[tilespmem:s17+$0xE0B0] =	vst v7;
	v28 =	vmul.f32 v58, v58;
	v29 =	vmul.f32 v56, v37;
	v62 =	vadd.f32 v59, v42;
	v52 =	vld [tilespmem:$0x1C230]  }
0xef: {  	v53 =	vld [tilespmem:$0x1C040];
	v47 =	vmul.f32 v48, v48;
	v11 =	vadd.f32 v41, v61;
	v48 =	vmul.f32 v60, v40  }
0xf0: {  	v58 =	vmul.f32 v51, v51;
	v26 =	vmul.f32 v29, v26;
	v5 =	vadd.f32 v14, v62  }
0xf1: {  	v55 =	vld [tilespmem:$0x1C250];
	v56 =	vmul.f32 v49, v49;
	v11 =	vadd.f32 v28, v11;
	v54 =	vmul.f32 v48, v38  }
0xf2: {  	v14 =	vadd.f32 v26, v46;
	v5 =	vadd.f32 v47, v5;
	v41 =	vmul.f32 v63, v35  }
0xf3: {  	v57 =	vmul.f32 v50, v50;
	v59 =	vld [tilespmem:$0x1C240];
	v11 =	vadd.f32 v56, v11;
	v7 =	vadd.f32 v54, v52  }
0xf4: {  	v9 =	vsub.f32 v9, v32;
	[tilespmem:s17+$0xE130] =	vst v14;
	v60 =	vmul.f32 v53, v33;
	v3 =	vmul.f32 v41, v3  }
0xf5: {  	v61 =	vld [tilespmem:$0x1C040];
	v5 =	vadd.f32 v57, v5;
	v11 =	vadd.f32 v58, v11;
	[tilespmem:s17+$0xE1B0] =	vst v7  }
0xf6: {  	v9 =	vmul.f32 v60, v9;
	v3 =	vadd.f32 v3, v55;
	v62 =	vld [tilespmem:$0x1C040]  }
0xf7: {  	v5 =	vadd.f32 v11, v5  }
0xf8: {  	v63 =	vld [tilespmem:$0x1C240];
	v9 =	vadd.f32 v9, v59;
	[tilespmem:s17+$0xE050] =	vst v3  }
0xf9: {  	(xrf2) =	vadd.scan.msk.f32 $0xffff, v5;
	v3 =	vld [tilespmem:$0x1C060]  }
0xfa: {  	v28 =	vsub.f32 v16, v34;
	[tilespmem:s17+$0xE0C0] =	vst v9;
	v7 =	vmul.f32 v61, v37;
	v29 =	vld [tilespmem:$0x1C240]  }
0xfb: {  	v41 =	vsub.f32 v31, v39;
	v38 =	vld [tilespmem:$0x1C050];
	v11 =	vmul.f32 v62, v40  }
0xfc: {  	s13 =	smul.f32 $5.208333490e-03, s13;
	v7 =	vmul.f32 v7, v28  }
0xfd: {  	v42 =	vld [tilespmem:$0x1C260];
	v11 =	vmul.f32 v11, v41  }
0xfe: {  	v1 =	vsub.f32 v1, v36;
	s12 =	sadd.f32 $9.999999740e-06, s13;
	v5 =	vadd.f32 v7, v63;
	v3 =	vmul.f32 v3, v35  }
0xff: {  	v6 =	vsub.f32 v6, v32;
	v46 =	vld [tilespmem:$0x1C250];
	v45 =	vadd.f32 v11, v29  }
0x100: {  	v43 =	vmov s12;
	v16 =	vmul.f32 v38, v33;
	[tilespmem:s17+$0xE140] =	vst v5;
	v1 =	vmul.f32 v3, v1  }
0x101: {  	v44 =	vshra.s32 v43, $0x1;
	v47 =	vmul.f32 $5.000000000e-01, v43;
	v5 =	vld [tilespmem:$0x1C050];
	[tilespmem:s17+$0xE1C0] =	vst v45  }
0x102: {  	v3 =	vsub.s32 $0x5F3759DF, v44;
	v6 =	vmul.f32 v16, v6;
	v1 =	vadd.f32 v1, v42;
	v50 =	vld [tilespmem:$0x1C050]  }
0x103: {  	v48 =	vmul.f32 v3, v47;
	v49, _, _ =	vpop (xrf2)  }
0x104: {  	v53 =	vld [tilespmem:$0x1C250];
	(v2sf) =	vpush v49, $0xF;
	v6 =	vadd.f32 v6, v46;
	[tilespmem:s17+$0xE060] =	vst v1  }
0x105: {  	v51 =	vmul.f32 v3, v48;
	v52 =	vld [tilespmem:$0x1C070]  }
0x106: {  	v54 =	vsub.f32 v13, v34;
	[tilespmem:s17+$0xE0D0] =	vst v6;
	v5 =	vmul.f32 v5, v37;
	v55 =	vld [tilespmem:$0x1C250]  }
0x107: {  	v57 =	vsub.f32 v30, v39;
	v1 =	vsub.f32 $1.500000000e+00, v51;
	v56 =	vld [tilespmem:$0x1C060];
	v16 =	vmul.f32 v50, v40  }
0x108: {  	v58 =	vmul.f32 v5, v54  }
0x109: {  	v59 =	vld [tilespmem:$0x1C270];
	v1 =	vmul.f32 v3, v1;
	v61 =	vmul.f32 v16, v57  }
0x10a: {  	v0 =	vsub.f32 v0, v36;
	v3 =	vadd.f32 v58, v53;
	v60 =	vmul.f32 v52, v35  }
0x10b: {  	v63 =	vld [tilespmem:$0x1C260];
	v62 =	vmul.f32 v1, v47;
	v7 =	vadd.f32 v61, v55  }
0x10c: {  	v4 =	vsub.f32 v4, v32;
	s13 =	smul.f32 $5.208333490e-03, s15;
	v13 =	vmul.f32 v56, v33;
	[tilespmem:s17+$0xE150] =	vst v3;
	v0 =	vmul.f32 v60, v0  }
0x10d: {  	v16 =	vld [tilespmem:$0x1C060];
	[tilespmem:s17+$0xE1D0] =	vst v7  }
0x10e: {  	s12 =	sadd.f32 $9.999999740e-06, s13;
	v14 =	vmul.f32 v62, v1;
	v4 =	vmul.f32 v13, v4;
	v0 =	vadd.f32 v0, v59;
	v7 =	vld [tilespmem:$0x1C060];
	_ =	sdelay $0x1  }
0x10f: {  	v28 =	vmov s12;
	v31 =	vld [tilespmem:$0x1C260];
	v3 =	vsub.f32 $1.500000000e+00, v14;
	v4 =	vadd.f32 v4, v63;
	[tilespmem:s17+$0xE070] =	vst v0  }
0x110: {  	s15 =	smul.f32 $5.208333490e-03, s14;
	v30 =	vshra.s32 v28, $0x1;
	v38 =	vsub.f32 v10, v34;
	v35 =	vmul.f32 $5.000000000e-01, v28;
	v29 =	vld [tilespmem:$0x1C080]  }
0x111: {  	v0 =	vmul.f32 v3, v1;
	v1 =	vsub.s32 $0x5F3759DF, v30;
	[tilespmem:s17+$0xE0E0] =	vst v4;
	v36 =	vmul.f32 v16, v37;
	v41 =	vld [tilespmem:$0x1C260]  }
0x112: {  	v43 =	vsub.f32 v27, v39;
	s12 =	sadd.f32 $9.999999740e-06, s15;
	s14 =	spop (v2sf);
	v44 =	vmul.f32 v1, v35;
	v42 =	vld [tilespmem:$0x1C070];
	v7 =	vmul.f32 v7, v40  }
0x113: {  	s13 =	smul.f32 $5.208333490e-03, s14;
	v4 =	vmul.f32 v36, v38  }
0x114: {  	v45 =	vmov s12;
	v5 =	vmul.f32 v1, v44;
	v7 =	vmul.f32 v7, v43  }
0x115: {  	v2 =	vsub.f32 v2, v32;
	v26 =	vld [tilespmem:s17+$0x400];
	v49 =	vshra.s32 v45, $0x1;
	s13 =	sadd.f32 $9.999999740e-06, s13;
	v3 =	vadd.f32 v4, v31  }
0x116: {  	v5 =	vsub.f32 $1.500000000e+00, v5;
	v13 =	vmul.f32 v29, v0;
	v7 =	vadd.f32 v7, v41  }
0x117: {  	v48 =	vld [tilespmem:$0x1C270];
	v46 =	vmov s13;
	v4 =	vmul.f32 $5.000000000e-01, v45;
	v47 =	vmul.f32 v42, v33;
	[tilespmem:s17+$0xE160] =	vst v3  }
0x118: {  	v51 =	vshra.s32 v46, $0x1;
	v14 =	vmul.f32 $5.000000000e-01, v46;
	v3 =	vsub.s32 $0x5F3759DF, v49;
	v50 =	vld [tilespmem:$0x1C070];
	[tilespmem:s17+$0xE1E0] =	vst v7  }
0x119: {  	v1 =	vmul.f32 v1, v5;
	v53 =	vmul.f32 v3, v4;
	v7 =	vsub.s32 $0x5F3759DF, v51;
	v52 =	vld [tilespmem:$0x1C070]  }
0x11a: {  	v9 =	vmul.f32 v13, v26;
	v54 =	vmul.f32 v7, v14  }
0x11b: {  	v8 =	vsub.f32 v8, v34;
	v2 =	vmul.f32 v47, v2;
	v5 =	vmul.f32 v3, v53  }
0x11c: {  	v59 =	vsub.f32 v17, v39;
	v6 =	vmul.f32 v1, v35;
	v56 =	vld [tilespmem:$0x1C270];
	v10 =	vmul.f32 v7, v54  }
0x11d: {  	v2 =	vadd.f32 v2, v48;
	v5 =	vsub.f32 $1.500000000e+00, v5;
	v55 =	vmul.f32 v50, v37;
	v58 =	vld [tilespmem:$0x1C270]  }
0x11e: {  	v6 =	vmul.f32 v6, v1;
	v10 =	vsub.f32 $1.500000000e+00, v10;
	v57 =	vmul.f32 v52, v40  }
0x11f: {  	[tilespmem:s17+$0xE0F0] =	vst v2;
	v3 =	vmul.f32 v3, v5;
	v61 =	vmul.f32 v55, v8  }
0x120: {  	[tilespmem:s17+$0xE400] =	vst v9;
	v62 =	vld [tilespmem:$0x1C080];
	v7 =	vmul.f32 v7, v10;
	v2 =	vmul.f32 v57, v59  }
0x121: {  	v60 =	vld [tilespmem:$0x1C090];
	v6 =	vsub.f32 $1.500000000e+00, v6;
	v4 =	vmul.f32 v3, v4;
	v5 =	vadd.f32 v61, v56  }
0x122: {  	v26 =	vld [tilespmem:s17+$0x480];
	v27 =	vmul.f32 v7, v14;
	v2 =	vadd.f32 v2, v58  }
0x123: {  	v63 =	vld [tilespmem:s17+$0x410];
	v1 =	vmul.f32 v6, v1;
	v4 =	vmul.f32 v4, v3;
	[tilespmem:s17+$0xE170] =	vst v5  }
0x124: {  	v29 =	vld [tilespmem:$0x1C080];
	v30 =	vmul.f32 v27, v7;
	[tilespmem:s17+$0xE1F0] =	vst v2  }
0x125: {  	v8 =	vmul.f32 v62, v1;
	v4 =	vsub.f32 $1.500000000e+00, v4;
	v31 =	vld [tilespmem:$0x1C080]  }
0x126: {  	v32 =	vld [tilespmem:s17+$0x500];
	v28 =	vmul.f32 v60, v0;
	v33 =	vsub.f32 $1.500000000e+00, v30  }
0x127: {  	v34 =	vld [tilespmem:s17+$0x580];
	v8 =	vmul.f32 v8, v26;
	v2 =	vmul.f32 v4, v3  }
0x128: {  	v5 =	vmul.f32 v28, v63;
	v3 =	vmul.f32 v33, v7  }
0x129: {  	[tilespmem:s17+$0xE480] =	vst v8;
	v36 =	vmul.f32 v29, v2  }
0x12a: {  	[tilespmem:s17+$0xE410] =	vst v5;
	v35 =	vld [tilespmem:$0x1C090];
	v6 =	vmul.f32 v31, v3  }
0x12b: {  	v5 =	vld [tilespmem:$0x1C0A0];
	v8 =	vmul.f32 v36, v32  }
0x12c: {  	v38 =	vld [tilespmem:s17+$0x490];
	v4 =	vmul.f32 v6, v34  }
0x12d: {  	v37 =	vld [tilespmem:s17+$0x420];
	[tilespmem:s17+$0xE500] =	vst v8  }
0x12e: {  	v40 =	vld [tilespmem:$0x1C090];
	[tilespmem:s17+$0xE580] =	vst v4  }
0x12f: {  	v39 =	vmul.f32 v35, v1;
	v42 =	vld [tilespmem:$0x1C090]  }
0x130: {  	v43 =	vld [tilespmem:s17+$0x510];
	v5 =	vmul.f32 v5, v0  }
0x131: {  	v44 =	vld [tilespmem:s17+$0x590];
	v6 =	vmul.f32 v39, v38  }
0x132: {  	v41 =	vmul.f32 v5, v37  }
0x133: {  	[tilespmem:s17+$0xE490] =	vst v6;
	v7 =	vmul.f32 v40, v2  }
0x134: {  	[tilespmem:s17+$0xE420] =	vst v41;
	v6 =	vld [tilespmem:$0x1C0A0];
	v5 =	vmul.f32 v42, v3  }
0x135: {  	v45 =	vld [tilespmem:$0x1C0B0];
	v7 =	vmul.f32 v7, v43  }
0x136: {  	v47 =	vld [tilespmem:s17+$0x4A0];
	v4 =	vmul.f32 v5, v44  }
0x137: {  	v46 =	vld [tilespmem:s17+$0x430];
	[tilespmem:s17+$0xE510] =	vst v7  }
0x138: {  	v7 =	vld [tilespmem:$0x1C0A0];
	[tilespmem:s17+$0xE590] =	vst v4  }
0x139: {  	v6 =	vmul.f32 v6, v1;
	v50 =	vld [tilespmem:$0x1C0A0]  }
0x13a: {  	v51 =	vld [tilespmem:s17+$0x520];
	v48 =	vmul.f32 v45, v0  }
0x13b: {  	v52 =	vld [tilespmem:s17+$0x5A0];
	v6 =	vmul.f32 v6, v47  }
0x13c: {  	v49 =	vmul.f32 v48, v46  }
0x13d: {  	[tilespmem:s17+$0xE4A0] =	vst v6;
	v7 =	vmul.f32 v7, v2  }
0x13e: {  	[tilespmem:s17+$0xE430] =	vst v49;
	v6 =	vld [tilespmem:$0x1C0B0];
	v5 =	vmul.f32 v50, v3  }
0x13f: {  	v53 =	vld [tilespmem:$0x1C0C0];
	v7 =	vmul.f32 v7, v51  }
0x140: {  	v55 =	vld [tilespmem:s17+$0x4B0];
	v4 =	vmul.f32 v5, v52  }
0x141: {  	v54 =	vld [tilespmem:s17+$0x440];
	[tilespmem:s17+$0xE520] =	vst v7  }
0x142: {  	v7 =	vld [tilespmem:$0x1C0B0];
	[tilespmem:s17+$0xE5A0] =	vst v4  }
0x143: {  	v6 =	vmul.f32 v6, v1;
	v58 =	vld [tilespmem:$0x1C0B0]  }
0x144: {  	v59 =	vld [tilespmem:s17+$0x530];
	v56 =	vmul.f32 v53, v0  }
0x145: {  	v60 =	vld [tilespmem:s17+$0x5B0];
	v6 =	vmul.f32 v6, v55  }
0x146: {  	v57 =	vmul.f32 v56, v54  }
0x147: {  	[tilespmem:s17+$0xE4B0] =	vst v6;
	v7 =	vmul.f32 v7, v2  }
0x148: {  	[tilespmem:s17+$0xE440] =	vst v57;
	v6 =	vld [tilespmem:$0x1C0C0];
	v5 =	vmul.f32 v58, v3  }
0x149: {  	v61 =	vld [tilespmem:$0x1C0D0];
	v7 =	vmul.f32 v7, v59  }
0x14a: {  	v63 =	vld [tilespmem:s17+$0x4C0];
	v4 =	vmul.f32 v5, v60  }
0x14b: {  	v62 =	vld [tilespmem:s17+$0x450];
	[tilespmem:s17+$0xE530] =	vst v7  }
0x14c: {  	v7 =	vld [tilespmem:$0x1C0C0];
	[tilespmem:s17+$0xE5B0] =	vst v4  }
0x14d: {  	v6 =	vmul.f32 v6, v1;
	v16 =	vld [tilespmem:$0x1C0C0]  }
0x14e: {  	v17 =	vld [tilespmem:s17+$0x540];
	v13 =	vmul.f32 v61, v0  }
0x14f: {  	v26 =	vld [tilespmem:s17+$0x5C0];
	v6 =	vmul.f32 v6, v63  }
0x150: {  	v14 =	vmul.f32 v13, v62  }
0x151: {  	[tilespmem:s17+$0xE4C0] =	vst v6;
	v7 =	vmul.f32 v7, v2  }
0x152: {  	[tilespmem:s17+$0xE450] =	vst v14;
	v6 =	vld [tilespmem:$0x1C0D0];
	v5 =	vmul.f32 v16, v3  }
0x153: {  	v27 =	vld [tilespmem:$0x1C0E0];
	v7 =	vmul.f32 v7, v17  }
0x154: {  	v29 =	vld [tilespmem:s17+$0x4D0];
	v4 =	vmul.f32 v5, v26  }
0x155: {  	v28 =	vld [tilespmem:s17+$0x460];
	[tilespmem:s17+$0xE540] =	vst v7  }
0x156: {  	v7 =	vld [tilespmem:$0x1C0D0];
	[tilespmem:s17+$0xE5C0] =	vst v4  }
0x157: {  	v6 =	vmul.f32 v6, v1;
	v32 =	vld [tilespmem:$0x1C0D0]  }
0x158: {  	v33 =	vld [tilespmem:s17+$0x550];
	v30 =	vmul.f32 v27, v0  }
0x159: {  	v34 =	vld [tilespmem:s17+$0x5D0];
	v6 =	vmul.f32 v6, v29  }
0x15a: {  	v31 =	vmul.f32 v30, v28  }
0x15b: {  	[tilespmem:s17+$0xE4D0] =	vst v6;
	v7 =	vmul.f32 v7, v2  }
0x15c: {  	[tilespmem:s17+$0xE460] =	vst v31;
	v6 =	vld [tilespmem:$0x1C0E0];
	v5 =	vmul.f32 v32, v3  }
0x15d: {  	v35 =	vld [tilespmem:$0x1C0F0];
	v7 =	vmul.f32 v7, v33  }
0x15e: {  	v37 =	vld [tilespmem:s17+$0x4E0];
	v4 =	vmul.f32 v5, v34  }
0x15f: {  	v36 =	vld [tilespmem:s17+$0x470];
	[tilespmem:s17+$0xE550] =	vst v7  }
0x160: {  	v41 =	vmul.f32 v24, v24;
	v39 =	vld [tilespmem:$0x1C0E0];
	[tilespmem:s17+$0xE5D0] =	vst v4  }
0x161: {  	v45 =	vmul.f32 v25, v25;
	v6 =	vmul.f32 v6, v1;
	v42 =	vld [tilespmem:$0x1C0E0]  }
0x162: {  	v43 =	vld [tilespmem:s17+$0x560];
	v44 =	vmul.f32 v18, v18;
	v38 =	vmul.f32 v35, v0  }
0x163: {  	v40 =	vmul.f32 v19, v19;
	v47 =	vld [tilespmem:s17+$0x5E0];
	v5 =	vmul.f32 v6, v37  }
0x164: {  	v49 =	vmul.f32 v23, v23;
	v48 =	vadd.f32 v45, v44;
	v7 =	vmul.f32 v38, v36  }
0x165: {  	v46 =	vmul.f32 v22, v22;
	v4 =	vadd.f32 v41, v40;
	[tilespmem:s17+$0xE4E0] =	vst v5;
	v50 =	vmul.f32 v39, v2  }
0x166: {  	s15 =	sld [smem:$0x7EB];
	v53 =	vadd.f32 v49, v48;
	v51 =	vmul.f32 v21, v21;
	[tilespmem:s17+$0xE470] =	vst v7;
	v55 =	vld [tilespmem:$0x1C0F0];
	v11 =	vmul.f32 v42, v3  }
0x167: {  	v54 =	vmul.f32 v20, v20;
	v52 =	vld [tilespmem:$0x1C100];
	v4 =	vadd.f32 v46, v4;
	v7 =	vmul.f32 v50, v43  }
0x168: {  	v56 =	vmul.f32 v12, v12;
	v59 =	vld [tilespmem:s17+$0x4F0];
	v10 =	vmul.f32 v11, v47  }
0x169: {  	v58 =	vmul.f32 v15, v15;
	v57 =	vld [tilespmem:s15+$0x0];
	v5 =	vadd.f32 v54, v53;
	v4 =	vadd.f32 v51, v4;
	[tilespmem:s17+$0xE560] =	vst v7  }
0x16a: {  	v7 =	vld [tilespmem:$0x1C0F0];
	[tilespmem:s17+$0xE5E0] =	vst v10  }
0x16b: {  	v5 =	vadd.f32 v58, v5;
	v4 =	vadd.f32 v56, v4;
	v62 =	vmul.f32 v55, v1;
	v61 =	vld [tilespmem:$0x1C0F0]  }
0x16c: {  	v63 =	vld [tilespmem:s17+$0x570];
	v60 =	vmul.f32 v52, v0  }
0x16d: {  	v14 =	vld [tilespmem:s17+$0x5F0];
	v4 =	vadd.f32 v5, v4;
	v9 =	vmul.f32 v62, v59  }
0x16e: {  	v13 =	vmul.f32 v60, v57  }
0x16f: {  	(xrf2) =	vadd.scan.msk.f32 $0xffff, v4;
	[tilespmem:s17+$0xE4F0] =	vst v9;
	v15 =	vmul.f32 v7, v2  }
0x170: {  	s13 =	sld [smem:$0x7EC];
	[tilespmem:s15+$0xE000] =	vst v13;
	v17 =	vld [tilespmem:$0x1C100];
	v16 =	vmul.f32 v61, v3  }
0x171: {  	v5 =	vld [tilespmem:$0x1C110];
	v4 =	vmul.f32 v15, v63  }
0x172: {  	v19 =	vld [tilespmem:s8+$0x0];
	v6 =	vmul.f32 v16, v14  }
0x173: {  	v18 =	vld [tilespmem:s13+$0x0];
	[tilespmem:s17+$0xE570] =	vst v4  }
0x174: {  	v4 =	vld [tilespmem:$0x1C100];
	[tilespmem:s17+$0xE5F0] =	vst v6  }
0x175: {  	v8 =	vmul.f32 v17, v1;
	v6 =	vld [tilespmem:$0x1C100]  }
0x176: {  	v20 =	vld [tilespmem:s0+$0x0]  }
0x177: {  	v7 =	vmul.f32 v8, v19;
	v21 =	vld [tilespmem:s16+$0x0]  }
0x178: {  	s14 =	sld [smem:$0x7ED];
	v5 =	vmul.f32 v5, v0  }
0x179: {  	v22, _, _ =	vpop (xrf2);
	[tilespmem:s8+$0xE000] =	vst v7;
	v4 =	vmul.f32 v4, v2  }
0x17a: {  	v5 =	vmul.f32 v5, v18;
	(v2sf) =	vpush v22, $0xF;
	v7 =	vld [tilespmem:$0x1C110];
	v6 =	vmul.f32 v6, v3  }
0x17b: {  	s12 =	smul.f32 $6.250000090e-03, s14;
	v4 =	vmul.f32 v4, v20  }
0x17c: {  	[tilespmem:s13+$0xE000] =	vst v5;
	v25 =	vld [tilespmem:s10+$0x0];
	v6 =	vmul.f32 v6, v21  }
0x17d: {  	v23 =	vld [tilespmem:$0x1C120];
	s17 =	sadd.f32 $9.999999740e-06, s12;
	[tilespmem:s0+$0xE000] =	vst v4  }
0x17e: {  	s12 =	sld [smem:$0x7EF];
	v27 =	vld [tilespmem:$0x1C110];
	[tilespmem:s16+$0xE000] =	vst v6  }
0x17f: {  	s15 =	sld [smem:$0x7EE];
	v7 =	vmul.f32 v7, v1;
	v28 =	vld [tilespmem:$0x1C110]  }
0x180: {  	v30 =	vld [tilespmem:s2+$0x0]  }
0x181: {  	s14 =	sld [smem:$0x7F1];
	s0 =	smul.f32 $6.250000090e-03, s12;
	v4 =	vmul.f32 v7, v25;
	v31 =	vld [tilespmem:s22+$0x0]  }
0x182: {  	s13 =	sld [smem:$0x7F0];
	v5 =	vld [tilespmem:s15+$0x0];
	v24 =	vmov s17  }
0x183: {  	v26 =	vshra.s32 v24, $0x1;
	v9 =	vmul.f32 $5.000000000e-01, v24;
	s0 =	sadd.f32 $9.999999740e-06, s0;
	[tilespmem:s10+$0xE000] =	vst v4;
	v32 =	vmul.f32 v27, v2  }
0x184: {  	v8 =	vmul.f32 v23, v0;
	v6 =	vsub.s32 $0x5F3759DF, v26;
	v35 =	vld [tilespmem:$0x1C120];
	v33 =	vmul.f32 v28, v3  }
0x185: {  	v37 =	vmov s0;
	s0 =	smul.f32 $6.250000090e-03, s14;
	v29 =	vmul.f32 v6, v9;
	v7 =	vmul.f32 v32, v30  }
0x186: {  	v38 =	vld [tilespmem:s13+$0x0];
	v4 =	vmul.f32 v33, v31  }
0x187: {  	v5 =	vmul.f32 v8, v5;
	s0 =	sadd.f32 $9.999999740e-06, s0;
	v12 =	vmul.f32 v6, v29;
	[tilespmem:s2+$0xE000] =	vst v7  }
0x188: {  	v41 =	vld [tilespmem:$0x1C120];
	[tilespmem:s22+$0xE000] =	vst v4  }
0x189: {  	[tilespmem:s15+$0xE000] =	vst v5;
	v46 =	vmov s0;
	v34 =	vsub.f32 $1.500000000e+00, v12;
	s15 =	spop (v2sf);
	v8 =	vmul.f32 v35, v1;
	v42 =	vld [tilespmem:$0x1C120]  }
0x18a: {  	v51 =	vshra.s32 v46, $0x1;
	v16 =	vmul.f32 $5.000000000e-01, v46;
	s2 =	smul.f32 $6.250000090e-03, s15;
	v44 =	vld [tilespmem:s4+$0x0]  }
0x18b: {  	s16 =	sld [smem:$0x7F2];
	v11 =	vsub.s32 $0x5F3759DF, v51;
	v5 =	vmul.f32 v6, v34;
	v6 =	vmul.f32 v8, v38;
	v45 =	vld [tilespmem:s25+$0x0]  }
0x18c: {  	v39 =	vshra.s32 v37, $0x1;
	v40 =	vmul.f32 $5.000000000e-01, v37;
	v55 =	vmul.f32 v11, v16;
	s2 =	sadd.f32 $9.999999740e-06, s2  }
0x18d: {  	s17 =	sld [smem:$0x7F3];
	v36 =	vld [tilespmem:$0x1C130];
	v9 =	vmul.f32 v5, v9;
	v4 =	vsub.s32 $0x5F3759DF, v39;
	[tilespmem:s13+$0xE000] =	vst v6;
	v49 =	vmul.f32 v41, v2  }
0x18e: {  	v43 =	vmul.f32 v4, v40;
	v47 =	vmov s2;
	v52 =	vld [tilespmem:$0x1C130];
	v12 =	vmul.f32 v42, v3  }
0x18f: {  	v48 =	vld [tilespmem:s16+$0x0];
	v53 =	vshra.s32 v47, $0x1;
	v8 =	vmul.f32 $5.000000000e-01, v47;
	v10 =	vmul.f32 v49, v44  }
0x190: {  	v54 =	vld [tilespmem:s17+$0x0];
	v13 =	vmul.f32 v4, v43;
	v14 =	vsub.s32 $0x5F3759DF, v53;
	v12 =	vmul.f32 v12, v45  }
0x191: {  	v9 =	vmul.f32 v9, v5;
	v58 =	vmul.f32 v14, v8;
	[tilespmem:s4+$0xE000] =	vst v10  }
0x192: {  	v0 =	vmul.f32 v36, v0;
	v50 =	vsub.f32 $1.500000000e+00, v13;
	v10 =	vmul.f32 v11, v55;
	v57 =	vld [tilespmem:$0x1C130];
	[tilespmem:s25+$0xE000] =	vst v12  }
0x193: {  	v9 =	vsub.f32 $1.500000000e+00, v9;
	v1 =	vmul.f32 v52, v1;
	v61 =	vmul.f32 v14, v58;
	v59 =	vld [tilespmem:$0x1C130]  }
0x194: {  	v56 =	vmul.f32 v0, v48;
	v4 =	vmul.f32 v4, v50;
	v60 =	vld [tilespmem:s5+$0x0];
	v62 =	vsub.f32 $1.500000000e+00, v10  }
0x195: {  	v0 =	vmul.f32 v9, v5;
	v1 =	vmul.f32 v1, v54;
	v19 =	vsub.f32 $1.500000000e+00, v61;
	v63 =	vld [tilespmem:s24+$0x0]  }
0x196: {  	[tilespmem:s16+$0xE000] =	vst v56;
	v7 =	vmul.f32 v4, v40;
	v5 =	vmul.f32 v11, v62  }
0x197: {  	s22 =	rddreg [dreg:$0x1c];
	v20 =	vld [tilespmem:$0x1C140];
	v6 =	vmul.f32 v14, v19;
	v2 =	vmul.f32 v57, v2  }
0x198: {  	s25 =	sld [smem:$0x7F4];
	v7 =	vmul.f32 v7, v4;
	v3 =	vmul.f32 v59, v3  }
0x199: {  	v21 =	vld [tilespmem:s22+$0x0];
	[tilespmem:s17+$0xE000] =	vst v1;
	v22 =	vmul.f32 v5, v16;
	v2 =	vmul.f32 v2, v60  }
0x19a: {  	v23 =	vld [tilespmem:$0x1C140];
	v8 =	vmul.f32 v6, v8;
	v3 =	vmul.f32 v3, v63  }
0x19b: {  	v24 =	vsub.f32 $1.500000000e+00, v7;
	v25 =	vld [tilespmem:s25+$0x0];
	v26 =	vmul.f32 v22, v5;
	[tilespmem:s5+$0xE000] =	vst v2  }
0x19c: {  	v27 =	vmul.f32 v20, v0;
	v8 =	vmul.f32 v8, v6;
	v28 =	vld [tilespmem:$0x1C140];
	[tilespmem:s24+$0xE000] =	vst v3  }
0x19d: {  	v1 =	vmul.f32 v24, v4;
	v29 =	vsub.f32 $1.500000000e+00, v26;
	v30 =	vld [tilespmem:$0x1C140]  }
0x19e: {  	v31 =	vmul.f32 v27, v21;
	v33 =	vsub.f32 $1.500000000e+00, v8;
	v32 =	vld [tilespmem:s6+$0x0]  }
0x19f: {  	v34 =	vmul.f32 v23, v1;
	v2 =	vmul.f32 v29, v5;
	v35 =	vld [tilespmem:s23+$0x0]  }
0x1a0: {  	v3 =	vmul.f32 v33, v6  }
0x1a1: {  	s2 =	rddreg [dreg:$0x19];
	[tilespmem:s22+$0xE000] =	vst v31;
	v36 =	vmul.f32 v34, v25;
	v37 =	vmul.f32 v28, v2  }
0x1a2: {  	s4 =	sld [smem:$0x7F5];
	v38 =	vld [tilespmem:$0x1C150];
	v4 =	vmul.f32 v30, v3  }
0x1a3: {  	v39 =	vld [tilespmem:s2+$0x0];
	[tilespmem:s25+$0xE000] =	vst v36;
	v7 =	vmul.f32 v37, v32  }
0x1a4: {  	v40 =	vld [tilespmem:$0x1C150];
	v4 =	vmul.f32 v4, v35  }
0x1a5: {  	v41 =	vld [tilespmem:s4+$0x0];
	[tilespmem:s6+$0xE000] =	vst v7  }
0x1a6: {  	v42 =	vld [tilespmem:$0x1C150];
	[tilespmem:s23+$0xE000] =	vst v4  }
0x1a7: {  	v43 =	vmul.f32 v38, v0;
	v44 =	vld [tilespmem:$0x1C150]  }
0x1a8: {  	v45 =	vld [tilespmem:s7+$0x0]  }
0x1a9: {  	v6 =	vmul.f32 v43, v39;
	v46 =	vmul.f32 v40, v1;
	v47 =	vld [tilespmem:s19+$0x0];
	_ =	sdelay $0x1  }
0x1aa: {  	s5 =	rddreg [dreg:$0x17];
	[tilespmem:s2+$0xE000] =	vst v6;
	v5 =	vmul.f32 v46, v41;
	v4 =	vmul.f32 v42, v2  }
0x1ab: {  	v6 =	vld [tilespmem:$0x1C160];
	s6 =	sld [smem:$0x7F6];
	v48 =	vmul.f32 v44, v3  }
0x1ac: {  	v49 =	vld [tilespmem:s5+$0x0];
	[tilespmem:s4+$0xE000] =	vst v5;
	v4 =	vmul.f32 v4, v45  }
0x1ad: {  	v50 =	vld [tilespmem:$0x1C160];
	v7 =	vmul.f32 v48, v47  }
0x1ae: {  	v51 =	vld [tilespmem:s6+$0x0];
	[tilespmem:s7+$0xE000] =	vst v4  }
0x1af: {  	v52 =	vld [tilespmem:$0x1C160];
	[tilespmem:s19+$0xE000] =	vst v7  }
0x1b0: {  	v6 =	vmul.f32 v6, v0;
	v53 =	vld [tilespmem:$0x1C160]  }
0x1b1: {  	v54 =	vld [tilespmem:s9+$0x0]  }
0x1b2: {  	v5 =	vmul.f32 v6, v49;
	v55 =	vmul.f32 v50, v1;
	v56 =	vld [tilespmem:s18+$0x0];
	_ =	sdelay $0x1  }
0x1b3: {  	[tilespmem:s5+$0xE000] =	vst v5;
	v4 =	vmul.f32 v55, v51;
	v57 =	vmul.f32 v52, v2  }
0x1b4: {  	v58 =	vld [tilespmem:$0x1C170];
	s7 =	rddreg [dreg:$0x15];
	v59 =	vmul.f32 v53, v3  }
0x1b5: {  	v60 =	vld [tilespmem:s7+$0x0];
	[tilespmem:s6+$0xE000] =	vst v4;
	v5 =	vmul.f32 v57, v54  }
0x1b6: {  	s8 =	rddreg [dreg:$0x1f];
	v61 =	vld [tilespmem:$0x1C170];
	v7 =	vmul.f32 v59, v56  }
0x1b7: {  	v62 =	vld [tilespmem:s8+$0x0];
	[tilespmem:s9+$0xE000] =	vst v5;
	s9 =	sld [smem:$0x7F7]  }
0x1b8: {  	v63 =	vld [tilespmem:$0x1C170];
	[tilespmem:s18+$0xE000] =	vst v7  }
0x1b9: {  	v6 =	vmul.f32 v58, v0;
	v12 =	vld [tilespmem:$0x1C170]  }
0x1ba: {  	v13 =	vld [tilespmem:s9+$0x0]  }
0x1bb: {  	v4 =	vmul.f32 v6, v60;
	v14 =	vmul.f32 v61, v1;
	v15 =	vld [tilespmem:s20+$0x0];
	_ =	sdelay $0x1  }
0x1bc: {  	[tilespmem:s7+$0xE000] =	vst v4;
	v16 =	vmul.f32 v14, v62;
	v17 =	vmul.f32 v63, v2  }
0x1bd: {  	s10 =	rddreg [dreg:$0x14];
	v18 =	vld [tilespmem:$0x1C180];
	v19 =	vmul.f32 v12, v3  }
0x1be: {  	v20 =	vld [tilespmem:s10+$0x0];
	[tilespmem:s8+$0xE000] =	vst v16;
	v5 =	vmul.f32 v17, v13  }
0x1bf: {  	s12 =	rddreg [dreg:$0x1e];
	v21 =	vld [tilespmem:$0x1C180];
	v7 =	vmul.f32 v19, v15  }
0x1c0: {  	s13 =	sld [smem:$0x7F8];
	v22 =	vld [tilespmem:s12+$0x0];
	[tilespmem:s9+$0xE000] =	vst v5  }
0x1c1: {  	v23 =	vld [tilespmem:$0x1C180];
	[tilespmem:s20+$0xE000] =	vst v7  }
0x1c2: {  	v6 =	vmul.f32 v18, v0;
	v24 =	vld [tilespmem:$0x1C180]  }
0x1c3: {  	v25 =	vld [tilespmem:s13+$0x0]  }
0x1c4: {  	v4 =	vmul.f32 v6, v20;
	v26 =	vmul.f32 v21, v1;
	v27 =	vld [tilespmem:s21+$0x0];
	_ =	sdelay $0x1  }
0x1c5: {  	[tilespmem:s10+$0xE000] =	vst v4;
	v28 =	vmul.f32 v26, v22;
	v29 =	vmul.f32 v23, v2  }
0x1c6: {  	s14 =	rddreg [dreg:$0x13];
	v30 =	vld [tilespmem:$0x1C190];
	v31 =	vmul.f32 v24, v3  }
0x1c7: {  	v32 =	vld [tilespmem:s14+$0x0];
	[tilespmem:s12+$0xE000] =	vst v28;
	v5 =	vmul.f32 v29, v25  }
0x1c8: {  	s15 =	rddreg [dreg:$0x1d];
	v33 =	vld [tilespmem:$0x1C190];
	v7 =	vmul.f32 v31, v27  }
0x1c9: {  	s16 =	sld [smem:$0x7F9];
	v34 =	vld [tilespmem:s15+$0x0];
	[tilespmem:s13+$0xE000] =	vst v5  }
0x1ca: {  	v35 =	vld [tilespmem:$0x1C190];
	[tilespmem:s21+$0xE000] =	vst v7  }
0x1cb: {  	v6 =	vmul.f32 v30, v0;
	v36 =	vld [tilespmem:$0x1C190]  }
0x1cc: {  	v37 =	vld [tilespmem:s16+$0x0]  }
0x1cd: {  	v4 =	vmul.f32 v6, v32;
	v38 =	vmul.f32 v33, v1;
	v39 =	vld [tilespmem:s30+$0x0];
	_ =	sdelay $0x1  }
0x1ce: {  	[tilespmem:s14+$0xE000] =	vst v4;
	v40 =	vmul.f32 v38, v34;
	v41 =	vmul.f32 v35, v2  }
0x1cf: {  	s17 =	rddreg [dreg:$0x12];
	v42 =	vld [tilespmem:$0x1C1A0];
	v43 =	vmul.f32 v36, v3  }
0x1d0: {  	v44 =	vld [tilespmem:s17+$0x0];
	[tilespmem:s15+$0xE000] =	vst v40;
	v45 =	vmul.f32 v41, v37  }
0x1d1: {  	s18 =	rddreg [dreg:$0x1b];
	v46 =	vld [tilespmem:$0x1C1A0];
	v7 =	vmul.f32 v43, v39  }
0x1d2: {  	s19 =	sld [smem:$0x7FA];
	v47 =	vld [tilespmem:s18+$0x0];
	[tilespmem:s16+$0xE000] =	vst v45  }
0x1d3: {  	v4 =	vld [tilespmem:$0x1C1A0];
	[tilespmem:s30+$0xE000] =	vst v7  }
0x1d4: {  	v6 =	vmul.f32 v42, v0;
	v7 =	vld [tilespmem:$0x1C1A0]  }
0x1d5: {  	v48 =	vld [tilespmem:s19+$0x0]  }
0x1d6: {  	v6 =	vmul.f32 v6, v44;
	v5 =	vmul.f32 v46, v1;
	v49 =	vld [tilespmem:s31+$0x0];
	_ =	sdelay $0x1  }
0x1d7: {  	[tilespmem:s17+$0xE000] =	vst v6;
	v5 =	vmul.f32 v5, v47;
	v4 =	vmul.f32 v4, v2  }
0x1d8: {  	s20 =	rddreg [dreg:$0x11];
	v6 =	vld [tilespmem:$0x1C1B0];
	v7 =	vmul.f32 v7, v3  }
0x1d9: {  	v50 =	vld [tilespmem:s20+$0x0];
	[tilespmem:s18+$0xE000] =	vst v5;
	v4 =	vmul.f32 v4, v48  }
0x1da: {  	s21 =	rddreg [dreg:$0x1a];
	v5 =	vld [tilespmem:$0x1C1B0];
	v7 =	vmul.f32 v7, v49  }
0x1db: {  	s22 =	sld [smem:$0x7FB];
	v51 =	vld [tilespmem:s21+$0x0];
	[tilespmem:s19+$0xE000] =	vst v4  }
0x1dc: {  	v4 =	vld [tilespmem:$0x1C1B0];
	[tilespmem:s31+$0xE000] =	vst v7  }
0x1dd: {  	v6 =	vmul.f32 v6, v0;
	v7 =	vld [tilespmem:$0x1C1B0]  }
0x1de: {  	v52 =	vld [tilespmem:s22+$0x0]  }
0x1df: {  	v6 =	vmul.f32 v6, v50;
	v5 =	vmul.f32 v5, v1;
	v53 =	vld [tilespmem:s26+$0x0];
	_ =	sdelay $0x1  }
0x1e0: {  	[tilespmem:s20+$0xE000] =	vst v6;
	v5 =	vmul.f32 v5, v51;
	v4 =	vmul.f32 v4, v2  }
0x1e1: {  	s23 =	rddreg [dreg:$0x10];
	v6 =	vld [tilespmem:$0x1C1C0];
	v7 =	vmul.f32 v7, v3  }
0x1e2: {  	v54 =	vld [tilespmem:s23+$0x0];
	[tilespmem:s21+$0xE000] =	vst v5;
	v4 =	vmul.f32 v4, v52  }
0x1e3: {  	s24 =	rddreg [dreg:$0x18];
	v5 =	vld [tilespmem:$0x1C1C0];
	v7 =	vmul.f32 v7, v53  }
0x1e4: {  	s25 =	sld [smem:$0x7FC];
	v55 =	vld [tilespmem:s24+$0x0];
	[tilespmem:s22+$0xE000] =	vst v4  }
0x1e5: {  	v4 =	vld [tilespmem:$0x1C1C0];
	[tilespmem:s26+$0xE000] =	vst v7  }
0x1e6: {  	v6 =	vmul.f32 v6, v0;
	v7 =	vld [tilespmem:$0x1C1C0]  }
0x1e7: {  	v56 =	vld [tilespmem:s25+$0x0]  }
0x1e8: {  	v6 =	vmul.f32 v6, v54;
	v5 =	vmul.f32 v5, v1;
	v57 =	vld [tilespmem:s1+$0x0];
	_ =	sdelay $0x1  }
0x1e9: {  	[tilespmem:s23+$0xE000] =	vst v6;
	v5 =	vmul.f32 v5, v55;
	v4 =	vmul.f32 v4, v2  }
0x1ea: {  	v58 =	vld [tilespmem:$0x1C1D0];
	s26 =	rddreg [dreg:$0xf];
	v7 =	vmul.f32 v7, v3  }
0x1eb: {  	s30 =	rddreg [dreg:$0x16];
	v6 =	vld [tilespmem:s26+$0x0];
	[tilespmem:s24+$0xE000] =	vst v5;
	v4 =	vmul.f32 v4, v56  }
0x1ec: {  	v5 =	vld [tilespmem:s30+$0x0];
	v7 =	vmul.f32 v7, v57  }
0x1ed: {  	s31 =	sld [smem:$0x7FD];
	v59 =	vld [tilespmem:$0x1C1D0];
	[tilespmem:s25+$0xE000] =	vst v4  }
0x1ee: {  	v4 =	vld [tilespmem:$0x1C1D0];
	[tilespmem:s1+$0xE000] =	vst v7  }
0x1ef: {  	v7 =	vld [tilespmem:$0x1C1D0]  }
0x1f0: {  	v60 =	vld [tilespmem:s31+$0x0]  }
0x1f1: {  	v0 =	vmul.f32 v58, v0;
	v61 =	vld [tilespmem:s3+$0x0]  }
0x1f2: {  	s11 =	sadd.s32 $0x4, s11;
	v1 =	vmul.f32 v59, v1  }
0x1f3: {  	p2 =	slt.u32 s11, $0x34;
	v0 =	vmul.f32 v0, v6;
	v2 =	vmul.f32 v4, v2  }
.Ltmp0:
0x1f4: {  	v1 =	vmul.f32 v1, v5;
	v3 =	vmul.f32 v7, v3;
	(pc) =	sbr.rel @p2 .LBB2_3-.Ltmp0, $4  }
0x1f5: {  	[tilespmem:s26+$0xE000] =	vst v0;
	v62 =	vmul.f32 v2, v60  }
0x1f6: {  	[tilespmem:s30+$0xE000] =	vst v1;
	v63 =	vmul.f32 v3, v61  }
0x1f7: {  	[tilespmem:s31+$0xE000] =	vst v62  }
0x1f8: {  	s29 =	sadd.s32 $0x200, s29;
	p1 =	por !p1, !p1;
	s28 =	sadd.s32 $0x800, s28;
	[tilespmem:s3+$0xE000] =	vst v63  }
0x1f9: {  	s20 =	rddreg [dreg:$0xb]  }
0x1fa: {  	p1 =	sne.s32 s20, $0xD  }
.Ltmp1:
0x1fb: {  	_ = 	snop;
	(pc) =	sbr.rel @p1 .LBB2_6-.Ltmp1, $4  }
0x1fc: {  	s0 =	rddreg [dreg:$0xe]  }
0x1fd: {  	s19 =	rddreg [dreg:$0x5];
	s0 =	sshll.u32 s0, $0x6  }
0x1fe: {  	s18 =	simm.s32 $0x0;
	s1 =	simm.s32 $0xE000;
	s0 =	sadd.s32 s19, s0  }
0x1ff: {  	[hbm4b:s0+s18] =	stream.linear.scatter [tilespmem:s1], [sflag:$0x3], $0x7000, $0x38;
	[tilespmem:$0x1C400] =	vst v63  }
.Ltmp2:
0x200: {  	(pc) =	sbr.rel .LBB2_7-.Ltmp2, $4  }
0x201: {  	s0 =	simm.s32 $0x2  }
0x202: {  	_ =	swait.ge [sflag:s0], $0x7000  }
0x203: {  	[sflag:s0] =	ssyncset.done $0x0  }
0x204: {  	[sflag:s0] =	ssyncadd.s32 $0xFFFF9000  }
.LBB2_6:
0x205: {  	s0 =	rddreg [dreg:$0xd]  }
0x206: {  	s1 =	rddreg [dreg:$0x6];
	s0 =	sadd.s32 $0x70, s0  }
0x207: {  	p1 =	slt.s32 s0, s1  }
0x208: {  	s29 =	rddreg [dreg:$0x7];
	s1 =	smov.u32 @p1 s0  }
0x209: {  	s0 =	sadd.s32 s29, s1  }
0x20a: {  	s30 =	rddreg [dreg:$0x3];
	s0 =	sshll.u32 s0, $0x6  }
.Ltmp3:
0x20b: {  	s31 =	simm.s32 $0x2;
	s0 =	sadd.s32 s30, s0;
	(pc) =	sbr.rel @p0 .LBB2_8-.Ltmp3, $4  }
0x20c: {  	[tilespmem:s18], [sflag:$0x1] =	stream.linear.gather [hbm4b:s0+s18], $0x7000, $0x38;
	[tilespmem:$0x1C400] =	vst v63  }
0x20d: {  	_ =	swait.ge [sflag:s31], $0x7000  }
0x20e: {  	[sflag:s31] =	ssyncset.done $0x0  }
0x20f: {  	[sflag:s31] =	ssyncadd.s32 $0xFFFF9000  }
.LBB2_7:
0x210: {  	s0 =	simm.s32 $0x4  }
0x211: {  	_ =	swait.ge [sflag:s0], $0x7000  }
0x212: {  	[sflag:s0] =	ssyncset.done $0x0  }
0x213: {  	[sflag:s0] =	ssyncadd.s32 $0xFFFF9000  }
.LBB2_8:
0x214: {  	s24 =	simm.s32 $0xFFFFFFFC  }
0x215: {  	s25 =	simm.s32 $0x1D80;
	s26 =	simm.s32 $0x0;
	s28 =	simm.s32 $0x0  }
.LBB2_9:
0x216: {  	s0 =	sadd.s32 $0xFFFFE280, s25  }
0x217: {  	s1 =	sand.u32 $0x7000, s28;
	s0 =	sand.u32 $0x200, s0  }
0x218: {  	s29 =	sor.u32 s0, s1  }
0x219: {  	v16 =	vld [tilespmem:s29+$0x7000]  }
0x21a: {  	v12 =	vld [tilespmem:s29+$0x7010]  }
0x21b: {  	v10 =	vld [tilespmem:s29+$0x7020]  }
0x21c: {  	v8 =	vld [tilespmem:s29+$0x7030]  }
0x21d: {  	v5 =	vld [tilespmem:s29+$0x7040]  }
0x21e: {  	v3 =	vld [tilespmem:s29+$0x7050]  }
0x21f: {  	v1 =	vld [tilespmem:s29+$0x7060]  }
0x220: {  	v0 =	vld [tilespmem:s29+$0x7070];
	_ =	sdelay $0x1  }
0x221: {  	v2 =	vadd.f32 v12, v16;
	v4 =	vmul.f32 v16, v16;
	v6 =	vmul.f32 v12, v12  }
0x222: {  	v7 =	vadd.f32 v8, v10;
	v9 =	vmul.f32 v10, v10;
	v11 =	vmul.f32 v8, v8  }
0x223: {  	v13 =	vadd.f32 v3, v5;
	v14 =	vmul.f32 v5, v5;
	v15 =	vmul.f32 v3, v3  }
0x224: {  	v17 =	vadd.f32 v0, v1;
	v18 =	vmul.f32 v1, v1;
	v19 =	vmul.f32 v0, v0  }
0x225: {  	v4 =	vadd.f32 v6, v4;
	v40 =	vadd.f32 v11, v9  }
0x226: {  	v41 =	vadd.f32 v15, v14;
	v42 =	vadd.f32 v19, v18  }
0x227: {  	v2 =	vadd.f32 v7, v2;
	v43 =	vadd.f32 v17, v13  }
0x228: {  	v4 =	vadd.f32 v40, v4;
	v44 =	vadd.f32 v42, v41  }
0x229: {  	v2 =	vadd.f32 v43, v2  }
0x22a: {  	v4 =	vadd.f32 v44, v4  }
0x22b: {  	(xrf2) =	vadd.scan.msk.f32 $0xffff, v2  }
0x22c: {  	(xrf2) =	vadd.scan.msk.f32 $0xffff, v4;
	_ =	sdelay $0x4  }
0x22d: {  	v45 =	vld [tilespmem:s29+$0x7400]  }
0x22e: {  	v47 =	vld [tilespmem:s29+$0x7420]  }
0x22f: {  	v48 =	vld [tilespmem:s29+$0x7430]  }
0x230: {  	v46 =	vld [tilespmem:s29+$0x7410]  }
0x231: {  	v49 =	vld [tilespmem:s29+$0x7440];
	v50, _, _ =	vpop (xrf2)  }
0x232: {  	v51 =	vld [tilespmem:s29+$0x7450];
	(v2sf) =	vpush v50, $0xF;
	v52, _, _ =	vpop (xrf2)  }
0x233: {  	v53 =	vld [tilespmem:s29+$0x7460];
	(v2sf) =	vpush v52, $0xF  }
0x234: {  	v54 =	vld [tilespmem:s29+$0x7470];
	v6 =	vmul.f32 v47, v47;
	v7 =	vmul.f32 v48, v48  }
0x235: {  	v55 =	vld [tilespmem:s29+$0x7800];
	v2 =	vmul.f32 v45, v45;
	v4 =	vmul.f32 v46, v46  }
0x236: {  	v57 =	vld [tilespmem:s29+$0x7810];
	v56 =	vmul.f32 v49, v49  }
0x237: {  	v59 =	vld [tilespmem:s29+$0x7820];
	v58 =	vmul.f32 v51, v51;
	v2 =	vadd.f32 v6, v2;
	v4 =	vadd.f32 v7, v4  }
0x238: {  	v61 =	vld [tilespmem:s29+$0x7830];
	v60 =	vmul.f32 v53, v53  }
0x239: {  	v62 =	vmul.f32 v54, v54;
	v2 =	vadd.f32 v56, v2;
	v4 =	vadd.f32 v58, v4  }
0x23a: {  	v63 =	vld [tilespmem:s29+$0x7840];
	v23 =	vmul.f32 v55, v55  }
0x23b: {  	v24 =	vld [tilespmem:s29+$0x7850];
	v25 =	vmul.f32 v57, v57;
	v2 =	vadd.f32 v60, v2;
	v4 =	vadd.f32 v62, v4  }
0x23c: {  	v26 =	vld [tilespmem:s29+$0x7860];
	v28 =	vmul.f32 v59, v59  }
0x23d: {  	v27 =	vld [tilespmem:s29+$0x7870];
	v29 =	vmul.f32 v61, v61;
	v2 =	vadd.f32 v23, v2;
	v4 =	vadd.f32 v25, v4  }
0x23e: {  	v30 =	vld [tilespmem:s29+$0x7C00]  }
0x23f: {  	v31 =	vld [tilespmem:s29+$0x7C10];
	v2 =	vadd.f32 v28, v2;
	v4 =	vadd.f32 v29, v4  }
0x240: {  	v32 =	vld [tilespmem:s29+$0x7C20]  }
0x241: {  	s16 =	sadd.s32 $0x7200, s28;
	s17 =	sadd.s32 $0xFFFFFF00, s25;
	v20 =	vld [tilespmem:s29+$0x7C30];
	v2 =	vadd.f32 v4, v2;
	s9 =	spop (v2sf)  }
0x242: {  	s0 =	sand.u32 $0xF000, s16;
	s1 =	sand.u32 $0x280, s17;
	v22 =	vld [tilespmem:s29+$0x7C40];
	s8 =	spop (v2sf)  }
0x243: {  	s30 =	sor.u32 s1, s0;
	v23 =	vld [tilespmem:s29+$0x7C50];
	(xrf2) =	vadd.scan.msk.f32 $0xffff, v2  }
0x244: {  	v21 =	vld [tilespmem:s30+$0x0]  }
0x245: {  	v18 =	vld [tilespmem:s30+$0x10]  }
0x246: {  	v17 =	vld [tilespmem:s30+$0x20]  }
0x247: {  	v13 =	vld [tilespmem:s30+$0x30]  }
0x248: {  	v9 =	vld [tilespmem:s30+$0x40]  }
0x249: {  	v6 =	vld [tilespmem:s30+$0x50]  }
0x24a: {  	v4 =	vld [tilespmem:s30+$0x60]  }
0x24b: {  	v39 =	vld [tilespmem:s30+$0x400]  }
0x24c: {  	v40 =	vld [tilespmem:s30+$0x410]  }
0x24d: {  	v43 =	vld [tilespmem:s30+$0x420]  }
0x24e: {  	v44 =	vld [tilespmem:s30+$0x430]  }
0x24f: {  	v45 =	vld [tilespmem:s30+$0x440]  }
0x250: {  	v25 =	vld [tilespmem:s30+$0x450]  }
0x251: {  	v33 =	vmul.f32 v63, v63;
	v34 =	vmul.f32 v26, v26;
	v29 =	vld [tilespmem:s30+$0x460]  }
0x252: {  	v37 =	vmul.f32 v31, v31;
	v31 =	vld [tilespmem:s30+$0x470]  }
0x253: {  	v2 =	vadd.f32 v34, v33;
	v33 =	vld [tilespmem:s30+$0x800]  }
0x254: {  	v35 =	vmul.f32 v24, v24;
	v36 =	vmul.f32 v27, v27;
	v51 =	vld [tilespmem:s30+$0x810]  }
0x255: {  	v52 =	vld [tilespmem:s30+$0x820]  }
0x256: {  	v11 =	vadd.f32 v36, v35;
	v53 =	vld [tilespmem:s30+$0x830]  }
0x257: {  	v14 =	vmul.f32 v30, v30;
	v55 =	vld [tilespmem:s30+$0x840]  }
0x258: {  	v38 =	vmul.f32 v20, v20;
	v11 =	vadd.f32 v37, v11;
	v41 =	vmul.f32 v22, v22;
	v57 =	vld [tilespmem:s30+$0x850]  }
0x259: {  	v7 =	vmul.f32 v32, v32;
	v42 =	vmul.f32 v23, v23;
	v59 =	vld [tilespmem:s30+$0x860];
	v14 =	vadd.f32 v14, v2  }
0x25a: {  	v11 =	vadd.f32 v38, v11;
	v61 =	vld [tilespmem:s30+$0x870];
	v28 =	vmul.f32 v21, v21;
	v47 =	vmul.f32 v18, v18  }
0x25b: {  	v63 =	vld [tilespmem:s30+$0xC00];
	v7 =	vadd.f32 v7, v14;
	v30 =	vmul.f32 v17, v17;
	v48 =	vmul.f32 v13, v13  }
0x25c: {  	v11 =	vadd.f32 v42, v11;
	v2 =	vld [tilespmem:s30+$0x70];
	v32 =	vmul.f32 v9, v9;
	v49 =	vmul.f32 v39, v39  }
0x25d: {  	v37 =	vld [tilespmem:s30+$0xC10];
	v7 =	vadd.f32 v41, v7;
	v50 =	vmul.f32 v43, v43;
	v14 =	vmul.f32 v40, v40  }
0x25e: {  	v42 =	vld [tilespmem:s30+$0xC40];
	v46 =	vadd.f32 v18, v21;
	v23 =	vmul.f32 v44, v44;
	v34 =	vmul.f32 v6, v6  }
0x25f: {  	s21 =	sadd.s32 $0x7400, s28;
	s22 =	sadd.s32 $0xFFFFFF80, s25;
	v24 =	vadd.f32 v13, v17;
	v15 =	vmul.f32 v45, v45;
	v35 =	vmul.f32 v4, v4;
	v39 =	vld [tilespmem:s30+$0xC20]  }
0x260: {  	s2 =	sadd.s32 $0x7600, s28;
	s0 =	sand.u32 $0xF000, s21;
	s1 =	sand.u32 $0x300, s22;
	v26 =	vadd.f32 v6, v9;
	v54 =	vmul.f32 v25, v25;
	v56 =	vmul.f32 v29, v29;
	v41 =	vld [tilespmem:s30+$0xC30]  }
0x261: {  	s10 =	sand.u32 $0x380, s25;
	s2 =	sand.u32 $0xF000, s2;
	s0 =	sor.u32 s1, s0;
	v58 =	vmul.f32 v31, v31;
	v60 =	vmul.f32 v33, v33;
	v44 =	vld [tilespmem:s30+$0xC50];
	v27 =	vadd.f32 v2, v4  }
0x262: {  	s2 =	sor.u32 s10, s2;
	v45 =	vmul.f32 v55, v55;
	v55 =	vld [tilespmem:s0+$0x410];
	v20 =	vadd.f32 v24, v46;
	v7 =	vadd.f32 v11, v7  }
0x263: {  	v33 =	vld [tilespmem:s2+$0x10];
	v36 =	vmul.f32 v2, v2;
	v11 =	vadd.f32 v50, v49;
	v14 =	vadd.f32 v23, v14  }
0x264: {  	v24 =	vadd.f32 v47, v28;
	v62 =	vadd.f32 v34, v32;
	v46 =	vmul.f32 v59, v59;
	v23 =	vld [tilespmem:s0+$0x30]  }
0x265: {  	v47 =	vmul.f32 v57, v57;
	v57 =	vld [tilespmem:s0+$0x420];
	v26 =	vadd.f32 v27, v26;
	v27 =	vadd.f32 v48, v30  }
0x266: {  	v22 =	vmul.f32 v51, v51;
	v59 =	vld [tilespmem:s0+$0x430];
	v36 =	vadd.f32 v36, v35;
	v11 =	vadd.f32 v15, v11  }
0x267: {  	v50 =	vmul.f32 v63, v63;
	v63 =	vld [tilespmem:s0+$0x450];
	v14 =	vadd.f32 v54, v14;
	v49 =	vadd.f32 v46, v45  }
0x268: {  	v34 =	vld [tilespmem:s2+$0x0];
	v48 =	vmul.f32 v61, v61;
	v20 =	vadd.f32 v26, v20;
	v24 =	vadd.f32 v27, v24  }
0x269: {  	v38 =	vmul.f32 v52, v52;
	v30 =	vld [tilespmem:s0+$0x0];
	v11 =	vadd.f32 v56, v11;
	v14 =	vadd.f32 v58, v14  }
0x26a: {  	v19 =	vmul.f32 v53, v53;
	v61 =	vld [tilespmem:s0+$0x440];
	v40 =	vadd.f32 v36, v62;
	v51 =	vadd.f32 v48, v47  }
0x26b: {  	v15 =	vmul.f32 v37, v37;
	v26 =	vld [tilespmem:s0+$0x10];
	v11 =	vadd.f32 v60, v11;
	v14 =	vadd.f32 v22, v14  }
0x26c: {  	(xrf2) =	vadd.scan.msk.f32 $0xffff, v7;
	v52 =	vmul.f32 v39, v39;
	v47 =	vld [tilespmem:s0+$0x460];
	v7 =	vadd.f32 v50, v49;
	v43 =	vadd.f32 v40, v24  }
0x26d: {  	v53, _, _ =	vpop (xrf2);
	v27 =	vmul.f32 v41, v41;
	v24 =	vld [tilespmem:s0+$0x20];
	v11 =	vadd.f32 v38, v11;
	v14 =	vadd.f32 v19, v14  }
0x26e: {  	(v2sf) =	vpush v53, $0xF;
	(xrf2) =	vadd.scan.msk.f32 $0xffff, v20;
	v20 =	vld [tilespmem:s0+$0x40];
	v15 =	vadd.f32 v15, v51;
	v37 =	vmul.f32 v23, v23  }
0x26f: {  	v28 =	vmul.f32 v57, v57;
	v25 =	vadd.f32 v52, v7;
	v7 =	vld [tilespmem:s0+$0x70];
	v11 =	vadd.f32 v14, v11  }
0x270: {  	v22 =	vmul.f32 v44, v44;
	v45 =	vmul.f32 v30, v30;
	(xrf2) =	vadd.scan.msk.f32 $0xffff, v43;
	v15 =	vadd.f32 v27, v15;
	v14 =	vld [tilespmem:s0+$0x50]  }
0x271: {  	v57 =	vmul.f32 v61, v61;
	v19 =	vmul.f32 v42, v42;
	v62 =	vadd.f32 v26, v30;
	(xrf2) =	vadd.scan.msk.f32 $0xffff, v11;
	v11 =	vld [tilespmem:s0+$0x60]  }
0x272: {  	v53 =	vld [tilespmem:s0+$0x840];
	v46 =	vmul.f32 v26, v26;
	v15 =	vadd.f32 v22, v15;
	v22 =	vmul.f32 v55, v55  }
0x273: {  	s23 =	sand.u32 $0x3, s26;
	v40 =	vld [tilespmem:s0+$0x800];
	v19 =	vadd.f32 v19, v25;
	v44 =	vadd.f32 v23, v24;
	v49 =	vmul.f32 v24, v24  }
0x274: {  	s1 =	sshll.u32 s23, $0x8;
	v27 =	vld [tilespmem:s0+$0x400];
	v50 =	vmul.f32 v20, v20;
	v32 =	vadd.f32 v46, v45;
	v25 =	vmul.f32 v59, v59  }
0x275: {  	s1 =	sadd.s32 s28, s1;
	v51 =	vld [tilespmem:s0+$0x810];
	v42 =	vmul.f32 v7, v7;
	v15 =	vadd.f32 v15, v19;
	v36 =	vadd.f32 v37, v49  }
0x276: {  	s1 =	sadd.s32 $0x7500, s1;
	v38 =	vld [tilespmem:s0+$0x470];
	v22 =	vadd.f32 v25, v22;
	v39 =	vmul.f32 v14, v14;
	v41 =	vmul.f32 v11, v11  }
0x277: {  	s7 =	sor.u32 $0xC00, s1;
	v61 =	vmul.f32 v47, v47;
	v55 =	vld [tilespmem:s0+$0x860];
	v48 =	vadd.f32 v14, v20;
	v43 =	vadd.f32 v7, v11  }
0x278: {  	s4 =	sor.u32 $0xC30, s1;
	v59 =	vld [tilespmem:s7+$0x0];
	v40 =	vmul.f32 v40, v40;
	v31 =	vadd.f32 v39, v50;
	v52 =	vadd.f32 v42, v41  }
0x279: {  	v46 =	vld [tilespmem:s4+$0x0];
	v54, _, _ =	vpop (xrf2);
	v27 =	vmul.f32 v27, v27;
	(xrf2) =	vadd.scan.msk.f32 $0xffff, v15;
	v15 =	vadd.f32 v44, v62;
	v35 =	vadd.f32 v43, v48  }
0x27a: {  	v37 =	vld [tilespmem:s0+$0x820];
	v19 =	vmul.f32 v63, v63;
	v32 =	vadd.f32 v36, v32;
	v31 =	vadd.f32 v52, v31  }
0x27b: {  	s6 =	sor.u32 $0xC10, s1;
	(v2sf) =	vpush v54, $0xF;
	v54 =	vld [tilespmem:s0+$0x850];
	v44 =	vmul.f32 v53, v53;
	v56, _, _ =	vpop (xrf2);
	v15 =	vadd.f32 v35, v15  }
0x27c: {  	v63 =	vld [tilespmem:s6+$0x0];
	v45 =	vmul.f32 v55, v55;
	(v2sf) =	vpush v56, $0xF;
	v58, _, _ =	vpop (xrf2);
	v31 =	vadd.f32 v31, v32  }
0x27d: {  	s5 =	sor.u32 $0xC20, s1;
	v62 =	vmul.f32 v38, v38;
	v19 =	vadd.f32 v19, v22;
	(v2sf) =	vpush v58, $0xF;
	v58 =	vld [tilespmem:s0+$0x870];
	(xrf2) =	vadd.scan.msk.f32 $0xffff, v15  }
0x27e: {  	v27 =	vadd.f32 v28, v27;
	v25 =	vmul.f32 v59, v59;
	v49 =	vadd.f32 v45, v44;
	v43 =	vld [tilespmem:s5+$0x0];
	(xrf2) =	vadd.scan.msk.f32 $0xffff, v31  }
0x27f: {  	s3 =	sor.u32 $0xC40, s1;
	v19 =	vadd.f32 v62, v19;
	v62 =	vmul.f32 v34, v34;
	v53 =	vmul.f32 v37, v37;
	v41 =	vld [tilespmem:s0+$0x830]  }
0x280: {  	s1 =	sor.u32 $0xC50, s1;
	v47 =	vmul.f32 v54, v54;
	v22 =	vadd.f32 v25, v49;
	v42 =	vmul.f32 v51, v51;
	v48 =	vld [tilespmem:s3+$0x0];
	v60, _, _ =	vpop (xrf2)  }
0x281: {  	v50 =	vld [tilespmem:s1+$0x0];
	v52 =	vmul.f32 v63, v63;
	(v2sf) =	vpush v60, $0xF;
	v60 =	vadd.f32 v57, v27  }
0x282: {  	v19 =	vadd.f32 v42, v19;
	v35 =	vmul.f32 v46, v46;
	v29 =	vmul.f32 v58, v58;
	v32 =	vld [tilespmem:s2+$0x20]  }
0x283: {  	v63 =	vadd.f32 v33, v34;
	v27 =	vld [tilespmem:s2+$0x30];
	v56, _, _ =	vpop (xrf2);
	v54 =	vmul.f32 v43, v43;
	v15 =	vadd.f32 v61, v60  }
0x284: {  	v25 =	vld [tilespmem:s2+$0x40];
	v55 =	vmul.f32 v41, v41;
	(v2sf) =	vpush v56, $0xF;
	v51 =	vadd.f32 v29, v47  }
0x285: {  	v57 =	vmul.f32 v48, v48;
	v56 =	vadd.f32 v54, v22;
	v22 =	vld [tilespmem:s2+$0x50];
	v15 =	vadd.f32 v40, v15  }
0x286: {  	v59 =	vmul.f32 v50, v50;
	v31 =	vadd.f32 v55, v19;
	v19 =	vld [tilespmem:s2+$0x60];
	v28 =	vadd.f32 v52, v51  }
0x287: {  	v36 =	vadd.f32 v57, v56;
	v46 =	vmul.f32 v32, v32;
	v29 =	vadd.f32 v53, v15;
	v15 =	vld [tilespmem:s2+$0x70];
	v60, _, _ =	vpop (xrf2)  }
0x288: {  	s31 =	smul.f32 $7.812500000e-03, s9;
	v48 =	vmul.f32 v27, v27;
	v58 =	vadd.f32 v35, v28;
	(v2sf) =	vpush v60, $0xF;
	v61, _, _ =	vpop (xrf2)  }
0x289: {  	s8 =	smul.f32 $7.812500000e-03, s8;
	v45 =	vmul.f32 v33, v33;
	v47 =	vadd.f32 v27, v32;
	(v2sf) =	vpush v61, $0xF  }
0x28a: {  	s9 =	smul.f32 s31, s31;
	v49 =	vmul.f32 v25, v25;
	v37 =	vadd.f32 v48, v46;
	v28 =	vadd.f32 v59, v58  }
0x28b: {  	v29 =	vadd.f32 v31, v29;
	v50 =	vadd.f32 v22, v25;
	v51 =	vmul.f32 v22, v22  }
0x28c: {  	s8 =	ssub.f32 s8, s9;
	v52 =	vmul.f32 v19, v19;
	v31 =	vadd.f32 v45, v62;
	v53 =	vmul.f32 v15, v15  }
0x28d: {  	v28 =	vadd.f32 v28, v36;
	v55 =	vadd.f32 v15, v19  }
0x28e: {  	s8 =	sadd.f32 $9.999999740e-06, s8;
	v40 =	vadd.f32 v51, v49;
	v36 =	vadd.f32 v53, v52  }
0x28f: {  	v35 =	vadd.f32 v47, v63;
	v57 =	vadd.f32 v55, v50  }
0x290: {  	v54 =	vmov s8;
	v31 =	vadd.f32 v37, v31;
	v36 =	vadd.f32 v36, v40  }
0x291: {  	s12 =	spop (v2sf);
	v39 =	vmul.f32 $5.000000000e-01, v54;
	v56 =	vshra.s32 v54, $0x1;
	(xrf2) =	vadd.scan.msk.f32 $0xffff, v29;
	v59 =	vadd.f32 v57, v35  }
0x292: {  	s8 =	spop (v2sf);
	v43 =	vsub.s32 $0x5F3759DF, v56;
	(xrf2) =	vadd.scan.msk.f32 $0xffff, v28;
	v61 =	vadd.f32 v36, v31  }
0x293: {  	s17 =	spop (v2sf);
	v58 =	vmul.f32 v43, v39;
	(xrf2) =	vadd.scan.msk.f32 $0xffff, v59  }
0x294: {  	s11 =	spop (v2sf);
	(xrf2) =	vadd.scan.msk.f32 $0xffff, v61  }
0x295: {  	s15 =	smul.f32 $7.812500000e-03, s17;
	v60 =	vmul.f32 v43, v58;
	s13 =	spop (v2sf)  }
0x296: {  	s11 =	smul.f32 $7.812500000e-03, s11;
	s9 =	spop (v2sf)  }
0x297: {  	s14 =	smul.f32 s15, s15;
	v62 =	vsub.f32 $1.500000000e+00, v60;
	s16 =	spop (v2sf)  }
0x298: {  	s16 =	smul.f32 $7.812500000e-03, s16;
	s17 =	spop (v2sf)  }
0x299: {  	s11 =	ssub.f32 s11, s14;
	v63 =	vmul.f32 v43, v62;
	s21 =	smul.f32 $7.812500000e-03, s17  }
0x29a: {  	s22 =	smul.f32 s16, s16  }
0x29b: {  	s11 =	sadd.f32 $9.999999740e-06, s11;
	v29 =	vmul.f32 v63, v39;
	v43, _, _ =	vpop (xrf2)  }
0x29c: {  	(v2sf) =	vpush v43, $0xF;
	v45, _, _ =	vpop (xrf2);
	s14 =	ssub.f32 s21, s22  }
0x29d: {  	v29 =	vmul.f32 v29, v63;
	(v2sf) =	vpush v45, $0xF;
	v46, _, _ =	vpop (xrf2)  }
0x29e: {  	v38 =	vld [tilespmem:$0x1C000];
	v42 =	vmov s11;
	(v2sf) =	vpush v46, $0xF;
	v50, _, _ =	vpop (xrf2);
	s23 =	sadd.f32 $9.999999740e-06, s14  }
0x29f: {  	v44 =	vshra.s32 v42, $0x1;
	v29 =	vsub.f32 $1.500000000e+00, v29;
	(v2sf) =	vpush v50, $0xF  }
0x2a0: {  	v31 =	vmul.f32 $5.000000000e-01, v42;
	v36 =	vsub.s32 $0x5F3759DF, v44;
	v48 =	vmov s23  }
0x2a1: {  	v28 =	vmul.f32 v29, v63;
	v49 =	vshra.s32 v48, $0x1;
	v37 =	vmul.f32 $5.000000000e-01, v48  }
0x2a2: {  	v35 =	vld [tilespmem:$0x1C200];
	v47 =	vmul.f32 v36, v31;
	v29 =	vmov s31;
	v40 =	vsub.s32 $0x5F3759DF, v49  }
0x2a3: {  	v16 =	vsub.f32 v16, v29;
	v52 =	vmul.f32 v28, v38;
	v51 =	vmul.f32 v40, v37  }
0x2a4: {  	v39 =	vmul.f32 v36, v47  }
0x2a5: {  	v16 =	vmul.f32 v52, v16;
	v41 =	vmul.f32 v40, v51  }
0x2a6: {  	v39 =	vsub.f32 $1.500000000e+00, v39  }
0x2a7: {  	v16 =	vadd.f32 v16, v35;
	v53 =	vsub.f32 $1.500000000e+00, v41  }
0x2a8: {  	s11 =	sadd.s32 $0x7000, s29  }
0x2a9: {  	v36 =	vmul.f32 v36, v39;
	[tilespmem:s11+$0xE000] =	vst v16;
	v39 =	vmul.f32 v40, v53  }
0x2aa: {  	v54 =	vld [tilespmem:$0x1C010]  }
0x2ab: {  	v31 =	vmul.f32 v36, v31;
	s14 =	spop (v2sf);
	v56 =	vmul.f32 v39, v37  }
0x2ac: {  	s10 =	spop (v2sf)  }
0x2ad: {  	v55 =	vmul.f32 v31, v36;
	s31 =	spop (v2sf);
	v31 =	vmul.f32 v56, v39  }
0x2ae: {  	v57 =	vld [tilespmem:$0x1C210];
	s21 =	smul.f32 $7.812500000e-03, s31;
	s22 =	spop (v2sf)  }
0x2af: {  	v59 =	vsub.f32 v12, v29;
	v40 =	vmul.f32 v54, v28;
	s23 =	smul.f32 $7.812500000e-03, s22;
	v58 =	vsub.f32 $1.500000000e+00, v31  }
0x2b0: {  	v16 =	vsub.f32 $1.500000000e+00, v55;
	s31 =	smul.f32 s21, s21  }
0x2b1: {  	v62 =	vmul.f32 v40, v59;
	v31 =	vmov s15;
	v12 =	vmul.f32 v58, v39  }
0x2b2: {  	v16 =	vmul.f32 v16, v36;
	v61 =	vsub.f32 v21, v31;
	v21 =	vmov s16;
	s16 =	ssub.f32 s23, s31  }
0x2b3: {  	v36 =	vadd.f32 v62, v57;
	v30 =	vsub.f32 v30, v21;
	v44 =	vmul.f32 v12, v38  }
0x2b4: {  	v60 =	vmul.f32 v16, v38;
	s16 =	sadd.f32 $9.999999740e-06, s16  }
0x2b5: {  	[tilespmem:s11+$0xE010] =	vst v36;
	v30 =	vmul.f32 v44, v30  }
0x2b6: {  	v36 =	vld [tilespmem:$0x1C020];
	v63 =	vmul.f32 v60, v61;
	v46 =	vmov s16  }
0x2b7: {  	v47 =	vshra.s32 v46, $0x1;
	v39 =	vmul.f32 $5.000000000e-01, v46;
	v30 =	vadd.f32 v30, v35  }
0x2b8: {  	v45 =	vadd.f32 v63, v35;
	v40 =	vsub.s32 $0x5F3759DF, v47  }
0x2b9: {  	v48 =	vld [tilespmem:$0x1C220];
	v50 =	vmul.f32 v40, v39;
	[tilespmem:s0+$0xE000] =	vst v30  }
0x2ba: {  	[tilespmem:s30+$0xE000] =	vst v45;
	v30 =	vld [tilespmem:$0x1C010]  }
0x2bb: {  	v10 =	vsub.f32 v10, v29;
	v36 =	vmul.f32 v36, v28;
	v37 =	vld [tilespmem:$0x1C010];
	v43 =	vmul.f32 v40, v50;
	_ =	sdelay $0x1  }
0x2bc: {  	v10 =	vmul.f32 v36, v10;
	v52 =	vsub.f32 $1.500000000e+00, v43  }
0x2bd: {  	v26 =	vsub.f32 v26, v21;
	v51 =	vld [tilespmem:$0x1C210]  }
0x2be: {  	v49 =	vld [tilespmem:$0x1C210];
	v10 =	vadd.f32 v10, v48;
	v53 =	vmul.f32 v40, v52;
	v30 =	vmul.f32 v30, v12  }
0x2bf: {  	v18 =	vsub.f32 v18, v31;
	v37 =	vmul.f32 v37, v16  }
0x2c0: {  	[tilespmem:s11+$0xE020] =	vst v10;
	v57 =	vmul.f32 v53, v39;
	v26 =	vmul.f32 v30, v26  }
0x2c1: {  	v54 =	vld [tilespmem:$0x1C030];
	v18 =	vmul.f32 v37, v18  }
0x2c2: {  	v36 =	vmul.f32 v57, v53;
	v55 =	vadd.f32 v26, v51  }
0x2c3: {  	v18 =	vadd.f32 v18, v49  }
0x2c4: {  	v58 =	vld [tilespmem:$0x1C230];
	v36 =	vsub.f32 $1.500000000e+00, v36;
	[tilespmem:s0+$0xE010] =	vst v55  }
0x2c5: {  	[tilespmem:s30+$0xE010] =	vst v18;
	v18 =	vld [tilespmem:$0x1C020]  }
0x2c6: {  	v59 =	vsub.f32 v8, v29;
	v30 =	vmul.f32 v54, v28;
	v56 =	vld [tilespmem:$0x1C020];
	v10 =	vmul.f32 v36, v53  }
0x2c7: {  	v8 =	vmov s21  }
0x2c8: {  	v34 =	vsub.f32 v34, v8;
	v30 =	vmul.f32 v30, v59;
	v63 =	vmul.f32 v10, v38  }
0x2c9: {  	v24 =	vsub.f32 v24, v21  }
0x2ca: {  	v62 =	vadd.f32 v30, v58;
	v30 =	vmul.f32 v63, v34;
	v18 =	vmul.f32 v18, v12  }
0x2cb: {  	v17 =	vsub.f32 v17, v31;
	v26 =	vmul.f32 v56, v16  }
0x2cc: {  	[tilespmem:s11+$0xE030] =	vst v62;
	v18 =	vmul.f32 v18, v24;
	v24 =	vadd.f32 v30, v35  }
0x2cd: {  	v17 =	vmul.f32 v26, v17;
	v26 =	vld [tilespmem:$0x1C040]  }
0x2ce: {  	[tilespmem:s2+$0xE000] =	vst v24  }
0x2cf: {  	v24 =	vld [tilespmem:$0x1C010]  }
0x2d0: {  	v60 =	vld [tilespmem:$0x1C220]  }
0x2d1: {  	v37 =	vld [tilespmem:$0x1C240]  }
0x2d2: {  	v5 =	vsub.f32 v5, v29;
	v48 =	vld [tilespmem:s2+$0x400];
	v26 =	vmul.f32 v26, v28  }
0x2d3: {  	v41 =	vld [tilespmem:$0x1C210]  }
0x2d4: {  	v42 =	vsub.f32 v33, v8;
	v52 =	vld [tilespmem:s2+$0x430];
	v5 =	vmul.f32 v26, v5;
	v24 =	vmul.f32 v24, v10  }
0x2d5: {  	v49 =	vld [tilespmem:s2+$0x410];
	v17 =	vadd.f32 v17, v60  }
0x2d6: {  	v61 =	vld [tilespmem:$0x1C220];
	v5 =	vadd.f32 v5, v37;
	v43 =	vmul.f32 v24, v42  }
0x2d7: {  	v54 =	vld [tilespmem:s2+$0x450];
	[tilespmem:s30+$0xE020] =	vst v17  }
0x2d8: {  	v36 =	vld [tilespmem:$0x1C030];
	[tilespmem:s11+$0xE040] =	vst v5;
	v5 =	vadd.f32 v43, v41  }
0x2d9: {  	v57 =	vld [tilespmem:s2+$0x470]  }
0x2da: {  	v51 =	vld [tilespmem:s2+$0x420];
	[tilespmem:s2+$0xE010] =	vst v5  }
0x2db: {  	v34 =	vadd.f32 v18, v61;
	v5 =	vld [tilespmem:$0x1C020]  }
0x2dc: {  	v38 =	vld [tilespmem:$0x1C230]  }
0x2dd: {  	v13 =	vsub.f32 v13, v31;
	v53 =	vld [tilespmem:s2+$0x440];
	[tilespmem:s0+$0xE020] =	vst v34;
	v18 =	vmul.f32 v36, v16  }
0x2de: {  	v17 =	vld [tilespmem:$0x1C030]  }
0x2df: {  	v13 =	vmul.f32 v18, v13;
	v50 =	vld [tilespmem:$0x1C220]  }
0x2e0: {  	v32 =	vsub.f32 v32, v8;
	v55 =	vld [tilespmem:s2+$0x460];
	v5 =	vmul.f32 v5, v10  }
0x2e1: {  	v58 =	vld [tilespmem:s2+$0x800];
	v13 =	vadd.f32 v13, v38  }
0x2e2: {  	v39 =	vld [tilespmem:$0x1C230];
	v5 =	vmul.f32 v5, v32  }
0x2e3: {  	v40 =	vsub.f32 v23, v21;
	v62 =	vld [tilespmem:s2+$0x810];
	v17 =	vmul.f32 v17, v12;
	[tilespmem:s30+$0xE030] =	vst v13  }
0x2e4: {  	v46 =	vld [tilespmem:$0x1C040];
	v5 =	vadd.f32 v5, v50  }
0x2e5: {  	v44 =	vld [tilespmem:$0x1C050];
	v17 =	vmul.f32 v17, v40  }
0x2e6: {  	v27 =	vsub.f32 v27, v8;
	v9 =	vsub.f32 v9, v31;
	v40 =	vld [tilespmem:s2+$0x820];
	[tilespmem:s2+$0xE020] =	vst v5  }
0x2e7: {  	v56 =	vmul.f32 v51, v51;
	v26 =	vmul.f32 v48, v48;
	v45 =	vadd.f32 v17, v39;
	v61 =	vld [tilespmem:$0x1C030]  }
0x2e8: {  	v20 =	vsub.f32 v20, v21;
	v30 =	vmul.f32 v49, v49;
	v35 =	vmul.f32 v52, v52;
	v47 =	vld [tilespmem:$0x1C240]  }
0x2e9: {  	v60 =	vmul.f32 v53, v53;
	v59 =	vadd.f32 v56, v26;
	v43 =	vld [tilespmem:s2+$0x830];
	[tilespmem:s0+$0xE030] =	vst v45;
	v17 =	vmul.f32 v46, v16  }
0x2ea: {  	v63 =	vmul.f32 v55, v55;
	v30 =	vadd.f32 v35, v30;
	v13 =	vld [tilespmem:$0x1C040];
	v32 =	vmul.f32 v54, v54  }
0x2eb: {  	v18 =	vmul.f32 v44, v28;
	v9 =	vmul.f32 v17, v9;
	v17 =	vadd.f32 v60, v59;
	v44 =	vld [tilespmem:$0x1C230]  }
0x2ec: {  	v42 =	vmul.f32 v57, v57;
	v41 =	vadd.f32 v32, v30;
	v46 =	vmul.f32 v61, v10  }
0x2ed: {  	v9 =	vadd.f32 v9, v47;
	v17 =	vadd.f32 v63, v17;
	v5 =	vmul.f32 v58, v58  }
0x2ee: {  	v24 =	vld [tilespmem:$0x1C240];
	v47 =	vmul.f32 v62, v62;
	v23 =	vadd.f32 v42, v41;
	v48 =	vmul.f32 v46, v27  }
0x2ef: {  	v51 =	vmul.f32 v40, v40;
	v13 =	vmul.f32 v13, v12;
	v5 =	vadd.f32 v5, v17  }
0x2f0: {  	v45 =	vld [tilespmem:$0x1C250];
	v52 =	vmul.f32 v43, v43;
	[tilespmem:s30+$0xE040] =	vst v9;
	v9 =	vadd.f32 v47, v23;
	v50 =	vadd.f32 v48, v44  }
0x2f1: {  	v3 =	vsub.f32 v3, v29;
	v13 =	vmul.f32 v13, v20;
	v49 =	vld [tilespmem:$0x1C050]  }
0x2f2: {  	v5 =	vadd.f32 v51, v5;
	v9 =	vadd.f32 v52, v9;
	[tilespmem:s2+$0xE030] =	vst v50  }
0x2f3: {  	v13 =	vadd.f32 v13, v24;
	v56 =	vld [tilespmem:$0x1C040]  }
0x2f4: {  	v3 =	vmul.f32 v18, v3;
	v57 =	vadd.f32 v9, v5  }
0x2f5: {  	v53 =	vld [tilespmem:$0x1C250];
	[tilespmem:s0+$0xE040] =	vst v13  }
0x2f6: {  	v6 =	vsub.f32 v6, v31;
	v3 =	vadd.f32 v3, v45;
	v54 =	vld [tilespmem:$0x1C050];
	v55 =	vmul.f32 v49, v16;
	(xrf2) =	vadd.scan.msk.f32 $0xffff, v57  }
0x2f7: {  	v63 =	vld [tilespmem:$0x1C240]  }
0x2f8: {  	v26 =	vsub.f32 v25, v8;
	[tilespmem:s11+$0xE050] =	vst v3;
	v6 =	vmul.f32 v55, v6;
	v24 =	vmul.f32 v56, v10  }
0x2f9: {  	v58 =	vld [tilespmem:$0x1C060]  }
0x2fa: {  	v59 =	vld [tilespmem:$0x1C250];
	v60 =	vadd.f32 v6, v53;
	v33 =	vmul.f32 v24, v26  }
0x2fb: {  	v62 =	vsub.f32 v14, v21;
	v61 =	vmul.f32 v54, v12  }
0x2fc: {  	[tilespmem:s30+$0xE050] =	vst v60;
	v34 =	vadd.f32 v33, v63  }
0x2fd: {  	v30 =	vmul.f32 v61, v62;
	v32 =	vld [tilespmem:$0x1C060]  }
0x2fe: {  	v27 =	vld [tilespmem:$0x1C260];
	[tilespmem:s2+$0xE040] =	vst v34  }
0x2ff: {  	v1 =	vsub.f32 v1, v29;
	v5 =	vmul.f32 v58, v28;
	v3 =	vadd.f32 v30, v59;
	v37 =	vld [tilespmem:$0x1C050]  }
0x300: {  	v40, _, _ =	vpop (xrf2)  }
0x301: {  	s12 =	smul.f32 $5.208333490e-03, s12;
	v1 =	vmul.f32 v5, v1;
	v35 =	vld [tilespmem:$0x1C260];
	[tilespmem:s0+$0xE050] =	vst v3;
	(v2sf) =	vpush v40, $0xF  }
0x302: {  	s13 =	smul.f32 $5.208333490e-03, s13;
	v4 =	vsub.f32 v4, v31;
	v3 =	vld [tilespmem:$0x1C060];
	v36 =	vmul.f32 v32, v16  }
0x303: {  	s12 =	sadd.f32 $9.999999740e-06, s12;
	v1 =	vadd.f32 v1, v27;
	v47 =	vld [tilespmem:$0x1C250]  }
0x304: {  	s13 =	sadd.f32 $9.999999740e-06, s13;
	v22 =	vsub.f32 v22, v8;
	v4 =	vmul.f32 v36, v4;
	v6 =	vmul.f32 v37, v10  }
0x305: {  	v0 =	vsub.f32 v0, v29;
	v2 =	vsub.f32 v2, v31;
	v38 =	vmov s12;
	[tilespmem:s11+$0xE060] =	vst v1;
	v45 =	vld [tilespmem:$0x1C260]  }
0x306: {  	s14 =	smul.f32 $5.208333490e-03, s14;
	v39 =	vmov s13;
	v42 =	vld [tilespmem:$0x1C070];
	v4 =	vadd.f32 v4, v35;
	v50 =	vmul.f32 v6, v22  }
0x307: {  	v14 =	vmul.f32 $5.000000000e-01, v39;
	v46 =	vsub.f32 v11, v21;
	v3 =	vmul.f32 v3, v12  }
0x308: {  	s14 =	sadd.f32 $9.999999740e-06, s14;
	v41 =	vshra.s32 v38, $0x1;
	v49 =	vshra.s32 v39, $0x1;
	[tilespmem:s30+$0xE060] =	vst v4;
	v4 =	vadd.f32 v50, v47  }
0x309: {  	v13 =	vmul.f32 $5.000000000e-01, v38;
	v9 =	vsub.s32 $0x5F3759DF, v49;
	v54 =	vld [tilespmem:$0x1C270];
	v3 =	vmul.f32 v3, v46  }
0x30a: {  	v43 =	vmov s14;
	v52 =	vmul.f32 v9, v14;
	v44 =	vsub.s32 $0x5F3759DF, v41;
	v53 =	vld [tilespmem:$0x1C070];
	[tilespmem:s2+$0xE050] =	vst v4  }
0x30b: {  	v48 =	vmul.f32 v44, v13;
	v18 =	vmul.f32 v42, v28;
	v3 =	vadd.f32 v3, v45;
	v59 =	vld [tilespmem:$0x1C060]  }
0x30c: {  	v55 =	vshra.s32 v43, $0x1;
	v20 =	vmul.f32 v9, v52;
	v1 =	vmul.f32 $5.000000000e-01, v43  }
0x30d: {  	v51 =	vmul.f32 v44, v48;
	v0 =	vmul.f32 v18, v0;
	v60 =	vld [tilespmem:$0x1C270];
	[tilespmem:s0+$0xE060] =	vst v3;
	v3 =	vsub.s32 $0x5F3759DF, v55  }
0x30e: {  	v7 =	vsub.f32 v7, v21;
	v57 =	vsub.f32 $1.500000000e+00, v20;
	v56 =	vld [tilespmem:$0x1C070];
	v58 =	vmul.f32 v3, v1  }
0x30f: {  	v0 =	vadd.f32 v0, v54;
	v16 =	vmul.f32 v53, v16;
	v6 =	vsub.f32 $1.500000000e+00, v51;
	v21 =	vld [tilespmem:$0x1C260]  }
0x310: {  	v24 =	vsub.f32 v19, v8;
	v61 =	vmul.f32 v3, v58;
	s15 =	spop (v2sf);
	v23 =	vmul.f32 v59, v10  }
0x311: {  	[tilespmem:s11+$0xE070] =	vst v0;
	v2 =	vmul.f32 v16, v2;
	v5 =	vmul.f32 v44, v6;
	s11 =	smul.f32 $5.208333490e-03, s15  }
0x312: {  	v63 =	vld [tilespmem:$0x1C270];
	v4 =	vmul.f32 v9, v57;
	v9 =	vsub.f32 $1.500000000e+00, v61;
	v27 =	vmul.f32 v23, v24  }
0x313: {  	v2 =	vadd.f32 v2, v60;
	v6 =	vmul.f32 v56, v12;
	s11 =	sadd.f32 $9.999999740e-06, s11  }
0x314: {  	v13 =	vmul.f32 v5, v13;
	v3 =	vmul.f32 v3, v9;
	v32 =	vadd.f32 v27, v21  }
0x315: {  	v6 =	vmul.f32 v6, v7;
	v22 =	vmul.f32 v4, v14;
	v35 =	vmov s11  }
0x316: {  	v1 =	vmul.f32 v3, v1;
	v38 =	vshra.s32 v35, $0x1;
	v39 =	vmul.f32 $5.000000000e-01, v35;
	[tilespmem:s2+$0xE060] =	vst v32  }
0x317: {  	[tilespmem:s30+$0xE070] =	vst v2;
	v30 =	vadd.f32 v6, v63;
	v29 =	vmul.f32 v22, v4;
	v40 =	vsub.s32 $0x5F3759DF, v38;
	v6 =	vld [tilespmem:$0x1C070]  }
0x318: {  	v31 =	vld [tilespmem:$0x1C080];
	v1 =	vmul.f32 v1, v3;
	v43 =	vmul.f32 v40, v39  }
0x319: {  	v34 =	vld [tilespmem:s30+$0x400];
	v62 =	vmul.f32 v13, v5;
	v33 =	vsub.f32 $1.500000000e+00, v29  }
0x31a: {  	v25 =	vld [tilespmem:$0x1C080];
	v1 =	vsub.f32 $1.500000000e+00, v1;
	v44 =	vmul.f32 v40, v43  }
0x31b: {  	v8 =	vsub.f32 v15, v8;
	v26 =	vsub.f32 $1.500000000e+00, v62;
	v2 =	vmul.f32 v33, v4;
	v46 =	vld [tilespmem:$0x1C270]  }
0x31c: {  	v1 =	vmul.f32 v1, v3;
	v3 =	vsub.f32 $1.500000000e+00, v44;
	v6 =	vmul.f32 v6, v10  }
0x31d: {  	v28 =	vld [tilespmem:s29+$0x7400];
	v0 =	vmul.f32 v26, v5;
	v5 =	vmul.f32 v31, v2  }
0x31e: {  	v3 =	vmul.f32 v40, v3;
	v51 =	vmul.f32 v6, v8  }
0x31f: {  	v5 =	vmul.f32 v5, v34  }
0x320: {  	[tilespmem:s0+$0xE070] =	vst v30;
	v36 =	vmul.f32 v25, v0;
	v53 =	vmul.f32 v3, v39;
	v4 =	vadd.f32 v51, v46  }
0x321: {  	v42 =	vld [tilespmem:s0+$0x400];
	[tilespmem:s30+$0xE400] =	vst v5  }
0x322: {  	v37 =	vld [tilespmem:$0x1C080];
	v41 =	vmul.f32 v36, v28;
	v5 =	vmul.f32 v53, v3;
	[tilespmem:s2+$0xE070] =	vst v4  }
0x323: {  	s16 =	sadd.s32 $0x7400, s29;
	v58 =	vld [tilespmem:$0x1C080]  }
0x324: {  	v60 =	vld [tilespmem:s2+$0x400];
	[tilespmem:s16+$0xE000] =	vst v41;
	v5 =	vsub.f32 $1.500000000e+00, v5  }
0x325: {  	v47 =	vld [tilespmem:$0x1C090]  }
0x326: {  	v50 =	vld [tilespmem:$0x1C090];
	v3 =	vmul.f32 v5, v3  }
0x327: {  	v45 =	vmul.f32 v37, v1;
	v48 =	vld [tilespmem:s29+$0x7410]  }
0x328: {  	v52 =	vld [tilespmem:s30+$0x410];
	v8 =	vmul.f32 v58, v3  }
0x329: {  	v49 =	vmul.f32 v45, v42  }
0x32a: {  	v54 =	vmul.f32 v47, v0;
	v14 =	vmul.f32 v8, v60  }
0x32b: {  	v56 =	vld [tilespmem:s0+$0x410];
	[tilespmem:s0+$0xE400] =	vst v49;
	v7 =	vmul.f32 v50, v2  }
0x32c: {  	v55 =	vld [tilespmem:$0x1C090];
	v57 =	vmul.f32 v54, v48;
	[tilespmem:s2+$0xE400] =	vst v14  }
0x32d: {  	v59 =	vmul.f32 v7, v52;
	v19 =	vld [tilespmem:$0x1C090]  }
0x32e: {  	v21 =	vld [tilespmem:s2+$0x410];
	[tilespmem:s16+$0xE010] =	vst v57  }
0x32f: {  	v61 =	vld [tilespmem:$0x1C0A0];
	[tilespmem:s30+$0xE410] =	vst v59  }
0x330: {  	v12 =	vld [tilespmem:$0x1C0A0]  }
0x331: {  	v9 =	vmul.f32 v55, v1;
	v62 =	vld [tilespmem:s29+$0x7420]  }
0x332: {  	v13 =	vld [tilespmem:s30+$0x420];
	v5 =	vmul.f32 v19, v3  }
0x333: {  	v17 =	vld [tilespmem:s0+$0x420];
	v63 =	vmul.f32 v9, v56  }
0x334: {  	v26 =	vld [tilespmem:s30+$0x430];
	v15 =	vmul.f32 v61, v0;
	v4 =	vmul.f32 v5, v21  }
0x335: {  	v28 =	vld [tilespmem:s0+$0x430];
	[tilespmem:s0+$0xE410] =	vst v63;
	v20 =	vmul.f32 v12, v2  }
0x336: {  	v16 =	vld [tilespmem:$0x1C0A0];
	v18 =	vmul.f32 v15, v62;
	[tilespmem:s2+$0xE410] =	vst v4  }
0x337: {  	v6 =	vmul.f32 v20, v13;
	v30 =	vld [tilespmem:$0x1C0A0]  }
0x338: {  	v31 =	vld [tilespmem:s2+$0x420];
	[tilespmem:s16+$0xE020] =	vst v18  }
0x339: {  	v22 =	vld [tilespmem:$0x1C0B0];
	[tilespmem:s30+$0xE420] =	vst v6  }
0x33a: {  	v25 =	vld [tilespmem:$0x1C0B0]  }
0x33b: {  	v7 =	vmul.f32 v16, v1;
	v23 =	vld [tilespmem:s29+$0x7430]  }
0x33c: {  	v36 =	vld [tilespmem:s0+$0x440];
	v5 =	vmul.f32 v30, v3  }
0x33d: {  	v44 =	vld [tilespmem:s0+$0x450];
	v24 =	vmul.f32 v7, v17  }
0x33e: {  	v34 =	vld [tilespmem:s30+$0x440];
	v27 =	vmul.f32 v22, v0;
	v4 =	vmul.f32 v5, v31  }
0x33f: {  	v39 =	vld [tilespmem:s2+$0x430];
	[tilespmem:s0+$0xE420] =	vst v24;
	v7 =	vmul.f32 v25, v2  }
0x340: {  	v6 =	vld [tilespmem:$0x1C0B0];
	v29 =	vmul.f32 v27, v23;
	[tilespmem:s2+$0xE420] =	vst v4  }
0x341: {  	v7 =	vmul.f32 v7, v26;
	v38 =	vld [tilespmem:$0x1C0B0]  }
0x342: {  	v42 =	vld [tilespmem:s30+$0x450];
	[tilespmem:s16+$0xE030] =	vst v29  }
0x343: {  	v32 =	vld [tilespmem:$0x1C0C0];
	[tilespmem:s30+$0xE430] =	vst v7  }
0x344: {  	v7 =	vld [tilespmem:$0x1C0C0]  }
0x345: {  	v6 =	vmul.f32 v6, v1;
	v33 =	vld [tilespmem:s29+$0x7440]  }
0x346: {  	v47 =	vld [tilespmem:s2+$0x440];
	v5 =	vmul.f32 v38, v3  }
0x347: {  	v50 =	vld [tilespmem:s30+$0x460];
	v6 =	vmul.f32 v6, v28  }
0x348: {  	v54 =	vld [tilespmem:s2+$0x840];
	v35 =	vmul.f32 v32, v0;
	v4 =	vmul.f32 v5, v39  }
0x349: {  	v52 =	vld [tilespmem:s0+$0x460];
	[tilespmem:s0+$0xE430] =	vst v6;
	v7 =	vmul.f32 v7, v2  }
0x34a: {  	v6 =	vld [tilespmem:$0x1C0C0];
	v37 =	vmul.f32 v35, v33;
	[tilespmem:s2+$0xE430] =	vst v4  }
0x34b: {  	v7 =	vmul.f32 v7, v34;
	v46 =	vld [tilespmem:$0x1C0C0]  }
0x34c: {  	v55 =	vld [tilespmem:s2+$0x850];
	[tilespmem:s16+$0xE040] =	vst v37  }
0x34d: {  	v40 =	vld [tilespmem:$0x1C0D0];
	[tilespmem:s30+$0xE440] =	vst v7  }
0x34e: {  	v7 =	vld [tilespmem:$0x1C0D0]  }
0x34f: {  	v6 =	vmul.f32 v6, v1;
	v41 =	vld [tilespmem:s29+$0x7450]  }
0x350: {  	v57 =	vld [tilespmem:s2+$0x860];
	v5 =	vmul.f32 v46, v3  }
0x351: {  	v56 =	vld [tilespmem:s2+$0x450];
	v6 =	vmul.f32 v6, v36  }
0x352: {  	v59 =	vld [tilespmem:s2+$0xC00];
	v43 =	vmul.f32 v40, v0;
	v4 =	vmul.f32 v5, v47  }
0x353: {  	v63 =	vld [tilespmem:s2+$0xC40];
	[tilespmem:s0+$0xE440] =	vst v6;
	v7 =	vmul.f32 v7, v2  }
0x354: {  	v6 =	vld [tilespmem:$0x1C0D0];
	v45 =	vmul.f32 v43, v41;
	[tilespmem:s2+$0xE440] =	vst v4  }
0x355: {  	v7 =	vmul.f32 v7, v42;
	v4 =	vld [tilespmem:$0x1C0D0]  }
0x356: {  	v61 =	vld [tilespmem:s2+$0xC20];
	[tilespmem:s16+$0xE050] =	vst v45  }
0x357: {  	v49 =	vld [tilespmem:$0x1C0E0];
	[tilespmem:s30+$0xE450] =	vst v7  }
0x358: {  	v51 =	vld [tilespmem:$0x1C0E0]  }
0x359: {  	v6 =	vmul.f32 v6, v1;
	v48 =	vld [tilespmem:s29+$0x7460]  }
0x35a: {  	v58 =	vld [tilespmem:s2+$0x870];
	v4 =	vmul.f32 v4, v3  }
0x35b: {  	v62 =	vld [tilespmem:s2+$0xC30];
	v6 =	vmul.f32 v6, v44  }
0x35c: {  	v60 =	vld [tilespmem:s2+$0xC10];
	v10 =	vmul.f32 v49, v0;
	v4 =	vmul.f32 v4, v56  }
0x35d: {  	v24 =	vld [tilespmem:s2+$0xC50];
	[tilespmem:s0+$0xE450] =	vst v6;
	v8 =	vmul.f32 v51, v2  }
0x35e: {  	v53 =	vld [tilespmem:$0x1C0E0];
	v9 =	vmul.f32 v10, v48;
	[tilespmem:s2+$0xE450] =	vst v4  }
0x35f: {  	v7 =	vmul.f32 v8, v50;
	v23 =	vld [tilespmem:$0x1C0E0]  }
0x360: {  	v12 =	vmul.f32 v55, v55;
	v15 =	vmul.f32 v58, v58;
	v26 =	vld [tilespmem:s2+$0x460];
	[tilespmem:s16+$0xE060] =	vst v9  }
0x361: {  	v22 =	vmul.f32 v57, v57;
	v25 =	vmul.f32 v59, v59;
	v27 =	vld [tilespmem:$0x1C0F0];
	[tilespmem:s30+$0xE460] =	vst v7  }
0x362: {  	v21 =	vmul.f32 v54, v54;
	v29 =	vmul.f32 v61, v61;
	v34 =	vld [tilespmem:$0x1C0F0]  }
0x363: {  	v12 =	vadd.f32 v15, v12;
	v28 =	vmul.f32 v60, v60;
	v5 =	vmul.f32 v53, v1;
	v30 =	vld [tilespmem:s29+$0x7470]  }
0x364: {  	v32 =	vmul.f32 v62, v62;
	v38 =	vld [tilespmem:s30+$0x470];
	v4 =	vadd.f32 v22, v21;
	v33 =	vmul.f32 v23, v3  }
0x365: {  	v35 =	vmul.f32 v63, v63;
	v31 =	vadd.f32 v28, v12;
	v5 =	vmul.f32 v5, v52  }
0x366: {  	v8 =	vmul.f32 v27, v0;
	v4 =	vadd.f32 v25, v4;
	v37 =	vmul.f32 v33, v26  }
0x367: {  	v36 =	vmul.f32 v24, v24;
	v43 =	vld [tilespmem:s0+$0x470];
	[tilespmem:s0+$0xE460] =	vst v5;
	v42 =	vmul.f32 v34, v2  }
0x368: {  	v7 =	vadd.f32 v32, v31;
	v5 =	vld [tilespmem:$0x1C0F0];
	v40 =	vmul.f32 v8, v30;
	v4 =	vadd.f32 v29, v4;
	[tilespmem:s2+$0xE460] =	vst v37  }
0x369: {  	v9 =	vmul.f32 v42, v38;
	v41 =	vld [tilespmem:$0x1C0F0]  }
0x36a: {  	v44 =	vld [tilespmem:s2+$0x470];
	v39 =	vadd.f32 v36, v7;
	[tilespmem:s16+$0xE070] =	vst v40;
	v4 =	vadd.f32 v35, v4  }
0x36b: {  	v7 =	vld [tilespmem:$0x1C100];
	[tilespmem:s30+$0xE470] =	vst v9  }
0x36c: {  	v9 =	vld [tilespmem:$0x1C100];
	v4 =	vadd.f32 v39, v4  }
0x36d: {  	v45 =	vmul.f32 v5, v1;
	v46 =	vld [tilespmem:s29+$0x7800]  }
0x36e: {  	v47 =	vld [tilespmem:s30+$0x800];
	(xrf2) =	vadd.scan.msk.f32 $0xffff, v4;
	v8 =	vmul.f32 v41, v3  }
0x36f: {  	v4 =	vmul.f32 v45, v43  }
0x370: {  	v7 =	vmul.f32 v7, v0;
	v6 =	vmul.f32 v8, v44  }
0x371: {  	v49 =	vld [tilespmem:s0+$0x800];
	v48 =	vmul.f32 v9, v2;
	[tilespmem:s0+$0xE470] =	vst v4  }
0x372: {  	v5 =	vmul.f32 v7, v46;
	v4 =	vld [tilespmem:$0x1C100];
	[tilespmem:s2+$0xE470] =	vst v6  }
0x373: {  	s17 =	sadd.s32 $0x7800, s29;
	v7 =	vmul.f32 v48, v47;
	v6 =	vld [tilespmem:$0x1C100]  }
0x374: {  	v50 =	vld [tilespmem:s2+$0x800];
	[tilespmem:s17+$0xE000] =	vst v5  }
0x375: {  	v51 =	vld [tilespmem:$0x1C110];
	[tilespmem:s30+$0xE800] =	vst v7  }
0x376: {  	v7 =	vld [tilespmem:$0x1C110]  }
0x377: {  	v53 =	vld [tilespmem:s29+$0x7810];
	v4 =	vmul.f32 v4, v1  }
0x378: {  	v55 =	vld [tilespmem:s30+$0x810];
	v52, _, _ =	vpop (xrf2);
	v6 =	vmul.f32 v6, v3  }
0x379: {  	v4 =	vmul.f32 v4, v49;
	(v2sf) =	vpush v52, $0xF  }
0x37a: {  	v54 =	vmul.f32 v51, v0;
	v5 =	vmul.f32 v6, v50  }
0x37b: {  	v58 =	vld [tilespmem:s0+$0x810];
	v7 =	vmul.f32 v7, v2;
	[tilespmem:s0+$0xE800] =	vst v4  }
0x37c: {  	v56 =	vmul.f32 v54, v53;
	v4 =	vld [tilespmem:$0x1C110];
	[tilespmem:s2+$0xE800] =	vst v5  }
0x37d: {  	s8 =	smul.f32 $6.250000090e-03, s8;
	v7 =	vmul.f32 v7, v55;
	v57 =	vld [tilespmem:$0x1C110]  }
0x37e: {  	v59 =	vld [tilespmem:s2+$0x810];
	[tilespmem:s17+$0xE010] =	vst v56  }
0x37f: {  	s8 =	sadd.f32 $9.999999740e-06, s8;
	s21 =	smul.f32 $6.250000090e-03, s9;
	v61 =	vld [tilespmem:$0x1C120];
	[tilespmem:s30+$0xE810] =	vst v7  }
0x380: {  	v17 =	vld [tilespmem:$0x1C120]  }
0x381: {  	s22 =	smul.f32 $6.250000090e-03, s10;
	v60 =	vmov s8;
	s8 =	sadd.f32 $9.999999740e-06, s21;
	v63 =	vld [tilespmem:s29+$0x7820];
	v4 =	vmul.f32 v4, v1  }
0x382: {  	v21 =	vld [tilespmem:s30+$0x820];
	v6 =	vmul.f32 v57, v3  }
0x383: {  	v20 =	vmov s8;
	s8 =	sadd.f32 $9.999999740e-06, s22;
	v10 =	vmul.f32 $5.000000000e-01, v60;
	v4 =	vmul.f32 v4, v58  }
0x384: {  	v62 =	vshra.s32 v60, $0x1;
	v19 =	vmul.f32 v61, v0;
	v5 =	vmul.f32 v6, v59  }
0x385: {  	v30 =	vmov s8;
	v9 =	vsub.s32 $0x5F3759DF, v62;
	v13 =	vmul.f32 v17, v2;
	[tilespmem:s0+$0xE810] =	vst v4  }
0x386: {  	v34 =	vshra.s32 v30, $0x1;
	v16 =	vmul.f32 v9, v10;
	v25 =	vmul.f32 v19, v63;
	v23 =	vld [tilespmem:$0x1C120];
	[tilespmem:s2+$0xE810] =	vst v5  }
0x387: {  	v22 =	vshra.s32 v20, $0x1;
	v8 =	vmul.f32 $5.000000000e-01, v20;
	v11 =	vmul.f32 v13, v21;
	v26 =	vld [tilespmem:$0x1C120]  }
0x388: {  	v28 =	vld [tilespmem:s0+$0x820];
	v18 =	vmul.f32 v9, v16;
	v16 =	vmul.f32 $5.000000000e-01, v30;
	[tilespmem:s17+$0xE020] =	vst v25;
	v4 =	vsub.s32 $0x5F3759DF, v22;
	s23 =	spop (v2sf)  }
0x389: {  	v29 =	vld [tilespmem:s2+$0x820];
	[tilespmem:s30+$0xE820] =	vst v11;
	v11 =	vsub.s32 $0x5F3759DF, v34;
	v27 =	vmul.f32 v4, v8;
	s9 =	smul.f32 $6.250000090e-03, s23  }
0x38a: {  	v33 =	vld [tilespmem:$0x1C130];
	v39 =	vmul.f32 v11, v16  }
0x38b: {  	v31 =	vmul.f32 v4, v27;
	v14 =	vmul.f32 v23, v1;
	s9 =	sadd.f32 $9.999999740e-06, s9  }
0x38c: {  	v24 =	vsub.f32 $1.500000000e+00, v18;
	v35 =	vld [tilespmem:$0x1C130];
	v43 =	vmul.f32 v11, v39;
	v7 =	vmul.f32 v26, v3  }
0x38d: {  	v6 =	vsub.f32 $1.500000000e+00, v31;
	v14 =	vmul.f32 v14, v28;
	v32 =	vmov s9  }
0x38e: {  	v36 =	vld [tilespmem:s29+$0x7830];
	v37 =	vshra.s32 v32, $0x1;
	v12 =	vmul.f32 $5.000000000e-01, v32;
	v7 =	vmul.f32 v7, v29  }
0x38f: {  	v38 =	vld [tilespmem:s30+$0x830];
	v0 =	vmul.f32 v33, v0;
	v4 =	vmul.f32 v4, v6;
	[tilespmem:s0+$0xE820] =	vst v14;
	v40 =	vsub.s32 $0x5F3759DF, v37  }
0x390: {  	v5 =	vmul.f32 v9, v24;
	v41 =	vld [tilespmem:$0x1C130];
	v18 =	vmul.f32 v40, v12;
	[tilespmem:s2+$0xE820] =	vst v7  }
0x391: {  	v2 =	vmul.f32 v35, v2;
	v42 =	vmul.f32 v4, v8;
	v8 =	vsub.f32 $1.500000000e+00, v43;
	v44 =	vld [tilespmem:$0x1C130]  }
0x392: {  	v45 =	vld [tilespmem:s0+$0x830];
	v10 =	vmul.f32 v5, v10;
	v18 =	vmul.f32 v40, v18  }
0x393: {  	v46 =	vld [tilespmem:s2+$0x830];
	v0 =	vmul.f32 v0, v36;
	v8 =	vmul.f32 v11, v8  }
0x394: {  	v2 =	vmul.f32 v2, v38;
	v10 =	vmul.f32 v10, v5;
	v47 =	vsub.f32 $1.500000000e+00, v18  }
0x395: {  	[tilespmem:s17+$0xE030] =	vst v0;
	v11 =	vmul.f32 v8, v16;
	v48 =	vmul.f32 v41, v1  }
0x396: {  	v49 =	vld [tilespmem:$0x1C140];
	v6 =	vmul.f32 v40, v47;
	v3 =	vmul.f32 v44, v3  }
0x397: {  	v52 =	vld [tilespmem:s30+$0x840];
	v50 =	vsub.f32 $1.500000000e+00, v10;
	v7 =	vmul.f32 v42, v4;
	v13 =	vmul.f32 v48, v45  }
0x398: {  	v51 =	vld [tilespmem:s29+$0x7840];
	[tilespmem:s30+$0xE830] =	vst v2;
	v53 =	vmul.f32 v6, v12;
	v3 =	vmul.f32 v3, v46  }
0x399: {  	v54 =	vld [tilespmem:$0x1C140];
	v0 =	vmul.f32 v50, v5;
	v55 =	vmul.f32 v11, v8;
	[tilespmem:s0+$0xE830] =	vst v13  }
0x39a: {  	v7 =	vsub.f32 $1.500000000e+00, v7;
	v56 =	vld [tilespmem:$0x1C140];
	v2 =	vmul.f32 v53, v6;
	[tilespmem:s2+$0xE830] =	vst v3  }
0x39b: {  	v57 =	vmul.f32 v49, v0;
	v9 =	vsub.f32 $1.500000000e+00, v55;
	v58 =	vld [tilespmem:$0x1C140]  }
0x39c: {  	v59 =	vld [tilespmem:s0+$0x840];
	v1 =	vmul.f32 v7, v4;
	v60 =	vsub.f32 $1.500000000e+00, v2  }
0x39d: {  	v61 =	vld [tilespmem:s2+$0x840];
	v10 =	vmul.f32 v57, v51;
	v2 =	vmul.f32 v9, v8  }
0x39e: {  	v5 =	vmul.f32 v54, v1;
	v62 =	vmul.f32 v60, v6  }
0x39f: {  	v63 =	vmul.f32 v56, v2  }
0x3a0: {  	v15 =	vld [tilespmem:s30+$0x850];
	[tilespmem:s17+$0xE040] =	vst v10;
	v5 =	vmul.f32 v5, v52;
	v14 =	vmul.f32 v58, v62  }
0x3a1: {  	v13 =	vld [tilespmem:$0x1C150];
	v4 =	vmul.f32 v63, v59  }
0x3a2: {  	v10 =	vld [tilespmem:s29+$0x7850];
	[tilespmem:s30+$0xE840] =	vst v5;
	v16 =	vmul.f32 v14, v61  }
0x3a3: {  	v17 =	vld [tilespmem:$0x1C150];
	[tilespmem:s0+$0xE840] =	vst v4  }
0x3a4: {  	v4 =	vld [tilespmem:$0x1C150];
	[tilespmem:s2+$0xE840] =	vst v16  }
0x3a5: {  	v19 =	vld [tilespmem:$0x1C150]  }
0x3a6: {  	v20 =	vld [tilespmem:s0+$0x850];
	v18 =	vmul.f32 v13, v0  }
0x3a7: {  	v21 =	vld [tilespmem:s2+$0x850]  }
0x3a8: {  	v6 =	vmul.f32 v18, v10;
	v8 =	vmul.f32 v17, v1  }
0x3a9: {  	v4 =	vmul.f32 v4, v2  }
0x3aa: {  	v23 =	vld [tilespmem:s30+$0x860];
	[tilespmem:s17+$0xE050] =	vst v6;
	v5 =	vmul.f32 v8, v15;
	v7 =	vmul.f32 v19, v62  }
0x3ab: {  	v6 =	vld [tilespmem:$0x1C160];
	v4 =	vmul.f32 v4, v20  }
0x3ac: {  	v22 =	vld [tilespmem:s29+$0x7860];
	[tilespmem:s30+$0xE850] =	vst v5;
	v7 =	vmul.f32 v7, v21  }
0x3ad: {  	v24 =	vld [tilespmem:$0x1C160];
	[tilespmem:s0+$0xE850] =	vst v4  }
0x3ae: {  	v4 =	vld [tilespmem:$0x1C160];
	[tilespmem:s2+$0xE850] =	vst v7  }
0x3af: {  	v7 =	vld [tilespmem:$0x1C160]  }
0x3b0: {  	v25 =	vld [tilespmem:s0+$0x860];
	v6 =	vmul.f32 v6, v0  }
0x3b1: {  	v26 =	vld [tilespmem:s2+$0x860]  }
0x3b2: {  	v6 =	vmul.f32 v6, v22;
	v9 =	vmul.f32 v24, v1  }
0x3b3: {  	v4 =	vmul.f32 v4, v2  }
0x3b4: {  	v28 =	vld [tilespmem:s30+$0x870];
	[tilespmem:s17+$0xE060] =	vst v6;
	v5 =	vmul.f32 v9, v23;
	v7 =	vmul.f32 v7, v62  }
0x3b5: {  	v6 =	vld [tilespmem:$0x1C170];
	v4 =	vmul.f32 v4, v25  }
0x3b6: {  	v27 =	vld [tilespmem:s29+$0x7870];
	[tilespmem:s30+$0xE860] =	vst v5;
	v7 =	vmul.f32 v7, v26  }
0x3b7: {  	v29 =	vld [tilespmem:$0x1C170];
	[tilespmem:s0+$0xE860] =	vst v4  }
0x3b8: {  	v4 =	vld [tilespmem:$0x1C170];
	[tilespmem:s2+$0xE860] =	vst v7  }
0x3b9: {  	v7 =	vld [tilespmem:$0x1C170]  }
0x3ba: {  	v30 =	vld [tilespmem:s0+$0x870];
	v6 =	vmul.f32 v6, v0  }
0x3bb: {  	v31 =	vld [tilespmem:s2+$0x870]  }
0x3bc: {  	v6 =	vmul.f32 v6, v27;
	v8 =	vmul.f32 v29, v1  }
0x3bd: {  	v4 =	vmul.f32 v4, v2  }
0x3be: {  	v33 =	vld [tilespmem:s30+$0xC00];
	[tilespmem:s17+$0xE070] =	vst v6;
	v5 =	vmul.f32 v8, v28;
	v7 =	vmul.f32 v7, v62  }
0x3bf: {  	v6 =	vld [tilespmem:$0x1C180];
	v4 =	vmul.f32 v4, v30  }
0x3c0: {  	v32 =	vld [tilespmem:s29+$0x7C00];
	[tilespmem:s30+$0xE870] =	vst v5;
	v7 =	vmul.f32 v7, v31  }
0x3c1: {  	v34 =	vld [tilespmem:$0x1C180];
	[tilespmem:s0+$0xE870] =	vst v4  }
0x3c2: {  	v4 =	vld [tilespmem:$0x1C180];
	[tilespmem:s2+$0xE870] =	vst v7  }
0x3c3: {  	v7 =	vld [tilespmem:$0x1C180]  }
0x3c4: {  	v6 =	vmul.f32 v6, v0;
	v35 =	vld [tilespmem:s7+$0x0]  }
0x3c5: {  	v36 =	vld [tilespmem:s2+$0xC00]  }
0x3c6: {  	v6 =	vmul.f32 v6, v32;
	v9 =	vmul.f32 v34, v1  }
0x3c7: {  	s31 =	sadd.s32 $0x7C00, s29;
	v4 =	vmul.f32 v4, v2  }
0x3c8: {  	v38 =	vld [tilespmem:s30+$0xC10];
	[tilespmem:s31+$0xE000] =	vst v6;
	v5 =	vmul.f32 v9, v33;
	v7 =	vmul.f32 v7, v62  }
0x3c9: {  	v6 =	vld [tilespmem:$0x1C190];
	v4 =	vmul.f32 v4, v35  }
0x3ca: {  	v37 =	vld [tilespmem:s29+$0x7C10];
	[tilespmem:s30+$0xEC00] =	vst v5;
	v7 =	vmul.f32 v7, v36  }
0x3cb: {  	v39 =	vld [tilespmem:$0x1C190];
	[tilespmem:s7+$0xE000] =	vst v4  }
0x3cc: {  	v4 =	vld [tilespmem:$0x1C190];
	[tilespmem:s2+$0xEC00] =	vst v7  }
0x3cd: {  	v7 =	vld [tilespmem:$0x1C190]  }
0x3ce: {  	v6 =	vmul.f32 v6, v0;
	v40 =	vld [tilespmem:s6+$0x0]  }
0x3cf: {  	v41 =	vld [tilespmem:s2+$0xC10]  }
0x3d0: {  	v6 =	vmul.f32 v6, v37;
	v8 =	vmul.f32 v39, v1  }
0x3d1: {  	v4 =	vmul.f32 v4, v2  }
0x3d2: {  	v43 =	vld [tilespmem:s30+$0xC20];
	[tilespmem:s31+$0xE010] =	vst v6;
	v5 =	vmul.f32 v8, v38;
	v7 =	vmul.f32 v7, v62  }
0x3d3: {  	v6 =	vld [tilespmem:$0x1C1A0];
	v4 =	vmul.f32 v4, v40  }
0x3d4: {  	v42 =	vld [tilespmem:s29+$0x7C20];
	[tilespmem:s30+$0xEC10] =	vst v5;
	v7 =	vmul.f32 v7, v41  }
0x3d5: {  	v44 =	vld [tilespmem:$0x1C1A0];
	[tilespmem:s6+$0xE000] =	vst v4  }
0x3d6: {  	v4 =	vld [tilespmem:$0x1C1A0];
	[tilespmem:s2+$0xEC10] =	vst v7  }
0x3d7: {  	v7 =	vld [tilespmem:$0x1C1A0]  }
0x3d8: {  	v6 =	vmul.f32 v6, v0;
	v45 =	vld [tilespmem:s5+$0x0]  }
0x3d9: {  	v46 =	vld [tilespmem:s2+$0xC20]  }
0x3da: {  	v6 =	vmul.f32 v6, v42;
	v9 =	vmul.f32 v44, v1  }
0x3db: {  	v4 =	vmul.f32 v4, v2  }
0x3dc: {  	v48 =	vld [tilespmem:s30+$0xC30];
	[tilespmem:s31+$0xE020] =	vst v6;
	v5 =	vmul.f32 v9, v43;
	v7 =	vmul.f32 v7, v62  }
0x3dd: {  	v6 =	vld [tilespmem:$0x1C1B0];
	v4 =	vmul.f32 v4, v45  }
0x3de: {  	v47 =	vld [tilespmem:s29+$0x7C30];
	[tilespmem:s30+$0xEC20] =	vst v5;
	v7 =	vmul.f32 v7, v46  }
0x3df: {  	v49 =	vld [tilespmem:$0x1C1B0];
	[tilespmem:s5+$0xE000] =	vst v4  }
0x3e0: {  	v4 =	vld [tilespmem:$0x1C1B0];
	[tilespmem:s2+$0xEC20] =	vst v7  }
0x3e1: {  	v7 =	vld [tilespmem:$0x1C1B0]  }
0x3e2: {  	v6 =	vmul.f32 v6, v0;
	v50 =	vld [tilespmem:s4+$0x0]  }
0x3e3: {  	v51 =	vld [tilespmem:s2+$0xC30]  }
0x3e4: {  	v6 =	vmul.f32 v6, v47;
	v8 =	vmul.f32 v49, v1  }
0x3e5: {  	v4 =	vmul.f32 v4, v2  }
0x3e6: {  	v53 =	vld [tilespmem:s30+$0xC40];
	[tilespmem:s31+$0xE030] =	vst v6;
	v5 =	vmul.f32 v8, v48;
	v7 =	vmul.f32 v7, v62  }
0x3e7: {  	v6 =	vld [tilespmem:$0x1C1C0];
	v4 =	vmul.f32 v4, v50  }
0x3e8: {  	v52 =	vld [tilespmem:s29+$0x7C40];
	[tilespmem:s30+$0xEC30] =	vst v5;
	v7 =	vmul.f32 v7, v51  }
0x3e9: {  	v54 =	vld [tilespmem:$0x1C1C0];
	[tilespmem:s4+$0xE000] =	vst v4  }
0x3ea: {  	v4 =	vld [tilespmem:$0x1C1C0];
	[tilespmem:s2+$0xEC30] =	vst v7  }
0x3eb: {  	v7 =	vld [tilespmem:$0x1C1C0]  }
0x3ec: {  	v6 =	vmul.f32 v6, v0;
	v55 =	vld [tilespmem:s3+$0x0]  }
0x3ed: {  	v56 =	vld [tilespmem:s2+$0xC40]  }
0x3ee: {  	v6 =	vmul.f32 v6, v52;
	v9 =	vmul.f32 v54, v1  }
0x3ef: {  	v4 =	vmul.f32 v4, v2  }
0x3f0: {  	v58 =	vld [tilespmem:s30+$0xC50];
	[tilespmem:s31+$0xE040] =	vst v6;
	v5 =	vmul.f32 v9, v53;
	v7 =	vmul.f32 v7, v62  }
0x3f1: {  	v6 =	vld [tilespmem:s29+$0x7C50];
	v4 =	vmul.f32 v4, v55  }
0x3f2: {  	v57 =	vld [tilespmem:$0x1C1D0];
	[tilespmem:s30+$0xEC40] =	vst v5;
	v7 =	vmul.f32 v7, v56  }
0x3f3: {  	v59 =	vld [tilespmem:$0x1C1D0];
	[tilespmem:s3+$0xE000] =	vst v4  }
0x3f4: {  	v4 =	vld [tilespmem:$0x1C1D0];
	[tilespmem:s2+$0xEC40] =	vst v7  }
0x3f5: {  	v7 =	vld [tilespmem:$0x1C1D0]  }
0x3f6: {  	v60 =	vld [tilespmem:s1+$0x0]  }
0x3f7: {  	v61 =	vld [tilespmem:s2+$0xC50];
	v0 =	vmul.f32 v57, v0  }
0x3f8: {  	s24 =	sadd.s32 $0x4, s24;
	v1 =	vmul.f32 v59, v1  }
0x3f9: {  	p0 =	slt.u32 s24, $0x34;
	v0 =	vmul.f32 v0, v6;
	v2 =	vmul.f32 v4, v2  }
.Ltmp4:
0x3fa: {  	v1 =	vmul.f32 v1, v58;
	v3 =	vmul.f32 v7, v62;
	(pc) =	sbr.rel @p0 .LBB2_9-.Ltmp4, $4  }
0x3fb: {  	[tilespmem:s31+$0xE050] =	vst v0;
	v62 =	vmul.f32 v2, v60  }
0x3fc: {  	[tilespmem:s30+$0xEC50] =	vst v1;
	v63 =	vmul.f32 v3, v61  }
0x3fd: {  	[tilespmem:s1+$0xE000] =	vst v62  }
0x3fe: {  	s25 =	sadd.s32 $0x200, s25;
	s26 =	sadd.s32 $0x2, s26;
	s28 =	sadd.s32 $0x800, s28;
	[tilespmem:s2+$0xEC50] =	vst v63  }
0x3ff: {  	s20 =	sadd.s32 $0x1, s20  }
0x400: {  	p0 =	sne.s32 s20, $0xE  }
.Ltmp5:
0x401: {  	_ = 	snop;
	(pc) =	sbr.rel @p0 .LBB2_2-.Ltmp5, $4  }
0x402: {  	_ = 	snop  }
0x403: {  	s0 =	rddreg [dreg:$0xc]  }
0x404: {  	s1 =	simm.s32 $0x15000;
	s0 =	sadd.s32 s19, s0  }
0x405: {  	[hbm4b:s0+s18] =	stream.linear.scatter [tilespmem:s1], [sflag:$0x4], $0x7000, $0x38;
	[tilespmem:$0x1C400] =	vst v63  }
0x406: {  	s0 =	simm.s32 $0x3  }
0x407: {  	_ =	swait.ge [sflag:s0], $0x7000  }
0x408: {  	[sflag:s0] =	ssyncset.done $0x0  }
0x409: {  	s1 =	simm.s32 $0x4;
	[sflag:s0] =	ssyncadd.s32 $0xFFFF9000  }
0x40a: {  	_ =	swait.ge [sflag:s1], $0x7000  }
0x40b: {  	s2 =	rddreg [dreg:$0xa]  }
0x40c: {  	s31 =	rddreg [dreg:$0x9];
	s2 =	sadd.s32 $0x1, s2  }
0x40d: {  	p0 =	sne.s32 s2, s31  }
.Ltmp6:
0x40e: {  	_ = 	snop;
	(pc) =	sbr.rel @p0 .LBB2_1-.Ltmp6, $3  }
0x40f: {  	_ =	sdelay $0x1  }
0x410: {  	[sflag:s1] =	ssyncset.done $0x0  }
0x411: {  	[sflag:s1] =	ssyncadd.s32 $0xFFFF9000  }
0x412: {  	_ =	sfence.sel $0x180000  }
0x413: {  	[bflag:$0x0] =	sbarrier.arrive $0xFFFF  }
0x414: {  	_ =	strace $0x90000047  }
0x415: {  	s0 =	stileid.u32;
	[bflag:$0x2] =	sbarrier.arrive $0xFFFF  }
0x416: {  	p0 =	sne.s32 s0, $0x0;
	s0 =	rddreg [dreg:$0x2]  }
0x417: {  	s0 =	sadd.s32 @!p0 $0x100000, s0  }
0x418: {  	[sflag:s0] =	ssyncadd.tile.s32 @!p0 $0x1;
	_ =	shalt  }
.Lfunc_end2:
_tile_overlayer_lowered:
.L_overlay_start_2:
0x419: {  	(tag) =	ssettag $0x2  }
0x41a: {  	s0 =	rddreg [dreg:$0x0];
	s2 =	stileid.u32  }
0x41b: {  	s1 =	rddreg [dreg:$0x1];
	p0 =	sne.s32 s2, $0x0  }
0x41c: {  	s3 =	rddreg [dreg:$0x2];
	[bflag:$0x3] =	sbarrier.arrive $0xFFFF;
	s2 =	simm.s32 @!p0 $0x1C05  }
0x41d: {  	[timem:s3], [sflag:s2] =	dma.local @!p0 [hbm:s0], s1  }
0x41e: {  	s0 =	simm.s32 @!p0 $0x5  }
0x41f: {  	_ =	swait.ge @!p0 [sflag:s0], s1  }
0x420: {  	s1 =	ssub.s32 @!p0 $0x0, s1;
	[sflag:s0] =	ssyncset.done @!p0 $0x0  }
0x421: {  	[sflag:s0] =	ssyncadd.s32 @!p0 s1  }
0x422: {  	[bflag:$0x3] =	sbarrier.arrive $0xFFFF  }
0x423: {  	_ =	shalt  }

</sc_bundles>
